<compile_context>
chip_gen: v7x
topology: tpu7x:2x2x1
jax: 0.10.2.dev20260603
libtpu: 0.0.44.dev20260713+nightly
codegen_flags: <defaults>
</compile_context>

<pallas_src>
import jax
import jax.numpy as jnp
from jax import lax
from jax.experimental import pallas as pl
from jax.experimental.pallas import tpu as pltpu
from jax.experimental.pallas import tpu_sc as plsc

_B, _N, _C, _H, _W = 4, 4096, 256, 176, 176
_HW = _H * _W
_NWORKERS = 32
_PPW = _B * _N // _NWORKERS
_PC = 32
_NCH = _PPW // _PC
_ROWS = 4 * _PC
_LANES = 16
_SCALE = 2.5
_YOFF = 40.0


def _sc_body(bev_hbm, kp_hbm, out_hbm,
             rv0, rv1, ob0, ob1, idx_all, wbuf, kx_v, ky_v,
             semG0, semG1, semO0, semO1):
    wid = lax.axis_index("s") * 2 + lax.axis_index("c")
    b = wid // (_NWORKERS // _B)
    n0 = wid * _PPW
    nb0 = (wid % (_NWORKERS // _B)) * _PPW
    cell0 = b * _HW

    pltpu.sync_copy(kp_hbm.at[0, b, pl.ds(nb0, _PPW)], kx_v)
    pltpu.sync_copy(kp_hbm.at[1, b, pl.ds(nb0, _PPW)], ky_v)

    iota4 = lax.iota(jnp.int32, _LANES) * 4

    @plsc.parallel_loop(0, _PPW // _LANES, unroll=2)
    def _pre(i):
        s = pl.ds(i * _LANES, _LANES)
        x = kx_v[s] * _SCALE
        y = (ky_v[s] + _YOFF) * _SCALE
        x0 = jnp.maximum(x.astype(jnp.int32), 0)
        y0 = jnp.maximum(y.astype(jnp.int32), 0)
        x0c = jnp.minimum(x0, _W - 1)
        x1c = jnp.minimum(x0 + 1, _W - 1)
        y0c = jnp.minimum(y0, _H - 1)
        y1c = jnp.minimum(y0 + 1, _H - 1)
        xf0 = x0c.astype(jnp.float32)
        xf1 = x1c.astype(jnp.float32)
        yf0 = y0c.astype(jnp.float32)
        yf1 = y1c.astype(jnp.float32)
        widx = iota4 + i * (_LANES * 4)
        plsc.store_scatter(wbuf, [widx], (xf1 - x) * (yf1 - y))
        plsc.store_scatter(wbuf, [widx + 1], (xf1 - x) * (y - yf0))
        plsc.store_scatter(wbuf, [widx + 2], (x - xf0) * (yf1 - y))
        plsc.store_scatter(wbuf, [widx + 3], (x - xf0) * (y - yf0))
        j = i // 2
        col = (i % 2) * _LANES
        r0 = cell0 + y0c * _W
        r1 = cell0 + y1c * _W
        idx_all[j, pl.ds(0 * _PC + col, _LANES)] = r0 + x0c
        idx_all[j, pl.ds(1 * _PC + col, _LANES)] = r1 + x0c
        idx_all[j, pl.ds(2 * _PC + col, _LANES)] = r0 + x1c
        idx_all[j, pl.ds(3 * _PC + col, _LANES)] = r1 + x1c

    def _compute(rv, ob, a):
        @plsc.parallel_loop(0, _PC, unroll=1)
        def _pt(p):
            pg = a * _PC + p
            w4 = wbuf[pl.ds(pg * 4, _LANES)]
            w0 = w4[0]
            w1 = w4[1]
            w2 = w4[2]
            w3 = w4[3]
            for ch in range(_C // _LANES):
                s = pl.ds(ch * _LANES, _LANES)
                acc = rv[0 * _PC + p, s] * w0
                acc = acc + rv[1 * _PC + p, s] * w1
                acc = acc + rv[2 * _PC + p, s] * w2
                acc = acc + rv[3 * _PC + p, s] * w3
                ob[p, s] = acc

    pltpu.async_copy(bev_hbm.at[idx_all.at[0]], rv0, semG0)
    pltpu.async_copy(bev_hbm.at[idx_all.at[1]], rv1, semG1)

    def pair(m, carry):
        a = 2 * m

        @pl.when(m >= 1)
        def _():
            pltpu.make_async_copy(ob0, out_hbm.at[pl.ds(n0 + (a - 2) * _PC, _PC)], semO0).wait()
        pltpu.make_async_copy(bev_hbm.at[idx_all.at[a]], rv0, semG0).wait()
        _compute(rv0, ob0, a)
        pltpu.async_copy(ob0, out_hbm.at[pl.ds(n0 + a * _PC, _PC)], semO0)

        @pl.when(m < _NCH // 2 - 1)
        def _():
            pltpu.async_copy(bev_hbm.at[idx_all.at[a + 2]], rv0, semG0)

        @pl.when(m >= 1)
        def _():
            pltpu.make_async_copy(ob1, out_hbm.at[pl.ds(n0 + (a - 1) * _PC, _PC)], semO1).wait()
        pltpu.make_async_copy(bev_hbm.at[idx_all.at[a + 1]], rv1, semG1).wait()
        _compute(rv1, ob1, a + 1)
        pltpu.async_copy(ob1, out_hbm.at[pl.ds(n0 + (a + 1) * _PC, _PC)], semO1)

        @pl.when(m < _NCH // 2 - 1)
        def _():
            pltpu.async_copy(bev_hbm.at[idx_all.at[a + 3]], rv1, semG1)

        return carry

    lax.fori_loop(0, _NCH // 2, pair, 0)

    pltpu.make_async_copy(ob0, out_hbm.at[pl.ds(n0 + (_NCH - 2) * _PC, _PC)], semO0).wait()
    pltpu.make_async_copy(ob1, out_hbm.at[pl.ds(n0 + (_NCH - 1) * _PC, _PC)], semO1).wait()


def kernel(keypoints, bev_features, bev_stride):
    bev_rows = jnp.transpose(bev_features, (0, 2, 3, 1)).reshape(_B * _HW, _C)
    kp3 = jnp.transpose(keypoints, (2, 0, 1))
    mesh = plsc.VectorSubcoreMesh(core_axis_name="c", subcore_axis_name="s")
    k = pl.kernel(
        _sc_body,
        mesh=mesh,
        out_type=jax.ShapeDtypeStruct((_B * _N, _C), jnp.float32),
        compiler_params=pltpu.CompilerParams(needs_layout_passes=False),
        scratch_types=[
            pltpu.VMEM((_ROWS, _C), jnp.float32),
            pltpu.VMEM((_ROWS, _C), jnp.float32),
            pltpu.VMEM((_PC, _C), jnp.float32),
            pltpu.VMEM((_PC, _C), jnp.float32),
            pltpu.VMEM((_NCH, _ROWS), jnp.int32),
            pltpu.VMEM((4 * _PPW + _LANES,), jnp.float32),
            pltpu.VMEM((_PPW,), jnp.float32),
            pltpu.VMEM((_PPW,), jnp.float32),
            pltpu.SemaphoreType.DMA,
            pltpu.SemaphoreType.DMA,
            pltpu.SemaphoreType.DMA,
            pltpu.SemaphoreType.DMA,
        ],
    )
    out2d = k(bev_rows, kp3)
    return out2d.reshape(_B, _N, _C)

# --- scband reference (transcript-rebuilt; emitter-appended) ---
"""Pipeline reference for scband-roiset-abstraction-30253749633643 (READ-ONLY COPY).

The authoritative reference and input builder live on the scoring server;
editing this copy changes nothing except your own understanding.
"""

import jax, jax.numpy as jnp
import numpy as np

PC_RANGE = (0.0, -40.0)
VOXEL = (0.05, 0.05)


def setup_inputs(seed: int = 0) -> dict:
    key = jax.random.key(seed)
    k1, k2 = jax.random.split(key)
    B, N, C, H, W = 4, 4096, 256, 176, 176
    u = jax.random.uniform(k1, (B, N, 3), dtype=jnp.float32)
    # scale raw uniforms into the KITTI point-cloud range [0,70.4] x [-40,40] x [-3,1]
    x = u[..., 0] * 70.4
    y = u[..., 1] * 80.0 - 40.0
    z = u[..., 2] * 4.0 - 3.0
    keypoints = jnp.stack([x, y, z], axis=-1)
    bev_features = jax.random.normal(k2, (B, C, H, W), dtype=jnp.float32)
    return {"keypoints": keypoints, "bev_features": bev_features, "bev_stride": 8}


def bilinear_interpolate(im, x, y):
    # im: (H, W, C); x, y: (N,)
    x0 = jnp.floor(x).astype(jnp.int32)
    x1 = x0 + 1
    y0 = jnp.floor(y).astype(jnp.int32)
    y1 = y0 + 1
    x0 = jnp.clip(x0, 0, im.shape[1] - 1)
    x1 = jnp.clip(x1, 0, im.shape[1] - 1)
    y0 = jnp.clip(y0, 0, im.shape[0] - 1)
    y1 = jnp.clip(y1, 0, im.shape[0] - 1)
    Ia = im[y0, x0]  # (N, C) gather
    Ib = im[y1, x0]
    Ic = im[y0, x1]
    Id = im[y1, x1]
    xf0 = x0.astype(x.dtype)
    xf1 = x1.astype(x.dtype)
    yf0 = y0.astype(y.dtype)
    yf1 = y1.astype(y.dtype)
    wa = (xf1 - x) * (yf1 - y)
    wb = (xf1 - x) * (y - yf0)
    wc = (x - xf0) * (yf1 - y)
    wd = (x - xf0) * (y - yf0)
    ans = Ia * wa[:, None] + Ib * wb[:, None] + Ic * wc[:, None] + Id * wd[:, None]
    return ans


def reference(keypoints, bev_features, bev_stride):
    # interpolate_from_bev_features: per-keypoint bilinear gather from BEV grid
    x_idxs = (keypoints[:, :, 0] - PC_RANGE[0]) / VOXEL[0]
    y_idxs = (keypoints[:, :, 1] - PC_RANGE[1]) / VOXEL[1]
    x_idxs = x_idxs / bev_stride
    y_idxs = y_idxs / bev_stride
    ims = jnp.transpose(bev_features, (0, 2, 3, 1))  # (B, H, W, C)
    point_bev_features = jax.vmap(bilinear_interpolate)(ims, x_idxs, y_idxs)
    return point_bev_features  # (B, N, C)

if __name__ == "__main__":
    import jax
    _d = setup_inputs()
    print(jax.jit(kernel)(*tuple(_d.values())))

</pallas_src>

<mosaic_0001>
#map = affine_map<(d0, d1) -> (0, 0)>
#map1 = affine_map<(d0, d1) -> (0, 0, 0)>
module attributes {stable_mosaic.version = 14 : i64} {
  func.func @_sc_body(%arg0: i32, %arg1: i32, %arg2: memref<123904x256xf32, #tpu.memory_space<hbm>>, %arg3: memref<3x4x4096xf32, #tpu.memory_space<hbm>>, %arg4: memref<16384x256xf32, #tpu.memory_space<hbm>>, %arg5: memref<128x256xf32, #tpu.memory_space<vmem>>, %arg6: memref<128x256xf32, #tpu.memory_space<vmem>>, %arg7: memref<32x256xf32, #tpu.memory_space<vmem>>, %arg8: memref<32x256xf32, #tpu.memory_space<vmem>>, %arg9: memref<16x128xi32, #tpu.memory_space<vmem>>, %arg10: memref<2064xf32, #tpu.memory_space<vmem>>, %arg11: memref<512xf32, #tpu.memory_space<vmem>>, %arg12: memref<512xf32, #tpu.memory_space<vmem>>, %arg13: memref<!tpu.dma_semaphore, #tpu.memory_space<semaphore_mem>>, %arg14: memref<!tpu.dma_semaphore, #tpu.memory_space<semaphore_mem>>, %arg15: memref<!tpu.dma_semaphore, #tpu.memory_space<semaphore_mem>>, %arg16: memref<!tpu.dma_semaphore, #tpu.memory_space<semaphore_mem>>) attributes {dimension_semantics = [#tpu.dimension_semantics<core_parallel>, #tpu.dimension_semantics<subcore_parallel>], iteration_bounds = array<i64: 2, 16>, scalar_prefetch = 0 : i64, scratch_operands = 12 : i64, tpu.core_type = #tpu.core_type<sc_vector_subcore>, window_params = [{transform_indices = #map}, {transform_indices = #map1}, {transform_indices = #map}]} {
    %mul3A = arith.constant 2 : i32
    %mul3A_0 = arith.muli %arg1, %mul3A : i32
    %add3A = arith.addi %mul3A_0, %arg0 : i32
    %jit3A = arith.constant 8 : i32
    %div3A = arith.divsi %add3A, %jit3A : i32
    %sign3A = arith.constant 0 : i32
    %sign3A_1 = arith.cmpi sgt, %add3A, %sign3A : i32
    %sign3A_2 = arith.extui %sign3A_1 : i1 to i32
    %sign3A_3 = arith.constant 0 : i32
    %sign3A_4 = arith.cmpi slt, %add3A, %sign3A_3 : i32
    %sign3A_5 = arith.extui %sign3A_4 : i1 to i32
    %sign3A_6 = arith.subi %sign3A_2, %sign3A_5 : i32
    %sign3A_7 = arith.constant 0 : i32
    %sign3A_8 = arith.cmpi sgt, %jit3A, %sign3A_7 : i32
    %sign3A_9 = arith.extui %sign3A_8 : i1 to i32
    %sign3A_10 = arith.constant 0 : i32
    %sign3A_11 = arith.cmpi slt, %jit3A, %sign3A_10 : i32
    %sign3A_12 = arith.extui %sign3A_11 : i1 to i32
    %sign3A_13 = arith.subi %sign3A_9, %sign3A_12 : i32
    %ne3A = arith.cmpi ne, %sign3A_6, %sign3A_13 : i32
    %rem3A = arith.remsi %add3A, %jit3A : i32
    %ne3A_14 = arith.constant 0 : i32
    %ne3A_15 = arith.cmpi ne, %rem3A, %ne3A_14 : i32
    %and3A = arith.andi %ne3A, %ne3A_15 : i1
    %sub3A = arith.constant 1 : i32
    %sub3A_16 = arith.subi %div3A, %sub3A : i32
    %select_n3A = arith.select %and3A, %sub3A_16, %div3A : i32
    %mul3A_17 = arith.constant 512 : i32
    %mul3A_18 = arith.muli %add3A, %mul3A_17 : i32
    %jit3A_19 = arith.constant 8 : i32
    %eq3A = arith.constant 0 : i32
    %eq3A_20 = arith.cmpi eq, %jit3A_19, %eq3A : i32
    %jit3A_21 = arith.constant 1 : i32
    %select_n3A_22 = arith.select %eq3A_20, %jit3A_21, %jit3A_19 : i32
    %rem3A_23 = arith.remsi %add3A, %select_n3A_22 : i32
    %ne3A_24 = arith.constant 0 : i32
    %ne3A_25 = arith.cmpi ne, %rem3A_23, %ne3A_24 : i32
    %lt3A = arith.constant 0 : i32
    %lt3A_26 = arith.cmpi slt, %rem3A_23, %lt3A : i32
    %lt3A_27 = arith.constant 0 : i32
    %lt3A_28 = arith.cmpi slt, %select_n3A_22, %lt3A_27 : i32
    %ne3A_29 = arith.xori %lt3A_26, %lt3A_28 : i1
    %and3A_30 = arith.andi %ne3A_29, %ne3A_25 : i1
    %add3A_31 = arith.addi %rem3A_23, %select_n3A_22 : i32
    %select_n3A_32 = arith.select %and3A_30, %add3A_31, %rem3A_23 : i32
    %mul3A_33 = arith.constant 512 : i32
    %mul3A_34 = arith.muli %select_n3A_32, %mul3A_33 : i32
    %mul3A_35 = arith.constant 30976 : i32
    %mul3A_36 = arith.muli %select_n3A, %mul3A_35 : i32
    %run_scoped3A = arith.constant 0 : i32
    "tpu.region"() ({
      %run_scoped3A_72 = tpu.sem_alloc : memref<!tpu.dma_semaphore, #tpu.memory_space<semaphore_mem>>
      %dma_start3A_73 = tpu.memref_slice %arg3[%run_scoped3A, %select_n3A, %mul3A_34] : memref<3x4x4096xf32, #tpu.memory_space<hbm>> -> memref<1x1x512xf32, #tpu.memory_space<hbm>>
      %dma_start3A_74 = tpu.memref_squeeze %dma_start3A_73 : memref<1x1x512xf32, #tpu.memory_space<hbm>> -> memref<512xf32, #tpu.memory_space<hbm>>
      %dma_start3A_75 = tpu.memref_slice %arg3[%run_scoped3A, %select_n3A, %mul3A_34] : memref<3x4x4096xf32, #tpu.memory_space<hbm>> -> memref<1x1x512xf32, #tpu.memory_space<hbm>>
      %dma_start3A_76 = tpu.memref_squeeze %dma_start3A_75 : memref<1x1x512xf32, #tpu.memory_space<hbm>> -> memref<512xf32, #tpu.memory_space<hbm>>
      tpu.enqueue_dma source(%dma_start3A_76 : memref<512xf32, #tpu.memory_space<hbm>>) target(%arg11 : memref<512xf32, #tpu.memory_space<vmem>>) target_semaphore(%run_scoped3A_72 : memref<!tpu.dma_semaphore, #tpu.memory_space<semaphore_mem>>)
      %dma_wait3A_77 = tpu.memref_slice %arg3[%run_scoped3A, %select_n3A, %mul3A_34] : memref<3x4x4096xf32, #tpu.memory_space<hbm>> -> memref<1x1x512xf32, #tpu.memory_space<hbm>>
      %dma_wait3A_78 = tpu.memref_squeeze %dma_wait3A_77 : memref<1x1x512xf32, #tpu.memory_space<hbm>> -> memref<512xf32, #tpu.memory_space<hbm>>
      %dma_wait3A_79 = tpu.memref_slice %arg3[%run_scoped3A, %select_n3A, %mul3A_34] : memref<3x4x4096xf32, #tpu.memory_space<hbm>> -> memref<1x1x512xf32, #tpu.memory_space<hbm>>
      %dma_wait3A_80 = tpu.memref_squeeze %dma_wait3A_79 : memref<1x1x512xf32, #tpu.memory_space<hbm>> -> memref<512xf32, #tpu.memory_space<hbm>>
      tpu.wait_dma2 semaphore(%run_scoped3A_72 : memref<!tpu.dma_semaphore, #tpu.memory_space<semaphore_mem>>) src(%dma_wait3A_80 : memref<512xf32, #tpu.memory_space<hbm>>) dst(%arg11 : memref<512xf32, #tpu.memory_space<vmem>>)
      tpu.yield
    }) : () -> ()
    %run_scoped3A_37 = arith.constant 1 : i32
    "tpu.region"() ({
      %run_scoped3A_72 = tpu.sem_alloc : memref<!tpu.dma_semaphore, #tpu.memory_space<semaphore_mem>>
      %dma_start3A_73 = tpu.memref_slice %arg3[%run_scoped3A_37, %select_n3A, %mul3A_34] : memref<3x4x4096xf32, #tpu.memory_space<hbm>> -> memref<1x1x512xf32, #tpu.memory_space<hbm>>
      %dma_start3A_74 = tpu.memref_squeeze %dma_start3A_73 : memref<1x1x512xf32, #tpu.memory_space<hbm>> -> memref<512xf32, #tpu.memory_space<hbm>>
      %dma_start3A_75 = tpu.memref_slice %arg3[%run_scoped3A_37, %select_n3A, %mul3A_34] : memref<3x4x4096xf32, #tpu.memory_space<hbm>> -> memref<1x1x512xf32, #tpu.memory_space<hbm>>
      %dma_start3A_76 = tpu.memref_squeeze %dma_start3A_75 : memref<1x1x512xf32, #tpu.memory_space<hbm>> -> memref<512xf32, #tpu.memory_space<hbm>>
      tpu.enqueue_dma source(%dma_start3A_76 : memref<512xf32, #tpu.memory_space<hbm>>) target(%arg12 : memref<512xf32, #tpu.memory_space<vmem>>) target_semaphore(%run_scoped3A_72 : memref<!tpu.dma_semaphore, #tpu.memory_space<semaphore_mem>>)
      %dma_wait3A_77 = tpu.memref_slice %arg3[%run_scoped3A_37, %select_n3A, %mul3A_34] : memref<3x4x4096xf32, #tpu.memory_space<hbm>> -> memref<1x1x512xf32, #tpu.memory_space<hbm>>
      %dma_wait3A_78 = tpu.memref_squeeze %dma_wait3A_77 : memref<1x1x512xf32, #tpu.memory_space<hbm>> -> memref<512xf32, #tpu.memory_space<hbm>>
      %dma_wait3A_79 = tpu.memref_slice %arg3[%run_scoped3A_37, %select_n3A, %mul3A_34] : memref<3x4x4096xf32, #tpu.memory_space<hbm>> -> memref<1x1x512xf32, #tpu.memory_space<hbm>>
      %dma_wait3A_80 = tpu.memref_squeeze %dma_wait3A_79 : memref<1x1x512xf32, #tpu.memory_space<hbm>> -> memref<512xf32, #tpu.memory_space<hbm>>
      tpu.wait_dma2 semaphore(%run_scoped3A_72 : memref<!tpu.dma_semaphore, #tpu.memory_space<semaphore_mem>>) src(%dma_wait3A_80 : memref<512xf32, #tpu.memory_space<hbm>>) dst(%arg12 : memref<512xf32, #tpu.memory_space<vmem>>)
      tpu.yield
    }) : () -> ()
    %iota3A = tpu.iota {dimensions = array<i32: 0>} : vector<16xi32>
    %mul3A_38 = arith.constant 4 : i32
    %mul3A_39 = vector.broadcast %mul3A_38 : i32 to vector<16xi32>
    %mul3A_40 = arith.muli %iota3A, %mul3A_39 : vector<16xi32>
    %parallel_loop3A = arith.constant 0 : i32
    %parallel_loop3A_41 = arith.constant 32 : i32
    %parallel_loop3A_42 = arith.constant 1 : i32
    scf.for %parallel_loop3A_72 = %parallel_loop3A to %parallel_loop3A_41 step %parallel_loop3A_42  : i32 {
      %parallel_loop3A_73 = arith.constant 16 : i32
      %parallel_loop3A_74 = arith.muli %parallel_loop3A_72, %parallel_loop3A_73 : i32
      %parallel_loop3A_75 = arith.index_cast %parallel_loop3A_74 : i32 to index
      %parallel_loop3A_76 = tpu.vector_load %arg11[%parallel_loop3A_75] {strides = array<i32>} : memref<512xf32, #tpu.memory_space<vmem>>, vector<16xf32>,
      %parallel_loop3A_77 = arith.constant 2.500000e+00 : f32
      %parallel_loop3A_78 = vector.broadcast %parallel_loop3A_77 : f32 to vector<16xf32>
      %parallel_loop3A_79 = arith.mulf %parallel_loop3A_76, %parallel_loop3A_78 : vector<16xf32>
      %parallel_loop3A_80 = arith.index_cast %parallel_loop3A_74 : i32 to index
      %parallel_loop3A_81 = tpu.vector_load %arg12[%parallel_loop3A_80] {strides = array<i32>} : memref<512xf32, #tpu.memory_space<vmem>>, vector<16xf32>,
      %parallel_loop3A_82 = arith.constant 4.000000e+01 : f32
      %parallel_loop3A_83 = vector.broadcast %parallel_loop3A_82 : f32 to vector<16xf32>
      %parallel_loop3A_84 = arith.addf %parallel_loop3A_81, %parallel_loop3A_83 : vector<16xf32>
      %parallel_loop3A_85 = arith.constant 2.500000e+00 : f32
      %parallel_loop3A_86 = vector.broadcast %parallel_loop3A_85 : f32 to vector<16xf32>
      %parallel_loop3A_87 = arith.mulf %parallel_loop3A_84, %parallel_loop3A_86 : vector<16xf32>
      %parallel_loop3A_88 = arith.fptosi %parallel_loop3A_79 : vector<16xf32> to vector<16xi32>
      %parallel_loop3A_89 = arith.constant 0 : i32
      %parallel_loop3A_90 = vector.broadcast %parallel_loop3A_89 : i32 to vector<16xi32>
      %parallel_loop3A_91 = arith.maxsi %parallel_loop3A_88, %parallel_loop3A_90 : vector<16xi32>
      %parallel_loop3A_92 = arith.fptosi %parallel_loop3A_87 : vector<16xf32> to vector<16xi32>
      %parallel_loop3A_93 = arith.constant 0 : i32
      %parallel_loop3A_94 = vector.broadcast %parallel_loop3A_93 : i32 to vector<16xi32>
      %parallel_loop3A_95 = arith.maxsi %parallel_loop3A_92, %parallel_loop3A_94 : vector<16xi32>
      %parallel_loop3A_96 = arith.constant 175 : i32
      %parallel_loop3A_97 = vector.broadcast %parallel_loop3A_96 : i32 to vector<16xi32>
      %parallel_loop3A_98 = arith.minsi %parallel_loop3A_91, %parallel_loop3A_97 : vector<16xi32>
      %parallel_loop3A_99 = arith.constant 1 : i32
      %parallel_loop3A_100 = vector.broadcast %parallel_loop3A_99 : i32 to vector<16xi32>
      %parallel_loop3A_101 = arith.addi %parallel_loop3A_91, %parallel_loop3A_100 : vector<16xi32>
      %parallel_loop3A_102 = arith.constant 175 : i32
      %parallel_loop3A_103 = vector.broadcast %parallel_loop3A_102 : i32 to vector<16xi32>
      %parallel_loop3A_104 = arith.minsi %parallel_loop3A_101, %parallel_loop3A_103 : vector<16xi32>
      %parallel_loop3A_105 = arith.constant 175 : i32
      %parallel_loop3A_106 = vector.broadcast %parallel_loop3A_105 : i32 to vector<16xi32>
      %parallel_loop3A_107 = arith.minsi %parallel_loop3A_95, %parallel_loop3A_106 : vector<16xi32>
      %parallel_loop3A_108 = arith.constant 1 : i32
      %parallel_loop3A_109 = vector.broadcast %parallel_loop3A_108 : i32 to vector<16xi32>
      %parallel_loop3A_110 = arith.addi %parallel_loop3A_95, %parallel_loop3A_109 : vector<16xi32>
      %parallel_loop3A_111 = arith.constant 175 : i32
      %parallel_loop3A_112 = vector.broadcast %parallel_loop3A_111 : i32 to vector<16xi32>
      %parallel_loop3A_113 = arith.minsi %parallel_loop3A_110, %parallel_loop3A_112 : vector<16xi32>
      %parallel_loop3A_114 = arith.sitofp %parallel_loop3A_98 : vector<16xi32> to vector<16xf32>
      %parallel_loop3A_115 = arith.sitofp %parallel_loop3A_104 : vector<16xi32> to vector<16xf32>
      %parallel_loop3A_116 = arith.sitofp %parallel_loop3A_107 : vector<16xi32> to vector<16xf32>
      %parallel_loop3A_117 = arith.sitofp %parallel_loop3A_113 : vector<16xi32> to vector<16xf32>
      %parallel_loop3A_118 = arith.constant 64 : i32
      %parallel_loop3A_119 = arith.muli %parallel_loop3A_72, %parallel_loop3A_118 : i32
      %parallel_loop3A_120 = vector.broadcast %parallel_loop3A_119 : i32 to vector<16xi32>
      %parallel_loop3A_121 = arith.addi %mul3A_40, %parallel_loop3A_120 : vector<16xi32>
      %parallel_loop3A_122 = arith.subf %parallel_loop3A_115, %parallel_loop3A_79 : vector<16xf32>
      %parallel_loop3A_123 = arith.subf %parallel_loop3A_117, %parallel_loop3A_87 : vector<16xf32>
      %parallel_loop3A_124 = arith.mulf %parallel_loop3A_122, %parallel_loop3A_123 : vector<16xf32>
      tpu.vector_store_idx %arg10[%parallel_loop3A_121], %parallel_loop3A_124 : memref<2064xf32, #tpu.memory_space<vmem>>[vector<16xi32>], vector<16xf32>,
      %parallel_loop3A_125 = arith.constant 1 : i32
      %parallel_loop3A_126 = vector.broadcast %parallel_loop3A_125 : i32 to vector<16xi32>
      %parallel_loop3A_127 = arith.addi %parallel_loop3A_121, %parallel_loop3A_126 : vector<16xi32>
      %parallel_loop3A_128 = arith.subf %parallel_loop3A_115, %parallel_loop3A_79 : vector<16xf32>
      %parallel_loop3A_129 = arith.subf %parallel_loop3A_87, %parallel_loop3A_116 : vector<16xf32>
      %parallel_loop3A_130 = arith.mulf %parallel_loop3A_128, %parallel_loop3A_129 : vector<16xf32>
      tpu.vector_store_idx %arg10[%parallel_loop3A_127], %parallel_loop3A_130 : memref<2064xf32, #tpu.memory_space<vmem>>[vector<16xi32>], vector<16xf32>,
      %parallel_loop3A_131 = arith.constant 2 : i32
      %parallel_loop3A_132 = vector.broadcast %parallel_loop3A_131 : i32 to vector<16xi32>
      %parallel_loop3A_133 = arith.addi %parallel_loop3A_121, %parallel_loop3A_132 : vector<16xi32>
      %parallel_loop3A_134 = arith.subf %parallel_loop3A_79, %parallel_loop3A_114 : vector<16xf32>
      %parallel_loop3A_135 = arith.subf %parallel_loop3A_117, %parallel_loop3A_87 : vector<16xf32>
      %parallel_loop3A_136 = arith.mulf %parallel_loop3A_134, %parallel_loop3A_135 : vector<16xf32>
      tpu.vector_store_idx %arg10[%parallel_loop3A_133], %parallel_loop3A_136 : memref<2064xf32, #tpu.memory_space<vmem>>[vector<16xi32>], vector<16xf32>,
      %parallel_loop3A_137 = arith.constant 3 : i32
      %parallel_loop3A_138 = vector.broadcast %parallel_loop3A_137 : i32 to vector<16xi32>
      %parallel_loop3A_139 = arith.addi %parallel_loop3A_121, %parallel_loop3A_138 : vector<16xi32>
      %parallel_loop3A_140 = arith.subf %parallel_loop3A_79, %parallel_loop3A_114 : vector<16xf32>
      %parallel_loop3A_141 = arith.subf %parallel_loop3A_87, %parallel_loop3A_116 : vector<16xf32>
      %parallel_loop3A_142 = arith.mulf %parallel_loop3A_140, %parallel_loop3A_141 : vector<16xf32>
      tpu.vector_store_idx %arg10[%parallel_loop3A_139], %parallel_loop3A_142 : memref<2064xf32, #tpu.memory_space<vmem>>[vector<16xi32>], vector<16xf32>,
      %parallel_loop3A_143 = arith.constant 2 : i32
      %parallel_loop3A_144 = arith.divsi %parallel_loop3A_72, %parallel_loop3A_143 : i32
      %parallel_loop3A_145 = arith.constant 0 : i32
      %parallel_loop3A_146 = arith.cmpi sgt, %parallel_loop3A_72, %parallel_loop3A_145 : i32
      %parallel_loop3A_147 = arith.extui %parallel_loop3A_146 : i1 to i32
      %parallel_loop3A_148 = arith.constant 0 : i32
      %parallel_loop3A_149 = arith.cmpi slt, %parallel_loop3A_72, %parallel_loop3A_148 : i32
      %parallel_loop3A_150 = arith.extui %parallel_loop3A_149 : i1 to i32
      %parallel_loop3A_151 = arith.subi %parallel_loop3A_147, %parallel_loop3A_150 : i32
      %parallel_loop3A_152 = arith.constant 0 : i32
      %parallel_loop3A_153 = arith.cmpi sgt, %parallel_loop3A_143, %parallel_loop3A_152 : i32
      %parallel_loop3A_154 = arith.extui %parallel_loop3A_153 : i1 to i32
      %parallel_loop3A_155 = arith.constant 0 : i32
      %parallel_loop3A_156 = arith.cmpi slt, %parallel_loop3A_143, %parallel_loop3A_155 : i32
      %parallel_loop3A_157 = arith.extui %parallel_loop3A_156 : i1 to i32
      %parallel_loop3A_158 = arith.subi %parallel_loop3A_154, %parallel_loop3A_157 : i32
      %parallel_loop3A_159 = arith.cmpi ne, %parallel_loop3A_151, %parallel_loop3A_158 : i32
      %parallel_loop3A_160 = arith.remsi %parallel_loop3A_72, %parallel_loop3A_143 : i32
      %parallel_loop3A_161 = arith.constant 0 : i32
      %parallel_loop3A_162 = arith.cmpi ne, %parallel_loop3A_160, %parallel_loop3A_161 : i32
      %parallel_loop3A_163 = arith.andi %parallel_loop3A_159, %parallel_loop3A_162 : i1
      %parallel_loop3A_164 = arith.constant 1 : i32
      %parallel_loop3A_165 = arith.subi %parallel_loop3A_144, %parallel_loop3A_164 : i32
      %parallel_loop3A_166 = arith.select %parallel_loop3A_163, %parallel_loop3A_165, %parallel_loop3A_144 : i32
      %parallel_loop3A_167 = arith.constant 2 : i32
      %parallel_loop3A_168 = arith.constant 0 : i32
      %parallel_loop3A_169 = arith.cmpi eq, %parallel_loop3A_167, %parallel_loop3A_168 : i32
      %parallel_loop3A_170 = arith.constant 1 : i32
      %parallel_loop3A_171 = arith.select %parallel_loop3A_169, %parallel_loop3A_170, %parallel_loop3A_167 : i32
      %parallel_loop3A_172 = arith.remsi %parallel_loop3A_72, %parallel_loop3A_171 : i32
      %parallel_loop3A_173 = arith.constant 0 : i32
      %parallel_loop3A_174 = arith.cmpi ne, %parallel_loop3A_172, %parallel_loop3A_173 : i32
      %parallel_loop3A_175 = arith.constant 0 : i32
      %parallel_loop3A_176 = arith.cmpi slt, %parallel_loop3A_172, %parallel_loop3A_175 : i32
      %parallel_loop3A_177 = arith.constant 0 : i32
      %parallel_loop3A_178 = arith.cmpi slt, %parallel_loop3A_171, %parallel_loop3A_177 : i32
      %parallel_loop3A_179 = arith.xori %parallel_loop3A_176, %parallel_loop3A_178 : i1
      %parallel_loop3A_180 = arith.andi %parallel_loop3A_179, %parallel_loop3A_174 : i1
      %parallel_loop3A_181 = arith.addi %parallel_loop3A_172, %parallel_loop3A_171 : i32
      %parallel_loop3A_182 = arith.select %parallel_loop3A_180, %parallel_loop3A_181, %parallel_loop3A_172 : i32
      %parallel_loop3A_183 = arith.constant 16 : i32
      %parallel_loop3A_184 = arith.muli %parallel_loop3A_182, %parallel_loop3A_183 : i32
      %parallel_loop3A_185 = arith.constant 176 : i32
      %parallel_loop3A_186 = vector.broadcast %parallel_loop3A_185 : i32 to vector<16xi32>
      %parallel_loop3A_187 = arith.muli %parallel_loop3A_107, %parallel_loop3A_186 : vector<16xi32>
      %parallel_loop3A_188 = vector.broadcast %mul3A_36 : i32 to vector<16xi32>
      %parallel_loop3A_189 = arith.addi %parallel_loop3A_188, %parallel_loop3A_187 : vector<16xi32>
      %parallel_loop3A_190 = arith.constant 176 : i32
      %parallel_loop3A_191 = vector.broadcast %parallel_loop3A_190 : i32 to vector<16xi32>
      %parallel_loop3A_192 = arith.muli %parallel_loop3A_113, %parallel_loop3A_191 : vector<16xi32>
      %parallel_loop3A_193 = vector.broadcast %mul3A_36 : i32 to vector<16xi32>
      %parallel_loop3A_194 = arith.addi %parallel_loop3A_193, %parallel_loop3A_192 : vector<16xi32>
      %parallel_loop3A_195 = arith.addi %parallel_loop3A_189, %parallel_loop3A_98 : vector<16xi32>
      %parallel_loop3A_196 = arith.constant 0 : i32
      %parallel_loop3A_197 = arith.addi %parallel_loop3A_196, %parallel_loop3A_184 : i32
      %parallel_loop3A_198 = arith.index_cast %parallel_loop3A_166 : i32 to index
      %parallel_loop3A_199 = arith.index_cast %parallel_loop3A_197 : i32 to index
      %parallel_loop3A_200 = tpu.vector_load %arg9[%parallel_loop3A_198, %parallel_loop3A_199] {strides = array<i32>} : memref<16x128xi32, #tpu.memory_space<vmem>>, vector<16xi32>,
      tpu.vector_store %arg9[%parallel_loop3A_198, %parallel_loop3A_199], %parallel_loop3A_195 {strides = array<i32>} : memref<16x128xi32, #tpu.memory_space<vmem>>, vector<16xi32>,
      %parallel_loop3A_201 = arith.addi %parallel_loop3A_194, %parallel_loop3A_98 : vector<16xi32>
      %parallel_loop3A_202 = arith.constant 32 : i32
      %parallel_loop3A_203 = arith.addi %parallel_loop3A_202, %parallel_loop3A_184 : i32
      %parallel_loop3A_204 = arith.index_cast %parallel_loop3A_166 : i32 to index
      %parallel_loop3A_205 = arith.index_cast %parallel_loop3A_203 : i32 to index
      %parallel_loop3A_206 = tpu.vector_load %arg9[%parallel_loop3A_204, %parallel_loop3A_205] {strides = array<i32>} : memref<16x128xi32, #tpu.memory_space<vmem>>, vector<16xi32>,
      tpu.vector_store %arg9[%parallel_loop3A_204, %parallel_loop3A_205], %parallel_loop3A_201 {strides = array<i32>} : memref<16x128xi32, #tpu.memory_space<vmem>>, vector<16xi32>,
      %parallel_loop3A_207 = arith.addi %parallel_loop3A_189, %parallel_loop3A_104 : vector<16xi32>
      %parallel_loop3A_208 = arith.constant 64 : i32
      %parallel_loop3A_209 = arith.addi %parallel_loop3A_208, %parallel_loop3A_184 : i32
      %parallel_loop3A_210 = arith.index_cast %parallel_loop3A_166 : i32 to index
      %parallel_loop3A_211 = arith.index_cast %parallel_loop3A_209 : i32 to index
      %parallel_loop3A_212 = tpu.vector_load %arg9[%parallel_loop3A_210, %parallel_loop3A_211] {strides = array<i32>} : memref<16x128xi32, #tpu.memory_space<vmem>>, vector<16xi32>,
      tpu.vector_store %arg9[%parallel_loop3A_210, %parallel_loop3A_211], %parallel_loop3A_207 {strides = array<i32>} : memref<16x128xi32, #tpu.memory_space<vmem>>, vector<16xi32>,
      %parallel_loop3A_213 = arith.addi %parallel_loop3A_194, %parallel_loop3A_104 : vector<16xi32>
      %parallel_loop3A_214 = arith.constant 96 : i32
      %parallel_loop3A_215 = arith.addi %parallel_loop3A_214, %parallel_loop3A_184 : i32
      %parallel_loop3A_216 = arith.index_cast %parallel_loop3A_166 : i32 to index
      %parallel_loop3A_217 = arith.index_cast %parallel_loop3A_215 : i32 to index
      %parallel_loop3A_218 = tpu.vector_load %arg9[%parallel_loop3A_216, %parallel_loop3A_217] {strides = array<i32>} : memref<16x128xi32, #tpu.memory_space<vmem>>, vector<16xi32>,
      tpu.vector_store %arg9[%parallel_loop3A_216, %parallel_loop3A_217], %parallel_loop3A_213 {strides = array<i32>} : memref<16x128xi32, #tpu.memory_space<vmem>>, vector<16xi32>,
    } {sc.loop_unroll_factor = 2 : i64, sc.parallel_access}
    %dma_start3A = arith.constant 0 : i32
    %dma_start3A_43 = arith.constant 0 : i32
    %dma_start3A_44 = tpu.memref_slice %arg9[%dma_start3A, %dma_start3A_43] : memref<16x128xi32, #tpu.memory_space<vmem>> -> memref<1x128xi32, #tpu.memory_space<vmem>>
    %dma_start3A_45 = tpu.memref_squeeze %dma_start3A_44 : memref<1x128xi32, #tpu.memory_space<vmem>> -> memref<128xi32, #tpu.memory_space<vmem>>
    %dma_start3A_46 = arith.constant 0 : i32
    %dma_start3A_47 = arith.constant 0 : i32
    %dma_start3A_48 = tpu.memref_slice %arg2[%dma_start3A_46, %dma_start3A_47] : memref<123904x256xf32, #tpu.memory_space<hbm>> -> memref<123904x256xf32, #tpu.memory_space<hbm>>
    tpu.enqueue_indirect_dma source(%dma_start3A_48 : memref<123904x256xf32, #tpu.memory_space<hbm>>) target(%arg5 : memref<128x256xf32, #tpu.memory_space<vmem>>) offsets(%dma_start3A_45 : memref<128xi32, #tpu.memory_space<vmem>>) semaphore(%arg13 : memref<!tpu.dma_semaphore, #tpu.memory_space<semaphore_mem>>)
    %dma_start3A_49 = arith.constant 1 : i32
    %dma_start3A_50 = arith.constant 0 : i32
    %dma_start3A_51 = tpu.memref_slice %arg9[%dma_start3A_49, %dma_start3A_50] : memref<16x128xi32, #tpu.memory_space<vmem>> -> memref<1x128xi32, #tpu.memory_space<vmem>>
    %dma_start3A_52 = tpu.memref_squeeze %dma_start3A_51 : memref<1x128xi32, #tpu.memory_space<vmem>> -> memref<128xi32, #tpu.memory_space<vmem>>
    %dma_start3A_53 = arith.constant 0 : i32
    %dma_start3A_54 = arith.constant 0 : i32
    %dma_start3A_55 = tpu.memref_slice %arg2[%dma_start3A_53, %dma_start3A_54] : memref<123904x256xf32, #tpu.memory_space<hbm>> -> memref<123904x256xf32, #tpu.memory_space<hbm>>
    tpu.enqueue_indirect_dma source(%dma_start3A_55 : memref<123904x256xf32, #tpu.memory_space<hbm>>) target(%arg6 : memref<128x256xf32, #tpu.memory_space<vmem>>) offsets(%dma_start3A_52 : memref<128xi32, #tpu.memory_space<vmem>>) semaphore(%arg14 : memref<!tpu.dma_semaphore, #tpu.memory_space<semaphore_mem>>)
    %scan3A = arith.constant 0 : i32
    %scan3A_56 = arith.constant 0 : i32
    %scan3A_57 = arith.constant 8 : i32
    %scan3A_58 = arith.addi %scan3A_56, %scan3A_57 : i32
    %scan3A_59 = arith.constant 1 : i32
    scf.for %scan3A_72 = %scan3A_56 to %scan3A_58 step %scan3A_59  : i32 {
      %mul3A_73 = arith.constant 2 : i32
      %mul3A_74 = arith.muli %mul3A_73, %scan3A_72 : i32
      %ge3A = arith.constant 1 : i32
      %ge3A_75 = arith.cmpi sge, %scan3A_72, %ge3A : i32
      %convert_element_type3A = arith.extui %ge3A_75 : i1 to i32
      %cond3A = arith.constant 0 : i32
      %cond3A_76 = arith.cmpi ne, %convert_element_type3A, %cond3A : i32
      scf.if %cond3A_76 {
        %sub3A_130 = arith.constant 2 : i32
        %sub3A_131 = arith.subi %mul3A_74, %sub3A_130 : i32
        %mul3A_132 = arith.constant 32 : i32
        %mul3A_133 = arith.muli %sub3A_131, %mul3A_132 : i32
        %add3A_134 = arith.addi %mul3A_18, %mul3A_133 : i32
        %dma_wait3A_135 = arith.constant 0 : i32
        %dma_wait3A_136 = tpu.memref_slice %arg4[%add3A_134, %dma_wait3A_135] : memref<16384x256xf32, #tpu.memory_space<hbm>> -> memref<32x256xf32, #tpu.memory_space<hbm>>
        %dma_wait3A_137 = arith.constant 0 : i32
        %dma_wait3A_138 = tpu.memref_slice %arg4[%add3A_134, %dma_wait3A_137] : memref<16384x256xf32, #tpu.memory_space<hbm>> -> memref<32x256xf32, #tpu.memory_space<hbm>>
        tpu.wait_dma2 semaphore(%arg15 : memref<!tpu.dma_semaphore, #tpu.memory_space<semaphore_mem>>) src(%arg7 : memref<32x256xf32, #tpu.memory_space<vmem>>) dst(%dma_wait3A_138 : memref<32x256xf32, #tpu.memory_space<hbm>>)
      } else {
      }
      %dma_wait3A_77 = arith.constant 0 : i32
      %dma_wait3A_78 = tpu.memref_slice %arg9[%mul3A_74, %dma_wait3A_77] : memref<16x128xi32, #tpu.memory_space<vmem>> -> memref<1x128xi32, #tpu.memory_space<vmem>>
      %dma_wait3A_79 = tpu.memref_squeeze %dma_wait3A_78 : memref<1x128xi32, #tpu.memory_space<vmem>> -> memref<128xi32, #tpu.memory_space<vmem>>
      %dma_wait3A_80 = arith.constant 0 : i32
      %dma_wait3A_81 = arith.constant 0 : i32
      %dma_wait3A_82 = tpu.memref_slice %arg2[%dma_wait3A_80, %dma_wait3A_81] : memref<123904x256xf32, #tpu.memory_space<hbm>> -> memref<123904x256xf32, #tpu.memory_space<hbm>>
      tpu.wait_indirect_dma semaphore(%arg13 : memref<!tpu.dma_semaphore, #tpu.memory_space<semaphore_mem>>) src(%dma_wait3A_82 : memref<123904x256xf32, #tpu.memory_space<hbm>>) dst(%arg5 : memref<128x256xf32, #tpu.memory_space<vmem>>)
      %parallel_loop3A_83 = arith.constant 0 : i32
      %parallel_loop3A_84 = arith.constant 32 : i32
      %parallel_loop3A_85 = arith.constant 1 : i32
      scf.for %parallel_loop3A_130 = %parallel_loop3A_83 to %parallel_loop3A_84 step %parallel_loop3A_85  : i32 {
        %parallel_loop3A_131 = arith.constant 32 : i32
        %parallel_loop3A_132 = arith.muli %mul3A_74, %parallel_loop3A_131 : i32
        %parallel_loop3A_133 = arith.addi %parallel_loop3A_132, %parallel_loop3A_130 : i32
        %parallel_loop3A_134 = arith.constant 4 : i32
        %parallel_loop3A_135 = arith.muli %parallel_loop3A_133, %parallel_loop3A_134 : i32
        %parallel_loop3A_136 = arith.index_cast %parallel_loop3A_135 : i32 to index
        %parallel_loop3A_137 = tpu.vector_load %arg10[%parallel_loop3A_136] {strides = array<i32>} : memref<2064xf32, #tpu.memory_space<vmem>>, vector<16xf32>,
        %parallel_loop3A_138 = vector.extract_strided_slice %parallel_loop3A_137 {offsets = [0], sizes = [1], strides = [1]} : vector<16xf32> to vector<1xf32>
        %parallel_loop3A_139 = vector.extract %parallel_loop3A_138[0] : f32 from vector<1xf32>
        %parallel_loop3A_140 = vector.extract_strided_slice %parallel_loop3A_137 {offsets = [1], sizes = [1], strides = [1]} : vector<16xf32> to vector<1xf32>
        %parallel_loop3A_141 = vector.extract %parallel_loop3A_140[0] : f32 from vector<1xf32>
        %parallel_loop3A_142 = vector.extract_strided_slice %parallel_loop3A_137 {offsets = [2], sizes = [1], strides = [1]} : vector<16xf32> to vector<1xf32>
        %parallel_loop3A_143 = vector.extract %parallel_loop3A_142[0] : f32 from vector<1xf32>
        %parallel_loop3A_144 = vector.extract_strided_slice %parallel_loop3A_137 {offsets = [3], sizes = [1], strides = [1]} : vector<16xf32> to vector<1xf32>
        %parallel_loop3A_145 = vector.extract %parallel_loop3A_144[0] : f32 from vector<1xf32>
        %parallel_loop3A_146 = arith.constant 0 : i32
        %parallel_loop3A_147 = arith.addi %parallel_loop3A_146, %parallel_loop3A_130 : i32
        %parallel_loop3A_148 = arith.index_cast %parallel_loop3A_147 : i32 to index
        %parallel_loop3A_149 = arith.constant 0 : index
        %parallel_loop3A_150 = tpu.vector_load %arg5[%parallel_loop3A_148, %parallel_loop3A_149] {strides = array<i32>} : memref<128x256xf32, #tpu.memory_space<vmem>>, vector<16xf32>,
        %parallel_loop3A_151 = vector.broadcast %parallel_loop3A_139 : f32 to vector<16xf32>
        %parallel_loop3A_152 = arith.mulf %parallel_loop3A_150, %parallel_loop3A_151 : vector<16xf32>
        %parallel_loop3A_153 = arith.constant 32 : i32
        %parallel_loop3A_154 = arith.addi %parallel_loop3A_153, %parallel_loop3A_130 : i32
        %parallel_loop3A_155 = arith.index_cast %parallel_loop3A_154 : i32 to index
        %parallel_loop3A_156 = arith.constant 0 : index
        %parallel_loop3A_157 = tpu.vector_load %arg5[%parallel_loop3A_155, %parallel_loop3A_156] {strides = array<i32>} : memref<128x256xf32, #tpu.memory_space<vmem>>, vector<16xf32>,
        %parallel_loop3A_158 = vector.broadcast %parallel_loop3A_141 : f32 to vector<16xf32>
        %parallel_loop3A_159 = arith.mulf %parallel_loop3A_157, %parallel_loop3A_158 : vector<16xf32>
        %parallel_loop3A_160 = arith.addf %parallel_loop3A_152, %parallel_loop3A_159 : vector<16xf32>
        %parallel_loop3A_161 = arith.constant 64 : i32
        %parallel_loop3A_162 = arith.addi %parallel_loop3A_161, %parallel_loop3A_130 : i32
        %parallel_loop3A_163 = arith.index_cast %parallel_loop3A_162 : i32 to index
        %parallel_loop3A_164 = arith.constant 0 : index
        %parallel_loop3A_165 = tpu.vector_load %arg5[%parallel_loop3A_163, %parallel_loop3A_164] {strides = array<i32>} : memref<128x256xf32, #tpu.memory_space<vmem>>, vector<16xf32>,
        %parallel_loop3A_166 = vector.broadcast %parallel_loop3A_143 : f32 to vector<16xf32>
        %parallel_loop3A_167 = arith.mulf %parallel_loop3A_165, %parallel_loop3A_166 : vector<16xf32>
        %parallel_loop3A_168 = arith.addf %parallel_loop3A_160, %parallel_loop3A_167 : vector<16xf32>
        %parallel_loop3A_169 = arith.constant 96 : i32
        %parallel_loop3A_170 = arith.addi %parallel_loop3A_169, %parallel_loop3A_130 : i32
        %parallel_loop3A_171 = arith.index_cast %parallel_loop3A_170 : i32 to index
        %parallel_loop3A_172 = arith.constant 0 : index
        %parallel_loop3A_173 = tpu.vector_load %arg5[%parallel_loop3A_171, %parallel_loop3A_172] {strides = array<i32>} : memref<128x256xf32, #tpu.memory_space<vmem>>, vector<16xf32>,
        %parallel_loop3A_174 = vector.broadcast %parallel_loop3A_145 : f32 to vector<16xf32>
        %parallel_loop3A_175 = arith.mulf %parallel_loop3A_173, %parallel_loop3A_174 : vector<16xf32>
        %parallel_loop3A_176 = arith.addf %parallel_loop3A_168, %parallel_loop3A_175 : vector<16xf32>
        %parallel_loop3A_177 = arith.index_cast %parallel_loop3A_130 : i32 to index
        %parallel_loop3A_178 = arith.constant 0 : index
        %parallel_loop3A_179 = tpu.vector_load %arg7[%parallel_loop3A_177, %parallel_loop3A_178] {strides = array<i32>} : memref<32x256xf32, #tpu.memory_space<vmem>>, vector<16xf32>,
        tpu.vector_store %arg7[%parallel_loop3A_177, %parallel_loop3A_178], %parallel_loop3A_176 {strides = array<i32>} : memref<32x256xf32, #tpu.memory_space<vmem>>, vector<16xf32>,
        %parallel_loop3A_180 = arith.constant 0 : i32
        %parallel_loop3A_181 = arith.addi %parallel_loop3A_180, %parallel_loop3A_130 : i32
        %parallel_loop3A_182 = arith.index_cast %parallel_loop3A_181 : i32 to index
        %parallel_loop3A_183 = arith.constant 16 : index
        %parallel_loop3A_184 = tpu.vector_load %arg5[%parallel_loop3A_182, %parallel_loop3A_183] {strides = array<i32>} : memref<128x256xf32, #tpu.memory_space<vmem>>, vector<16xf32>,
        %parallel_loop3A_185 = vector.broadcast %parallel_loop3A_139 : f32 to vector<16xf32>
        %parallel_loop3A_186 = arith.mulf %parallel_loop3A_184, %parallel_loop3A_185 : vector<16xf32>
        %parallel_loop3A_187 = arith.constant 32 : i32
        %parallel_loop3A_188 = arith.addi %parallel_loop3A_187, %parallel_loop3A_130 : i32
        %parallel_loop3A_189 = arith.index_cast %parallel_loop3A_188 : i32 to index
        %parallel_loop3A_190 = arith.constant 16 : index
        %parallel_loop3A_191 = tpu.vector_load %arg5[%parallel_loop3A_189, %parallel_loop3A_190] {strides = array<i32>} : memref<128x256xf32, #tpu.memory_space<vmem>>, vector<16xf32>,
        %parallel_loop3A_192 = vector.broadcast %parallel_loop3A_141 : f32 to vector<16xf32>
        %parallel_loop3A_193 = arith.mulf %parallel_loop3A_191, %parallel_loop3A_192 : vector<16xf32>
        %parallel_loop3A_194 = arith.addf %parallel_loop3A_186, %parallel_loop3A_193 : vector<16xf32>
        %parallel_loop3A_195 = arith.constant 64 : i32
        %parallel_loop3A_196 = arith.addi %parallel_loop3A_195, %parallel_loop3A_130 : i32
        %parallel_loop3A_197 = arith.index_cast %parallel_loop3A_196 : i32 to index
        %parallel_loop3A_198 = arith.constant 16 : index
        %parallel_loop3A_199 = tpu.vector_load %arg5[%parallel_loop3A_197, %parallel_loop3A_198] {strides = array<i32>} : memref<128x256xf32, #tpu.memory_space<vmem>>, vector<16xf32>,
        %parallel_loop3A_200 = vector.broadcast %parallel_loop3A_143 : f32 to vector<16xf32>
        %parallel_loop3A_201 = arith.mulf %parallel_loop3A_199, %parallel_loop3A_200 : vector<16xf32>
        %parallel_loop3A_202 = arith.addf %parallel_loop3A_194, %parallel_loop3A_201 : vector<16xf32>
        %parallel_loop3A_203 = arith.constant 96 : i32
        %parallel_loop3A_204 = arith.addi %parallel_loop3A_203, %parallel_loop3A_130 : i32
        %parallel_loop3A_205 = arith.index_cast %parallel_loop3A_204 : i32 to index
        %parallel_loop3A_206 = arith.constant 16 : index
        %parallel_loop3A_207 = tpu.vector_load %arg5[%parallel_loop3A_205, %parallel_loop3A_206] {strides = array<i32>} : memref<128x256xf32, #tpu.memory_space<vmem>>, vector<16xf32>,
        %parallel_loop3A_208 = vector.broadcast %parallel_loop3A_145 : f32 to vector<16xf32>
        %parallel_loop3A_209 = arith.mulf %parallel_loop3A_207, %parallel_loop3A_208 : vector<16xf32>
        %parallel_loop3A_210 = arith.addf %parallel_loop3A_202, %parallel_loop3A_209 : vector<16xf32>
        %parallel_loop3A_211 = arith.index_cast %parallel_loop3A_130 : i32 to index
        %parallel_loop3A_212 = arith.constant 16 : index
        %parallel_loop3A_213 = tpu.vector_load %arg7[%parallel_loop3A_211, %parallel_loop3A_212] {strides = array<i32>} : memref<32x256xf32, #tpu.memory_space<vmem>>, vector<16xf32>,
        tpu.vector_store %arg7[%parallel_loop3A_211, %parallel_loop3A_212], %parallel_loop3A_210 {strides = array<i32>} : memref<32x256xf32, #tpu.memory_space<vmem>>, vector<16xf32>,
        %parallel_loop3A_214 = arith.constant 0 : i32
        %parallel_loop3A_215 = arith.addi %parallel_loop3A_214, %parallel_loop3A_130 : i32
        %parallel_loop3A_216 = arith.index_cast %parallel_loop3A_215 : i32 to index
        %parallel_loop3A_217 = arith.constant 32 : index
        %parallel_loop3A_218 = tpu.vector_load %arg5[%parallel_loop3A_216, %parallel_loop3A_217] {strides = array<i32>} : memref<128x256xf32, #tpu.memory_space<vmem>>, vector<16xf32>,
        %parallel_loop3A_219 = vector.broadcast %parallel_loop3A_139 : f32 to vector<16xf32>
        %parallel_loop3A_220 = arith.mulf %parallel_loop3A_218, %parallel_loop3A_219 : vector<16xf32>
        %parallel_loop3A_221 = arith.constant 32 : i32
        %parallel_loop3A_222 = arith.addi %parallel_loop3A_221, %parallel_loop3A_130 : i32
        %parallel_loop3A_223 = arith.index_cast %parallel_loop3A_222 : i32 to index
        %parallel_loop3A_224 = arith.constant 32 : index
        %parallel_loop3A_225 = tpu.vector_load %arg5[%parallel_loop3A_223, %parallel_loop3A_224] {strides = array<i32>} : memref<128x256xf32, #tpu.memory_space<vmem>>, vector<16xf32>,
        %parallel_loop3A_226 = vector.broadcast %parallel_loop3A_141 : f32 to vector<16xf32>
        %parallel_loop3A_227 = arith.mulf %parallel_loop3A_225, %parallel_loop3A_226 : vector<16xf32>
        %parallel_loop3A_228 = arith.addf %parallel_loop3A_220, %parallel_loop3A_227 : vector<16xf32>
        %parallel_loop3A_229 = arith.constant 64 : i32
        %parallel_loop3A_230 = arith.addi %parallel_loop3A_229, %parallel_loop3A_130 : i32
        %parallel_loop3A_231 = arith.index_cast %parallel_loop3A_230 : i32 to index
        %parallel_loop3A_232 = arith.constant 32 : index
        %parallel_loop3A_233 = tpu.vector_load %arg5[%parallel_loop3A_231, %parallel_loop3A_232] {strides = array<i32>} : memref<128x256xf32, #tpu.memory_space<vmem>>, vector<16xf32>,
        %parallel_loop3A_234 = vector.broadcast %parallel_loop3A_143 : f32 to vector<16xf32>
        %parallel_loop3A_235 = arith.mulf %parallel_loop3A_233, %parallel_loop3A_234 : vector<16xf32>
        %parallel_loop3A_236 = arith.addf %parallel_loop3A_228, %parallel_loop3A_235 : vector<16xf32>
        %parallel_loop3A_237 = arith.constant 96 : i32
        %parallel_loop3A_238 = arith.addi %parallel_loop3A_237, %parallel_loop3A_130 : i32
        %parallel_loop3A_239 = arith.index_cast %parallel_loop3A_238 : i32 to index
        %parallel_loop3A_240 = arith.constant 32 : index
        %parallel_loop3A_241 = tpu.vector_load %arg5[%parallel_loop3A_239, %parallel_loop3A_240] {strides = array<i32>} : memref<128x256xf32, #tpu.memory_space<vmem>>, vector<16xf32>,
        %parallel_loop3A_242 = vector.broadcast %parallel_loop3A_145 : f32 to vector<16xf32>
        %parallel_loop3A_243 = arith.mulf %parallel_loop3A_241, %parallel_loop3A_242 : vector<16xf32>
        %parallel_loop3A_244 = arith.addf %parallel_loop3A_236, %parallel_loop3A_243 : vector<16xf32>
        %parallel_loop3A_245 = arith.index_cast %parallel_loop3A_130 : i32 to index
        %parallel_loop3A_246 = arith.constant 32 : index
        %parallel_loop3A_247 = tpu.vector_load %arg7[%parallel_loop3A_245, %parallel_loop3A_246] {strides = array<i32>} : memref<32x256xf32, #tpu.memory_space<vmem>>, vector<16xf32>,
        tpu.vector_store %arg7[%parallel_loop3A_245, %parallel_loop3A_246], %parallel_loop3A_244 {strides = array<i32>} : memref<32x256xf32, #tpu.memory_space<vmem>>, vector<16xf32>,
        %parallel_loop3A_248 = arith.constant 0 : i32
        %parallel_loop3A_249 = arith.addi %parallel_loop3A_248, %parallel_loop3A_130 : i32
        %parallel_loop3A_250 = arith.index_cast %parallel_loop3A_249 : i32 to index
        %parallel_loop3A_251 = arith.constant 48 : index
        %parallel_loop3A_252 = tpu.vector_load %arg5[%parallel_loop3A_250, %parallel_loop3A_251] {strides = array<i32>} : memref<128x256xf32, #tpu.memory_space<vmem>>, vector<16xf32>,
        %parallel_loop3A_253 = vector.broadcast %parallel_loop3A_139 : f32 to vector<16xf32>
        %parallel_loop3A_254 = arith.mulf %parallel_loop3A_252, %parallel_loop3A_253 : vector<16xf32>
        %parallel_loop3A_255 = arith.constant 32 : i32
        %parallel_loop3A_256 = arith.addi %parallel_loop3A_255, %parallel_loop3A_130 : i32
        %parallel_loop3A_257 = arith.index_cast %parallel_loop3A_256 : i32 to index
        %parallel_loop3A_258 = arith.constant 48 : index
        %parallel_loop3A_259 = tpu.vector_load %arg5[%parallel_loop3A_257, %parallel_loop3A_258] {strides = array<i32>} : memref<128x256xf32, #tpu.memory_space<vmem>>, vector<16xf32>,
        %parallel_loop3A_260 = vector.broadcast %parallel_loop3A_141 : f32 to vector<16xf32>
        %parallel_loop3A_261 = arith.mulf %parallel_loop3A_259, %parallel_loop3A_260 : vector<16xf32>
        %parallel_loop3A_262 = arith.addf %parallel_loop3A_254, %parallel_loop3A_261 : vector<16xf32>
        %parallel_loop3A_263 = arith.constant 64 : i32
        %parallel_loop3A_264 = arith.addi %parallel_loop3A_263, %parallel_loop3A_130 : i32
        %parallel_loop3A_265 = arith.index_cast %parallel_loop3A_264 : i32 to index
        %parallel_loop3A_266 = arith.constant 48 : index
        %parallel_loop3A_267 = tpu.vector_load %arg5[%parallel_loop3A_265, %parallel_loop3A_266] {strides = array<i32>} : memref<128x256xf32, #tpu.memory_space<vmem>>, vector<16xf32>,
        %parallel_loop3A_268 = vector.broadcast %parallel_loop3A_143 : f32 to vector<16xf32>
        %parallel_loop3A_269 = arith.mulf %parallel_loop3A_267, %parallel_loop3A_268 : vector<16xf32>
        %parallel_loop3A_270 = arith.addf %parallel_loop3A_262, %parallel_loop3A_269 : vector<16xf32>
        %parallel_loop3A_271 = arith.constant 96 : i32
        %parallel_loop3A_272 = arith.addi %parallel_loop3A_271, %parallel_loop3A_130 : i32
        %parallel_loop3A_273 = arith.index_cast %parallel_loop3A_272 : i32 to index
        %parallel_loop3A_274 = arith.constant 48 : index
        %parallel_loop3A_275 = tpu.vector_load %arg5[%parallel_loop3A_273, %parallel_loop3A_274] {strides = array<i32>} : memref<128x256xf32, #tpu.memory_space<vmem>>, vector<16xf32>,
        %parallel_loop3A_276 = vector.broadcast %parallel_loop3A_145 : f32 to vector<16xf32>
        %parallel_loop3A_277 = arith.mulf %parallel_loop3A_275, %parallel_loop3A_276 : vector<16xf32>
        %parallel_loop3A_278 = arith.addf %parallel_loop3A_270, %parallel_loop3A_277 : vector<16xf32>
        %parallel_loop3A_279 = arith.index_cast %parallel_loop3A_130 : i32 to index
        %parallel_loop3A_280 = arith.constant 48 : index
        %parallel_loop3A_281 = tpu.vector_load %arg7[%parallel_loop3A_279, %parallel_loop3A_280] {strides = array<i32>} : memref<32x256xf32, #tpu.memory_space<vmem>>, vector<16xf32>,
        tpu.vector_store %arg7[%parallel_loop3A_279, %parallel_loop3A_280], %parallel_loop3A_278 {strides = array<i32>} : memref<32x256xf32, #tpu.memory_space<vmem>>, vector<16xf32>,
        %parallel_loop3A_282 = arith.constant 0 : i32
        %parallel_loop3A_283 = arith.addi %parallel_loop3A_282, %parallel_loop3A_130 : i32
        %parallel_loop3A_284 = arith.index_cast %parallel_loop3A_283 : i32 to index
        %parallel_loop3A_285 = arith.constant 64 : index
        %parallel_loop3A_286 = tpu.vector_load %arg5[%parallel_loop3A_284, %parallel_loop3A_285] {strides = array<i32>} : memref<128x256xf32, #tpu.memory_space<vmem>>, vector<16xf32>,
        %parallel_loop3A_287 = vector.broadcast %parallel_loop3A_139 : f32 to vector<16xf32>
        %parallel_loop3A_288 = arith.mulf %parallel_loop3A_286, %parallel_loop3A_287 : vector<16xf32>
        %parallel_loop3A_289 = arith.constant 32 : i32
        %parallel_loop3A_290 = arith.addi %parallel_loop3A_289, %parallel_loop3A_130 : i32
        %parallel_loop3A_291 = arith.index_cast %parallel_loop3A_290 : i32 to index
        %parallel_loop3A_292 = arith.constant 64 : index
        %parallel_loop3A_293 = tpu.vector_load %arg5[%parallel_loop3A_291, %parallel_loop3A_292] {strides = array<i32>} : memref<128x256xf32, #tpu.memory_space<vmem>>, vector<16xf32>,
        %parallel_loop3A_294 = vector.broadcast %parallel_loop3A_141 : f32 to vector<16xf32>
        %parallel_loop3A_295 = arith.mulf %parallel_loop3A_293, %parallel_loop3A_294 : vector<16xf32>
        %parallel_loop3A_296 = arith.addf %parallel_loop3A_288, %parallel_loop3A_295 : vector<16xf32>
        %parallel_loop3A_297 = arith.constant 64 : i32
        %parallel_loop3A_298 = arith.addi %parallel_loop3A_297, %parallel_loop3A_130 : i32
        %parallel_loop3A_299 = arith.index_cast %parallel_loop3A_298 : i32 to index
        %parallel_loop3A_300 = arith.constant 64 : index
        %parallel_loop3A_301 = tpu.vector_load %arg5[%parallel_loop3A_299, %parallel_loop3A_300] {strides = array<i32>} : memref<128x256xf32, #tpu.memory_space<vmem>>, vector<16xf32>,
        %parallel_loop3A_302 = vector.broadcast %parallel_loop3A_143 : f32 to vector<16xf32>
        %parallel_loop3A_303 = arith.mulf %parallel_loop3A_301, %parallel_loop3A_302 : vector<16xf32>
        %parallel_loop3A_304 = arith.addf %parallel_loop3A_296, %parallel_loop3A_303 : vector<16xf32>
        %parallel_loop3A_305 = arith.constant 96 : i32
        %parallel_loop3A_306 = arith.addi %parallel_loop3A_305, %parallel_loop3A_130 : i32
        %parallel_loop3A_307 = arith.index_cast %parallel_loop3A_306 : i32 to index
        %parallel_loop3A_308 = arith.constant 64 : index
        %parallel_loop3A_309 = tpu.vector_load %arg5[%parallel_loop3A_307, %parallel_loop3A_308] {strides = array<i32>} : memref<128x256xf32, #tpu.memory_space<vmem>>, vector<16xf32>,
        %parallel_loop3A_310 = vector.broadcast %parallel_loop3A_145 : f32 to vector<16xf32>
        %parallel_loop3A_311 = arith.mulf %parallel_loop3A_309, %parallel_loop3A_310 : vector<16xf32>
        %parallel_loop3A_312 = arith.addf %parallel_loop3A_304, %parallel_loop3A_311 : vector<16xf32>
        %parallel_loop3A_313 = arith.index_cast %parallel_loop3A_130 : i32 to index
        %parallel_loop3A_314 = arith.constant 64 : index
        %parallel_loop3A_315 = tpu.vector_load %arg7[%parallel_loop3A_313, %parallel_loop3A_314] {strides = array<i32>} : memref<32x256xf32, #tpu.memory_space<vmem>>, vector<16xf32>,
        tpu.vector_store %arg7[%parallel_loop3A_313, %parallel_loop3A_314], %parallel_loop3A_312 {strides = array<i32>} : memref<32x256xf32, #tpu.memory_space<vmem>>, vector<16xf32>,
        %parallel_loop3A_316 = arith.constant 0 : i32
        %parallel_loop3A_317 = arith.addi %parallel_loop3A_316, %parallel_loop3A_130 : i32
        %parallel_loop3A_318 = arith.index_cast %parallel_loop3A_317 : i32 to index
        %parallel_loop3A_319 = arith.constant 80 : index
        %parallel_loop3A_320 = tpu.vector_load %arg5[%parallel_loop3A_318, %parallel_loop3A_319] {strides = array<i32>} : memref<128x256xf32, #tpu.memory_space<vmem>>, vector<16xf32>,
        %parallel_loop3A_321 = vector.broadcast %parallel_loop3A_139 : f32 to vector<16xf32>
        %parallel_loop3A_322 = arith.mulf %parallel_loop3A_320, %parallel_loop3A_321 : vector<16xf32>
        %parallel_loop3A_323 = arith.constant 32 : i32
        %parallel_loop3A_324 = arith.addi %parallel_loop3A_323, %parallel_loop3A_130 : i32
        %parallel_loop3A_325 = arith.index_cast %parallel_loop3A_324 : i32 to index
        %parallel_loop3A_326 = arith.constant 80 : index
        %parallel_loop3A_327 = tpu.vector_load %arg5[%parallel_loop3A_325, %parallel_loop3A_326] {strides = array<i32>} : memref<128x256xf32, #tpu.memory_space<vmem>>, vector<16xf32>,
        %parallel_loop3A_328 = vector.broadcast %parallel_loop3A_141 : f32 to vector<16xf32>
        %parallel_loop3A_329 = arith.mulf %parallel_loop3A_327, %parallel_loop3A_328 : vector<16xf32>
        %parallel_loop3A_330 = arith.addf %parallel_loop3A_322, %parallel_loop3A_329 : vector<16xf32>
        %parallel_loop3A_331 = arith.constant 64 : i32
        %parallel_loop3A_332 = arith.addi %parallel_loop3A_331, %parallel_loop3A_130 : i32
        %parallel_loop3A_333 = arith.index_cast %parallel_loop3A_332 : i32 to index
        %parallel_loop3A_334 = arith.constant 80 : index
        %parallel_loop3A_335 = tpu.vector_load %arg5[%parallel_loop3A_333, %parallel_loop3A_334] {strides = array<i32>} : memref<128x256xf32, #tpu.memory_space<vmem>>, vector<16xf32>,
        %parallel_loop3A_336 = vector.broadcast %parallel_loop3A_143 : f32 to vector<16xf32>
        %parallel_loop3A_337 = arith.mulf %parallel_loop3A_335, %parallel_loop3A_336 : vector<16xf32>
        %parallel_loop3A_338 = arith.addf %parallel_loop3A_330, %parallel_loop3A_337 : vector<16xf32>
        %parallel_loop3A_339 = arith.constant 96 : i32
        %parallel_loop3A_340 = arith.addi %parallel_loop3A_339, %parallel_loop3A_130 : i32
        %parallel_loop3A_341 = arith.index_cast %parallel_loop3A_340 : i32 to index
        %parallel_loop3A_342 = arith.constant 80 : index
        %parallel_loop3A_343 = tpu.vector_load %arg5[%parallel_loop3A_341, %parallel_loop3A_342] {strides = array<i32>} : memref<128x256xf32, #tpu.memory_space<vmem>>, vector<16xf32>,
        %parallel_loop3A_344 = vector.broadcast %parallel_loop3A_145 : f32 to vector<16xf32>
        %parallel_loop3A_345 = arith.mulf %parallel_loop3A_343, %parallel_loop3A_344 : vector<16xf32>
        %parallel_loop3A_346 = arith.addf %parallel_loop3A_338, %parallel_loop3A_345 : vector<16xf32>
        %parallel_loop3A_347 = arith.index_cast %parallel_loop3A_130 : i32 to index
        %parallel_loop3A_348 = arith.constant 80 : index
        %parallel_loop3A_349 = tpu.vector_load %arg7[%parallel_loop3A_347, %parallel_loop3A_348] {strides = array<i32>} : memref<32x256xf32, #tpu.memory_space<vmem>>, vector<16xf32>,
        tpu.vector_store %arg7[%parallel_loop3A_347, %parallel_loop3A_348], %parallel_loop3A_346 {strides = array<i32>} : memref<32x256xf32, #tpu.memory_space<vmem>>, vector<16xf32>,
        %parallel_loop3A_350 = arith.constant 0 : i32
        %parallel_loop3A_351 = arith.addi %parallel_loop3A_350, %parallel_loop3A_130 : i32
        %parallel_loop3A_352 = arith.index_cast %parallel_loop3A_351 : i32 to index
        %parallel_loop3A_353 = arith.constant 96 : index
        %parallel_loop3A_354 = tpu.vector_load %arg5[%parallel_loop3A_352, %parallel_loop3A_353] {strides = array<i32>} : memref<128x256xf32, #tpu.memory_space<vmem>>, vector<16xf32>,
        %parallel_loop3A_355 = vector.broadcast %parallel_loop3A_139 : f32 to vector<16xf32>
        %parallel_loop3A_356 = arith.mulf %parallel_loop3A_354, %parallel_loop3A_355 : vector<16xf32>
        %parallel_loop3A_357 = arith.constant 32 : i32
        %parallel_loop3A_358 = arith.addi %parallel_loop3A_357, %parallel_loop3A_130 : i32
        %parallel_loop3A_359 = arith.index_cast %parallel_loop3A_358 : i32 to index
        %parallel_loop3A_360 = arith.constant 96 : index
        %parallel_loop3A_361 = tpu.vector_load %arg5[%parallel_loop3A_359, %parallel_loop3A_360] {strides = array<i32>} : memref<128x256xf32, #tpu.memory_space<vmem>>, vector<16xf32>,
        %parallel_loop3A_362 = vector.broadcast %parallel_loop3A_141 : f32 to vector<16xf32>
        %parallel_loop3A_363 = arith.mulf %parallel_loop3A_361, %parallel_loop3A_362 : vector<16xf32>
        %parallel_loop3A_364 = arith.addf %parallel_loop3A_356, %parallel_loop3A_363 : vector<16xf32>
        %parallel_loop3A_365 = arith.constant 64 : i32
        %parallel_loop3A_366 = arith.addi %parallel_loop3A_365, %parallel_loop3A_130 : i32
        %parallel_loop3A_367 = arith.index_cast %parallel_loop3A_366 : i32 to index
        %parallel_loop3A_368 = arith.constant 96 : index
        %parallel_loop3A_369 = tpu.vector_load %arg5[%parallel_loop3A_367, %parallel_loop3A_368] {strides = array<i32>} : memref<128x256xf32, #tpu.memory_space<vmem>>, vector<16xf32>,
        %parallel_loop3A_370 = vector.broadcast %parallel_loop3A_143 : f32 to vector<16xf32>
        %parallel_loop3A_371 = arith.mulf %parallel_loop3A_369, %parallel_loop3A_370 : vector<16xf32>
        %parallel_loop3A_372 = arith.addf %parallel_loop3A_364, %parallel_loop3A_371 : vector<16xf32>
        %parallel_loop3A_373 = arith.constant 96 : i32
        %parallel_loop3A_374 = arith.addi %parallel_loop3A_373, %parallel_loop3A_130 : i32
        %parallel_loop3A_375 = arith.index_cast %parallel_loop3A_374 : i32 to index
        %parallel_loop3A_376 = arith.constant 96 : index
        %parallel_loop3A_377 = tpu.vector_load %arg5[%parallel_loop3A_375, %parallel_loop3A_376] {strides = array<i32>} : memref<128x256xf32, #tpu.memory_space<vmem>>, vector<16xf32>,
        %parallel_loop3A_378 = vector.broadcast %parallel_loop3A_145 : f32 to vector<16xf32>
        %parallel_loop3A_379 = arith.mulf %parallel_loop3A_377, %parallel_loop3A_378 : vector<16xf32>
        %parallel_loop3A_380 = arith.addf %parallel_loop3A_372, %parallel_loop3A_379 : vector<16xf32>
        %parallel_loop3A_381 = arith.index_cast %parallel_loop3A_130 : i32 to index
        %parallel_loop3A_382 = arith.constant 96 : index
        %parallel_loop3A_383 = tpu.vector_load %arg7[%parallel_loop3A_381, %parallel_loop3A_382] {strides = array<i32>} : memref<32x256xf32, #tpu.memory_space<vmem>>, vector<16xf32>,
        tpu.vector_store %arg7[%parallel_loop3A_381, %parallel_loop3A_382], %parallel_loop3A_380 {strides = array<i32>} : memref<32x256xf32, #tpu.memory_space<vmem>>, vector<16xf32>,
        %parallel_loop3A_384 = arith.constant 0 : i32
        %parallel_loop3A_385 = arith.addi %parallel_loop3A_384, %parallel_loop3A_130 : i32
        %parallel_loop3A_386 = arith.index_cast %parallel_loop3A_385 : i32 to index
        %parallel_loop3A_387 = arith.constant 112 : index
        %parallel_loop3A_388 = tpu.vector_load %arg5[%parallel_loop3A_386, %parallel_loop3A_387] {strides = array<i32>} : memref<128x256xf32, #tpu.memory_space<vmem>>, vector<16xf32>,
        %parallel_loop3A_389 = vector.broadcast %parallel_loop3A_139 : f32 to vector<16xf32>
        %parallel_loop3A_390 = arith.mulf %parallel_loop3A_388, %parallel_loop3A_389 : vector<16xf32>
        %parallel_loop3A_391 = arith.constant 32 : i32
        %parallel_loop3A_392 = arith.addi %parallel_loop3A_391, %parallel_loop3A_130 : i32
        %parallel_loop3A_393 = arith.index_cast %parallel_loop3A_392 : i32 to index
        %parallel_loop3A_394 = arith.constant 112 : index
        %parallel_loop3A_395 = tpu.vector_load %arg5[%parallel_loop3A_393, %parallel_loop3A_394] {strides = array<i32>} : memref<128x256xf32, #tpu.memory_space<vmem>>, vector<16xf32>,
        %parallel_loop3A_396 = vector.broadcast %parallel_loop3A_141 : f32 to vector<16xf32>
        %parallel_loop3A_397 = arith.mulf %parallel_loop3A_395, %parallel_loop3A_396 : vector<16xf32>
        %parallel_loop3A_398 = arith.addf %parallel_loop3A_390, %parallel_loop3A_397 : vector<16xf32>
        %parallel_loop3A_399 = arith.constant 64 : i32
        %parallel_loop3A_400 = arith.addi %parallel_loop3A_399, %parallel_loop3A_130 : i32
        %parallel_loop3A_401 = arith.index_cast %parallel_loop3A_400 : i32 to index
        %parallel_loop3A_402 = arith.constant 112 : index
        %parallel_loop3A_403 = tpu.vector_load %arg5[%parallel_loop3A_401, %parallel_loop3A_402] {strides = array<i32>} : memref<128x256xf32, #tpu.memory_space<vmem>>, vector<16xf32>,
        %parallel_loop3A_404 = vector.broadcast %parallel_loop3A_143 : f32 to vector<16xf32>
        %parallel_loop3A_405 = arith.mulf %parallel_loop3A_403, %parallel_loop3A_404 : vector<16xf32>
        %parallel_loop3A_406 = arith.addf %parallel_loop3A_398, %parallel_loop3A_405 : vector<16xf32>
        %parallel_loop3A_407 = arith.constant 96 : i32
        %parallel_loop3A_408 = arith.addi %parallel_loop3A_407, %parallel_loop3A_130 : i32
        %parallel_loop3A_409 = arith.index_cast %parallel_loop3A_408 : i32 to index
        %parallel_loop3A_410 = arith.constant 112 : index
        %parallel_loop3A_411 = tpu.vector_load %arg5[%parallel_loop3A_409, %parallel_loop3A_410] {strides = array<i32>} : memref<128x256xf32, #tpu.memory_space<vmem>>, vector<16xf32>,
        %parallel_loop3A_412 = vector.broadcast %parallel_loop3A_145 : f32 to vector<16xf32>
        %parallel_loop3A_413 = arith.mulf %parallel_loop3A_411, %parallel_loop3A_412 : vector<16xf32>
        %parallel_loop3A_414 = arith.addf %parallel_loop3A_406, %parallel_loop3A_413 : vector<16xf32>
        %parallel_loop3A_415 = arith.index_cast %parallel_loop3A_130 : i32 to index
        %parallel_loop3A_416 = arith.constant 112 : index
        %parallel_loop3A_417 = tpu.vector_load %arg7[%parallel_loop3A_415, %parallel_loop3A_416] {strides = array<i32>} : memref<32x256xf32, #tpu.memory_space<vmem>>, vector<16xf32>,
        tpu.vector_store %arg7[%parallel_loop3A_415, %parallel_loop3A_416], %parallel_loop3A_414 {strides = array<i32>} : memref<32x256xf32, #tpu.memory_space<vmem>>, vector<16xf32>,
        %parallel_loop3A_418 = arith.constant 0 : i32
        %parallel_loop3A_419 = arith.addi %parallel_loop3A_418, %parallel_loop3A_130 : i32
        %parallel_loop3A_420 = arith.index_cast %parallel_loop3A_419 : i32 to index
        %parallel_loop3A_421 = arith.constant 128 : index
        %parallel_loop3A_422 = tpu.vector_load %arg5[%parallel_loop3A_420, %parallel_loop3A_421] {strides = array<i32>} : memref<128x256xf32, #tpu.memory_space<vmem>>, vector<16xf32>,
        %parallel_loop3A_423 = vector.broadcast %parallel_loop3A_139 : f32 to vector<16xf32>
        %parallel_loop3A_424 = arith.mulf %parallel_loop3A_422, %parallel_loop3A_423 : vector<16xf32>
        %parallel_loop3A_425 = arith.constant 32 : i32
        %parallel_loop3A_426 = arith.addi %parallel_loop3A_425, %parallel_loop3A_130 : i32
        %parallel_loop3A_427 = arith.index_cast %parallel_loop3A_426 : i32 to index
        %parallel_loop3A_428 = arith.constant 128 : index
        %parallel_loop3A_429 = tpu.vector_load %arg5[%parallel_loop3A_427, %parallel_loop3A_428] {strides = array<i32>} : memref<128x256xf32, #tpu.memory_space<vmem>>, vector<16xf32>,
        %parallel_loop3A_430 = vector.broadcast %parallel_loop3A_141 : f32 to vector<16xf32>
        %parallel_loop3A_431 = arith.mulf %parallel_loop3A_429, %parallel_loop3A_430 : vector<16xf32>
        %parallel_loop3A_432 = arith.addf %parallel_loop3A_424, %parallel_loop3A_431 : vector<16xf32>
        %parallel_loop3A_433 = arith.constant 64 : i32
        %parallel_loop3A_434 = arith.addi %parallel_loop3A_433, %parallel_loop3A_130 : i32
        %parallel_loop3A_435 = arith.index_cast %parallel_loop3A_434 : i32 to index
        %parallel_loop3A_436 = arith.constant 128 : index
        %parallel_loop3A_437 = tpu.vector_load %arg5[%parallel_loop3A_435, %parallel_loop3A_436] {strides = array<i32>} : memref<128x256xf32, #tpu.memory_space<vmem>>, vector<16xf32>,
        %parallel_loop3A_438 = vector.broadcast %parallel_loop3A_143 : f32 to vector<16xf32>
        %parallel_loop3A_439 = arith.mulf %parallel_loop3A_437, %parallel_loop3A_438 : vector<16xf32>
        %parallel_loop3A_440 = arith.addf %parallel_loop3A_432, %parallel_loop3A_439 : vector<16xf32>
        %parallel_loop3A_441 = arith.constant 96 : i32
        %parallel_loop3A_442 = arith.addi %parallel_loop3A_441, %parallel_loop3A_130 : i32
        %parallel_loop3A_443 = arith.index_cast %parallel_loop3A_442 : i32 to index
        %parallel_loop3A_444 = arith.constant 128 : index
        %parallel_loop3A_445 = tpu.vector_load %arg5[%parallel_loop3A_443, %parallel_loop3A_444] {strides = array<i32>} : memref<128x256xf32, #tpu.memory_space<vmem>>, vector<16xf32>,
        %parallel_loop3A_446 = vector.broadcast %parallel_loop3A_145 : f32 to vector<16xf32>
        %parallel_loop3A_447 = arith.mulf %parallel_loop3A_445, %parallel_loop3A_446 : vector<16xf32>
        %parallel_loop3A_448 = arith.addf %parallel_loop3A_440, %parallel_loop3A_447 : vector<16xf32>
        %parallel_loop3A_449 = arith.index_cast %parallel_loop3A_130 : i32 to index
        %parallel_loop3A_450 = arith.constant 128 : index
        %parallel_loop3A_451 = tpu.vector_load %arg7[%parallel_loop3A_449, %parallel_loop3A_450] {strides = array<i32>} : memref<32x256xf32, #tpu.memory_space<vmem>>, vector<16xf32>,
        tpu.vector_store %arg7[%parallel_loop3A_449, %parallel_loop3A_450], %parallel_loop3A_448 {strides = array<i32>} : memref<32x256xf32, #tpu.memory_space<vmem>>, vector<16xf32>,
        %parallel_loop3A_452 = arith.constant 0 : i32
        %parallel_loop3A_453 = arith.addi %parallel_loop3A_452, %parallel_loop3A_130 : i32
        %parallel_loop3A_454 = arith.index_cast %parallel_loop3A_453 : i32 to index
        %parallel_loop3A_455 = arith.constant 144 : index
        %parallel_loop3A_456 = tpu.vector_load %arg5[%parallel_loop3A_454, %parallel_loop3A_455] {strides = array<i32>} : memref<128x256xf32, #tpu.memory_space<vmem>>, vector<16xf32>,
        %parallel_loop3A_457 = vector.broadcast %parallel_loop3A_139 : f32 to vector<16xf32>
        %parallel_loop3A_458 = arith.mulf %parallel_loop3A_456, %parallel_loop3A_457 : vector<16xf32>
        %parallel_loop3A_459 = arith.constant 32 : i32
        %parallel_loop3A_460 = arith.addi %parallel_loop3A_459, %parallel_loop3A_130 : i32
        %parallel_loop3A_461 = arith.index_cast %parallel_loop3A_460 : i32 to index
        %parallel_loop3A_462 = arith.constant 144 : index
        %parallel_loop3A_463 = tpu.vector_load %arg5[%parallel_loop3A_461, %parallel_loop3A_462] {strides = array<i32>} : memref<128x256xf32, #tpu.memory_space<vmem>>, vector<16xf32>,
        %parallel_loop3A_464 = vector.broadcast %parallel_loop3A_141 : f32 to vector<16xf32>
        %parallel_loop3A_465 = arith.mulf %parallel_loop3A_463, %parallel_loop3A_464 : vector<16xf32>
        %parallel_loop3A_466 = arith.addf %parallel_loop3A_458, %parallel_loop3A_465 : vector<16xf32>
        %parallel_loop3A_467 = arith.constant 64 : i32
        %parallel_loop3A_468 = arith.addi %parallel_loop3A_467, %parallel_loop3A_130 : i32
        %parallel_loop3A_469 = arith.index_cast %parallel_loop3A_468 : i32 to index
        %parallel_loop3A_470 = arith.constant 144 : index
        %parallel_loop3A_471 = tpu.vector_load %arg5[%parallel_loop3A_469, %parallel_loop3A_470] {strides = array<i32>} : memref<128x256xf32, #tpu.memory_space<vmem>>, vector<16xf32>,
        %parallel_loop3A_472 = vector.broadcast %parallel_loop3A_143 : f32 to vector<16xf32>
        %parallel_loop3A_473 = arith.mulf %parallel_loop3A_471, %parallel_loop3A_472 : vector<16xf32>
        %parallel_loop3A_474 = arith.addf %parallel_loop3A_466, %parallel_loop3A_473 : vector<16xf32>
        %parallel_loop3A_475 = arith.constant 96 : i32
        %parallel_loop3A_476 = arith.addi %parallel_loop3A_475, %parallel_loop3A_130 : i32
        %parallel_loop3A_477 = arith.index_cast %parallel_loop3A_476 : i32 to index
        %parallel_loop3A_478 = arith.constant 144 : index
        %parallel_loop3A_479 = tpu.vector_load %arg5[%parallel_loop3A_477, %parallel_loop3A_478] {strides = array<i32>} : memref<128x256xf32, #tpu.memory_space<vmem>>, vector<16xf32>,
        %parallel_loop3A_480 = vector.broadcast %parallel_loop3A_145 : f32 to vector<16xf32>
        %parallel_loop3A_481 = arith.mulf %parallel_loop3A_479, %parallel_loop3A_480 : vector<16xf32>
        %parallel_loop3A_482 = arith.addf %parallel_loop3A_474, %parallel_loop3A_481 : vector<16xf32>
        %parallel_loop3A_483 = arith.index_cast %parallel_loop3A_130 : i32 to index
        %parallel_loop3A_484 = arith.constant 144 : index
        %parallel_loop3A_485 = tpu.vector_load %arg7[%parallel_loop3A_483, %parallel_loop3A_484] {strides = array<i32>} : memref<32x256xf32, #tpu.memory_space<vmem>>, vector<16xf32>,
        tpu.vector_store %arg7[%parallel_loop3A_483, %parallel_loop3A_484], %parallel_loop3A_482 {strides = array<i32>} : memref<32x256xf32, #tpu.memory_space<vmem>>, vector<16xf32>,
        %parallel_loop3A_486 = arith.constant 0 : i32
        %parallel_loop3A_487 = arith.addi %parallel_loop3A_486, %parallel_loop3A_130 : i32
        %parallel_loop3A_488 = arith.index_cast %parallel_loop3A_487 : i32 to index
        %parallel_loop3A_489 = arith.constant 160 : index
        %parallel_loop3A_490 = tpu.vector_load %arg5[%parallel_loop3A_488, %parallel_loop3A_489] {strides = array<i32>} : memref<128x256xf32, #tpu.memory_space<vmem>>, vector<16xf32>,
        %parallel_loop3A_491 = vector.broadcast %parallel_loop3A_139 : f32 to vector<16xf32>
        %parallel_loop3A_492 = arith.mulf %parallel_loop3A_490, %parallel_loop3A_491 : vector<16xf32>
        %parallel_loop3A_493 = arith.constant 32 : i32
        %parallel_loop3A_494 = arith.addi %parallel_loop3A_493, %parallel_loop3A_130 : i32
        %parallel_loop3A_495 = arith.index_cast %parallel_loop3A_494 : i32 to index
        %parallel_loop3A_496 = arith.constant 160 : index
        %parallel_loop3A_497 = tpu.vector_load %arg5[%parallel_loop3A_495, %parallel_loop3A_496] {strides = array<i32>} : memref<128x256xf32, #tpu.memory_space<vmem>>, vector<16xf32>,
        %parallel_loop3A_498 = vector.broadcast %parallel_loop3A_141 : f32 to vector<16xf32>
        %parallel_loop3A_499 = arith.mulf %parallel_loop3A_497, %parallel_loop3A_498 : vector<16xf32>
        %parallel_loop3A_500 = arith.addf %parallel_loop3A_492, %parallel_loop3A_499 : vector<16xf32>
        %parallel_loop3A_501 = arith.constant 64 : i32
        %parallel_loop3A_502 = arith.addi %parallel_loop3A_501, %parallel_loop3A_130 : i32
        %parallel_loop3A_503 = arith.index_cast %parallel_loop3A_502 : i32 to index
        %parallel_loop3A_504 = arith.constant 160 : index
        %parallel_loop3A_505 = tpu.vector_load %arg5[%parallel_loop3A_503, %parallel_loop3A_504] {strides = array<i32>} : memref<128x256xf32, #tpu.memory_space<vmem>>, vector<16xf32>,
        %parallel_loop3A_506 = vector.broadcast %parallel_loop3A_143 : f32 to vector<16xf32>
        %parallel_loop3A_507 = arith.mulf %parallel_loop3A_505, %parallel_loop3A_506 : vector<16xf32>
        %parallel_loop3A_508 = arith.addf %parallel_loop3A_500, %parallel_loop3A_507 : vector<16xf32>
        %parallel_loop3A_509 = arith.constant 96 : i32
        %parallel_loop3A_510 = arith.addi %parallel_loop3A_509, %parallel_loop3A_130 : i32
        %parallel_loop3A_511 = arith.index_cast %parallel_loop3A_510 : i32 to index
        %parallel_loop3A_512 = arith.constant 160 : index
        %parallel_loop3A_513 = tpu.vector_load %arg5[%parallel_loop3A_511, %parallel_loop3A_512] {strides = array<i32>} : memref<128x256xf32, #tpu.memory_space<vmem>>, vector<16xf32>,
        %parallel_loop3A_514 = vector.broadcast %parallel_loop3A_145 : f32 to vector<16xf32>
        %parallel_loop3A_515 = arith.mulf %parallel_loop3A_513, %parallel_loop3A_514 : vector<16xf32>
        %parallel_loop3A_516 = arith.addf %parallel_loop3A_508, %parallel_loop3A_515 : vector<16xf32>
        %parallel_loop3A_517 = arith.index_cast %parallel_loop3A_130 : i32 to index
        %parallel_loop3A_518 = arith.constant 160 : index
        %parallel_loop3A_519 = tpu.vector_load %arg7[%parallel_loop3A_517, %parallel_loop3A_518] {strides = array<i32>} : memref<32x256xf32, #tpu.memory_space<vmem>>, vector<16xf32>,
        tpu.vector_store %arg7[%parallel_loop3A_517, %parallel_loop3A_518], %parallel_loop3A_516 {strides = array<i32>} : memref<32x256xf32, #tpu.memory_space<vmem>>, vector<16xf32>,
        %parallel_loop3A_520 = arith.constant 0 : i32
        %parallel_loop3A_521 = arith.addi %parallel_loop3A_520, %parallel_loop3A_130 : i32
        %parallel_loop3A_522 = arith.index_cast %parallel_loop3A_521 : i32 to index
        %parallel_loop3A_523 = arith.constant 176 : index
        %parallel_loop3A_524 = tpu.vector_load %arg5[%parallel_loop3A_522, %parallel_loop3A_523] {strides = array<i32>} : memref<128x256xf32, #tpu.memory_space<vmem>>, vector<16xf32>,
        %parallel_loop3A_525 = vector.broadcast %parallel_loop3A_139 : f32 to vector<16xf32>
        %parallel_loop3A_526 = arith.mulf %parallel_loop3A_524, %parallel_loop3A_525 : vector<16xf32>
        %parallel_loop3A_527 = arith.constant 32 : i32
        %parallel_loop3A_528 = arith.addi %parallel_loop3A_527, %parallel_loop3A_130 : i32
        %parallel_loop3A_529 = arith.index_cast %parallel_loop3A_528 : i32 to index
        %parallel_loop3A_530 = arith.constant 176 : index
        %parallel_loop3A_531 = tpu.vector_load %arg5[%parallel_loop3A_529, %parallel_loop3A_530] {strides = array<i32>} : memref<128x256xf32, #tpu.memory_space<vmem>>, vector<16xf32>,
        %parallel_loop3A_532 = vector.broadcast %parallel_loop3A_141 : f32 to vector<16xf32>
        %parallel_loop3A_533 = arith.mulf %parallel_loop3A_531, %parallel_loop3A_532 : vector<16xf32>
        %parallel_loop3A_534 = arith.addf %parallel_loop3A_526, %parallel_loop3A_533 : vector<16xf32>
        %parallel_loop3A_535 = arith.constant 64 : i32
        %parallel_loop3A_536 = arith.addi %parallel_loop3A_535, %parallel_loop3A_130 : i32
        %parallel_loop3A_537 = arith.index_cast %parallel_loop3A_536 : i32 to index
        %parallel_loop3A_538 = arith.constant 176 : index
        %parallel_loop3A_539 = tpu.vector_load %arg5[%parallel_loop3A_537, %parallel_loop3A_538] {strides = array<i32>} : memref<128x256xf32, #tpu.memory_space<vmem>>, vector<16xf32>,
        %parallel_loop3A_540 = vector.broadcast %parallel_loop3A_143 : f32 to vector<16xf32>
        %parallel_loop3A_541 = arith.mulf %parallel_loop3A_539, %parallel_loop3A_540 : vector<16xf32>
        %parallel_loop3A_542 = arith.addf %parallel_loop3A_534, %parallel_loop3A_541 : vector<16xf32>
        %parallel_loop3A_543 = arith.constant 96 : i32
        %parallel_loop3A_544 = arith.addi %parallel_loop3A_543, %parallel_loop3A_130 : i32
        %parallel_loop3A_545 = arith.index_cast %parallel_loop3A_544 : i32 to index
        %parallel_loop3A_546 = arith.constant 176 : index
        %parallel_loop3A_547 = tpu.vector_load %arg5[%parallel_loop3A_545, %parallel_loop3A_546] {strides = array<i32>} : memref<128x256xf32, #tpu.memory_space<vmem>>, vector<16xf32>,
        %parallel_loop3A_548 = vector.broadcast %parallel_loop3A_145 : f32 to vector<16xf32>
        %parallel_loop3A_549 = arith.mulf %parallel_loop3A_547, %parallel_loop3A_548 : vector<16xf32>
        %parallel_loop3A_550 = arith.addf %parallel_loop3A_542, %parallel_loop3A_549 : vector<16xf32>
        %parallel_loop3A_551 = arith.index_cast %parallel_loop3A_130 : i32 to index
        %parallel_loop3A_552 = arith.constant 176 : index
        %parallel_loop3A_553 = tpu.vector_load %arg7[%parallel_loop3A_551, %parallel_loop3A_552] {strides = array<i32>} : memref<32x256xf32, #tpu.memory_space<vmem>>, vector<16xf32>,
        tpu.vector_store %arg7[%parallel_loop3A_551, %parallel_loop3A_552], %parallel_loop3A_550 {strides = array<i32>} : memref<32x256xf32, #tpu.memory_space<vmem>>, vector<16xf32>,
        %parallel_loop3A_554 = arith.constant 0 : i32
        %parallel_loop3A_555 = arith.addi %parallel_loop3A_554, %parallel_loop3A_130 : i32
        %parallel_loop3A_556 = arith.index_cast %parallel_loop3A_555 : i32 to index
        %parallel_loop3A_557 = arith.constant 192 : index
        %parallel_loop3A_558 = tpu.vector_load %arg5[%parallel_loop3A_556, %parallel_loop3A_557] {strides = array<i32>} : memref<128x256xf32, #tpu.memory_space<vmem>>, vector<16xf32>,
        %parallel_loop3A_559 = vector.broadcast %parallel_loop3A_139 : f32 to vector<16xf32>
        %parallel_loop3A_560 = arith.mulf %parallel_loop3A_558, %parallel_loop3A_559 : vector<16xf32>
        %parallel_loop3A_561 = arith.constant 32 : i32
        %parallel_loop3A_562 = arith.addi %parallel_loop3A_561, %parallel_loop3A_130 : i32
        %parallel_loop3A_563 = arith.index_cast %parallel_loop3A_562 : i32 to index
        %parallel_loop3A_564 = arith.constant 192 : index
        %parallel_loop3A_565 = tpu.vector_load %arg5[%parallel_loop3A_563, %parallel_loop3A_564] {strides = array<i32>} : memref<128x256xf32, #tpu.memory_space<vmem>>, vector<16xf32>,
        %parallel_loop3A_566 = vector.broadcast %parallel_loop3A_141 : f32 to vector<16xf32>
        %parallel_loop3A_567 = arith.mulf %parallel_loop3A_565, %parallel_loop3A_566 : vector<16xf32>
        %parallel_loop3A_568 = arith.addf %parallel_loop3A_560, %parallel_loop3A_567 : vector<16xf32>
        %parallel_loop3A_569 = arith.constant 64 : i32
        %parallel_loop3A_570 = arith.addi %parallel_loop3A_569, %parallel_loop3A_130 : i32
        %parallel_loop3A_571 = arith.index_cast %parallel_loop3A_570 : i32 to index
        %parallel_loop3A_572 = arith.constant 192 : index
        %parallel_loop3A_573 = tpu.vector_load %arg5[%parallel_loop3A_571, %parallel_loop3A_572] {strides = array<i32>} : memref<128x256xf32, #tpu.memory_space<vmem>>, vector<16xf32>,
        %parallel_loop3A_574 = vector.broadcast %parallel_loop3A_143 : f32 to vector<16xf32>
        %parallel_loop3A_575 = arith.mulf %parallel_loop3A_573, %parallel_loop3A_574 : vector<16xf32>
        %parallel_loop3A_576 = arith.addf %parallel_loop3A_568, %parallel_loop3A_575 : vector<16xf32>
        %parallel_loop3A_577 = arith.constant 96 : i32
        %parallel_loop3A_578 = arith.addi %parallel_loop3A_577, %parallel_loop3A_130 : i32
        %parallel_loop3A_579 = arith.index_cast %parallel_loop3A_578 : i32 to index
        %parallel_loop3A_580 = arith.constant 192 : index
        %parallel_loop3A_581 = tpu.vector_load %arg5[%parallel_loop3A_579, %parallel_loop3A_580] {strides = array<i32>} : memref<128x256xf32, #tpu.memory_space<vmem>>, vector<16xf32>,
        %parallel_loop3A_582 = vector.broadcast %parallel_loop3A_145 : f32 to vector<16xf32>
        %parallel_loop3A_583 = arith.mulf %parallel_loop3A_581, %parallel_loop3A_582 : vector<16xf32>
        %parallel_loop3A_584 = arith.addf %parallel_loop3A_576, %parallel_loop3A_583 : vector<16xf32>
        %parallel_loop3A_585 = arith.index_cast %parallel_loop3A_130 : i32 to index
        %parallel_loop3A_586 = arith.constant 192 : index
        %parallel_loop3A_587 = tpu.vector_load %arg7[%parallel_loop3A_585, %parallel_loop3A_586] {strides = array<i32>} : memref<32x256xf32, #tpu.memory_space<vmem>>, vector<16xf32>,
        tpu.vector_store %arg7[%parallel_loop3A_585, %parallel_loop3A_586], %parallel_loop3A_584 {strides = array<i32>} : memref<32x256xf32, #tpu.memory_space<vmem>>, vector<16xf32>,
        %parallel_loop3A_588 = arith.constant 0 : i32
        %parallel_loop3A_589 = arith.addi %parallel_loop3A_588, %parallel_loop3A_130 : i32
        %parallel_loop3A_590 = arith.index_cast %parallel_loop3A_589 : i32 to index
        %parallel_loop3A_591 = arith.constant 208 : index
        %parallel_loop3A_592 = tpu.vector_load %arg5[%parallel_loop3A_590, %parallel_loop3A_591] {strides = array<i32>} : memref<128x256xf32, #tpu.memory_space<vmem>>, vector<16xf32>,
        %parallel_loop3A_593 = vector.broadcast %parallel_loop3A_139 : f32 to vector<16xf32>
        %parallel_loop3A_594 = arith.mulf %parallel_loop3A_592, %parallel_loop3A_593 : vector<16xf32>
        %parallel_loop3A_595 = arith.constant 32 : i32
        %parallel_loop3A_596 = arith.addi %parallel_loop3A_595, %parallel_loop3A_130 : i32
        %parallel_loop3A_597 = arith.index_cast %parallel_loop3A_596 : i32 to index
        %parallel_loop3A_598 = arith.constant 208 : index
        %parallel_loop3A_599 = tpu.vector_load %arg5[%parallel_loop3A_597, %parallel_loop3A_598] {strides = array<i32>} : memref<128x256xf32, #tpu.memory_space<vmem>>, vector<16xf32>,
        %parallel_loop3A_600 = vector.broadcast %parallel_loop3A_141 : f32 to vector<16xf32>
        %parallel_loop3A_601 = arith.mulf %parallel_loop3A_599, %parallel_loop3A_600 : vector<16xf32>
        %parallel_loop3A_602 = arith.addf %parallel_loop3A_594, %parallel_loop3A_601 : vector<16xf32>
        %parallel_loop3A_603 = arith.constant 64 : i32
        %parallel_loop3A_604 = arith.addi %parallel_loop3A_603, %parallel_loop3A_130 : i32
        %parallel_loop3A_605 = arith.index_cast %parallel_loop3A_604 : i32 to index
        %parallel_loop3A_606 = arith.constant 208 : index
        %parallel_loop3A_607 = tpu.vector_load %arg5[%parallel_loop3A_605, %parallel_loop3A_606] {strides = array<i32>} : memref<128x256xf32, #tpu.memory_space<vmem>>, vector<16xf32>,
        %parallel_loop3A_608 = vector.broadcast %parallel_loop3A_143 : f32 to vector<16xf32>
        %parallel_loop3A_609 = arith.mulf %parallel_loop3A_607, %parallel_loop3A_608 : vector<16xf32>
        %parallel_loop3A_610 = arith.addf %parallel_loop3A_602, %parallel_loop3A_609 : vector<16xf32>
        %parallel_loop3A_611 = arith.constant 96 : i32
        %parallel_loop3A_612 = arith.addi %parallel_loop3A_611, %parallel_loop3A_130 : i32
        %parallel_loop3A_613 = arith.index_cast %parallel_loop3A_612 : i32 to index
        %parallel_loop3A_614 = arith.constant 208 : index
        %parallel_loop3A_615 = tpu.vector_load %arg5[%parallel_loop3A_613, %parallel_loop3A_614] {strides = array<i32>} : memref<128x256xf32, #tpu.memory_space<vmem>>, vector<16xf32>,
        %parallel_loop3A_616 = vector.broadcast %parallel_loop3A_145 : f32 to vector<16xf32>
        %parallel_loop3A_617 = arith.mulf %parallel_loop3A_615, %parallel_loop3A_616 : vector<16xf32>
        %parallel_loop3A_618 = arith.addf %parallel_loop3A_610, %parallel_loop3A_617 : vector<16xf32>
        %parallel_loop3A_619 = arith.index_cast %parallel_loop3A_130 : i32 to index
        %parallel_loop3A_620 = arith.constant 208 : index
        %parallel_loop3A_621 = tpu.vector_load %arg7[%parallel_loop3A_619, %parallel_loop3A_620] {strides = array<i32>} : memref<32x256xf32, #tpu.memory_space<vmem>>, vector<16xf32>,
        tpu.vector_store %arg7[%parallel_loop3A_619, %parallel_loop3A_620], %parallel_loop3A_618 {strides = array<i32>} : memref<32x256xf32, #tpu.memory_space<vmem>>, vector<16xf32>,
        %parallel_loop3A_622 = arith.constant 0 : i32
        %parallel_loop3A_623 = arith.addi %parallel_loop3A_622, %parallel_loop3A_130 : i32
        %parallel_loop3A_624 = arith.index_cast %parallel_loop3A_623 : i32 to index
        %parallel_loop3A_625 = arith.constant 224 : index
        %parallel_loop3A_626 = tpu.vector_load %arg5[%parallel_loop3A_624, %parallel_loop3A_625] {strides = array<i32>} : memref<128x256xf32, #tpu.memory_space<vmem>>, vector<16xf32>,
        %parallel_loop3A_627 = vector.broadcast %parallel_loop3A_139 : f32 to vector<16xf32>
        %parallel_loop3A_628 = arith.mulf %parallel_loop3A_626, %parallel_loop3A_627 : vector<16xf32>
        %parallel_loop3A_629 = arith.constant 32 : i32
        %parallel_loop3A_630 = arith.addi %parallel_loop3A_629, %parallel_loop3A_130 : i32
        %parallel_loop3A_631 = arith.index_cast %parallel_loop3A_630 : i32 to index
        %parallel_loop3A_632 = arith.constant 224 : index
        %parallel_loop3A_633 = tpu.vector_load %arg5[%parallel_loop3A_631, %parallel_loop3A_632] {strides = array<i32>} : memref<128x256xf32, #tpu.memory_space<vmem>>, vector<16xf32>,
        %parallel_loop3A_634 = vector.broadcast %parallel_loop3A_141 : f32 to vector<16xf32>
        %parallel_loop3A_635 = arith.mulf %parallel_loop3A_633, %parallel_loop3A_634 : vector<16xf32>
        %parallel_loop3A_636 = arith.addf %parallel_loop3A_628, %parallel_loop3A_635 : vector<16xf32>
        %parallel_loop3A_637 = arith.constant 64 : i32
        %parallel_loop3A_638 = arith.addi %parallel_loop3A_637, %parallel_loop3A_130 : i32
        %parallel_loop3A_639 = arith.index_cast %parallel_loop3A_638 : i32 to index
        %parallel_loop3A_640 = arith.constant 224 : index
        %parallel_loop3A_641 = tpu.vector_load %arg5[%parallel_loop3A_639, %parallel_loop3A_640] {strides = array<i32>} : memref<128x256xf32, #tpu.memory_space<vmem>>, vector<16xf32>,
        %parallel_loop3A_642 = vector.broadcast %parallel_loop3A_143 : f32 to vector<16xf32>
        %parallel_loop3A_643 = arith.mulf %parallel_loop3A_641, %parallel_loop3A_642 : vector<16xf32>
        %parallel_loop3A_644 = arith.addf %parallel_loop3A_636, %parallel_loop3A_643 : vector<16xf32>
        %parallel_loop3A_645 = arith.constant 96 : i32
        %parallel_loop3A_646 = arith.addi %parallel_loop3A_645, %parallel_loop3A_130 : i32
        %parallel_loop3A_647 = arith.index_cast %parallel_loop3A_646 : i32 to index
        %parallel_loop3A_648 = arith.constant 224 : index
        %parallel_loop3A_649 = tpu.vector_load %arg5[%parallel_loop3A_647, %parallel_loop3A_648] {strides = array<i32>} : memref<128x256xf32, #tpu.memory_space<vmem>>, vector<16xf32>,
        %parallel_loop3A_650 = vector.broadcast %parallel_loop3A_145 : f32 to vector<16xf32>
        %parallel_loop3A_651 = arith.mulf %parallel_loop3A_649, %parallel_loop3A_650 : vector<16xf32>
        %parallel_loop3A_652 = arith.addf %parallel_loop3A_644, %parallel_loop3A_651 : vector<16xf32>
        %parallel_loop3A_653 = arith.index_cast %parallel_loop3A_130 : i32 to index
        %parallel_loop3A_654 = arith.constant 224 : index
        %parallel_loop3A_655 = tpu.vector_load %arg7[%parallel_loop3A_653, %parallel_loop3A_654] {strides = array<i32>} : memref<32x256xf32, #tpu.memory_space<vmem>>, vector<16xf32>,
        tpu.vector_store %arg7[%parallel_loop3A_653, %parallel_loop3A_654], %parallel_loop3A_652 {strides = array<i32>} : memref<32x256xf32, #tpu.memory_space<vmem>>, vector<16xf32>,
        %parallel_loop3A_656 = arith.constant 0 : i32
        %parallel_loop3A_657 = arith.addi %parallel_loop3A_656, %parallel_loop3A_130 : i32
        %parallel_loop3A_658 = arith.index_cast %parallel_loop3A_657 : i32 to index
        %parallel_loop3A_659 = arith.constant 240 : index
        %parallel_loop3A_660 = tpu.vector_load %arg5[%parallel_loop3A_658, %parallel_loop3A_659] {strides = array<i32>} : memref<128x256xf32, #tpu.memory_space<vmem>>, vector<16xf32>,
        %parallel_loop3A_661 = vector.broadcast %parallel_loop3A_139 : f32 to vector<16xf32>
        %parallel_loop3A_662 = arith.mulf %parallel_loop3A_660, %parallel_loop3A_661 : vector<16xf32>
        %parallel_loop3A_663 = arith.constant 32 : i32
        %parallel_loop3A_664 = arith.addi %parallel_loop3A_663, %parallel_loop3A_130 : i32
        %parallel_loop3A_665 = arith.index_cast %parallel_loop3A_664 : i32 to index
        %parallel_loop3A_666 = arith.constant 240 : index
        %parallel_loop3A_667 = tpu.vector_load %arg5[%parallel_loop3A_665, %parallel_loop3A_666] {strides = array<i32>} : memref<128x256xf32, #tpu.memory_space<vmem>>, vector<16xf32>,
        %parallel_loop3A_668 = vector.broadcast %parallel_loop3A_141 : f32 to vector<16xf32>
        %parallel_loop3A_669 = arith.mulf %parallel_loop3A_667, %parallel_loop3A_668 : vector<16xf32>
        %parallel_loop3A_670 = arith.addf %parallel_loop3A_662, %parallel_loop3A_669 : vector<16xf32>
        %parallel_loop3A_671 = arith.constant 64 : i32
        %parallel_loop3A_672 = arith.addi %parallel_loop3A_671, %parallel_loop3A_130 : i32
        %parallel_loop3A_673 = arith.index_cast %parallel_loop3A_672 : i32 to index
        %parallel_loop3A_674 = arith.constant 240 : index
        %parallel_loop3A_675 = tpu.vector_load %arg5[%parallel_loop3A_673, %parallel_loop3A_674] {strides = array<i32>} : memref<128x256xf32, #tpu.memory_space<vmem>>, vector<16xf32>,
        %parallel_loop3A_676 = vector.broadcast %parallel_loop3A_143 : f32 to vector<16xf32>
        %parallel_loop3A_677 = arith.mulf %parallel_loop3A_675, %parallel_loop3A_676 : vector<16xf32>
        %parallel_loop3A_678 = arith.addf %parallel_loop3A_670, %parallel_loop3A_677 : vector<16xf32>
        %parallel_loop3A_679 = arith.constant 96 : i32
        %parallel_loop3A_680 = arith.addi %parallel_loop3A_679, %parallel_loop3A_130 : i32
        %parallel_loop3A_681 = arith.index_cast %parallel_loop3A_680 : i32 to index
        %parallel_loop3A_682 = arith.constant 240 : index
        %parallel_loop3A_683 = tpu.vector_load %arg5[%parallel_loop3A_681, %parallel_loop3A_682] {strides = array<i32>} : memref<128x256xf32, #tpu.memory_space<vmem>>, vector<16xf32>,
        %parallel_loop3A_684 = vector.broadcast %parallel_loop3A_145 : f32 to vector<16xf32>
        %parallel_loop3A_685 = arith.mulf %parallel_loop3A_683, %parallel_loop3A_684 : vector<16xf32>
        %parallel_loop3A_686 = arith.addf %parallel_loop3A_678, %parallel_loop3A_685 : vector<16xf32>
        %parallel_loop3A_687 = arith.index_cast %parallel_loop3A_130 : i32 to index
        %parallel_loop3A_688 = arith.constant 240 : index
        %parallel_loop3A_689 = tpu.vector_load %arg7[%parallel_loop3A_687, %parallel_loop3A_688] {strides = array<i32>} : memref<32x256xf32, #tpu.memory_space<vmem>>, vector<16xf32>,
        tpu.vector_store %arg7[%parallel_loop3A_687, %parallel_loop3A_688], %parallel_loop3A_686 {strides = array<i32>} : memref<32x256xf32, #tpu.memory_space<vmem>>, vector<16xf32>,
      } {sc.loop_unroll_factor = 1 : i64, sc.parallel_access}
      %mul3A_86 = arith.constant 32 : i32
      %mul3A_87 = arith.muli %mul3A_74, %mul3A_86 : i32
      %add3A_88 = arith.addi %mul3A_18, %mul3A_87 : i32
      %dma_start3A_89 = arith.constant 0 : i32
      %dma_start3A_90 = tpu.memref_slice %arg4[%add3A_88, %dma_start3A_89] : memref<16384x256xf32, #tpu.memory_space<hbm>> -> memref<32x256xf32, #tpu.memory_space<hbm>>
      %dma_start3A_91 = arith.constant 0 : i32
      %dma_start3A_92 = tpu.memref_slice %arg4[%add3A_88, %dma_start3A_91] : memref<16384x256xf32, #tpu.memory_space<hbm>> -> memref<32x256xf32, #tpu.memory_space<hbm>>
      tpu.enqueue_dma source(%arg7 : memref<32x256xf32, #tpu.memory_space<vmem>>) target(%dma_start3A_92 : memref<32x256xf32, #tpu.memory_space<hbm>>) target_semaphore(%arg15 : memref<!tpu.dma_semaphore, #tpu.memory_space<semaphore_mem>>)
      %lt3A_93 = arith.constant 7 : i32
      %lt3A_94 = arith.cmpi slt, %scan3A_72, %lt3A_93 : i32
      %convert_element_type3A_95 = arith.extui %lt3A_94 : i1 to i32
      %cond3A_96 = arith.constant 0 : i32
      %cond3A_97 = arith.cmpi ne, %convert_element_type3A_95, %cond3A_96 : i32
      scf.if %cond3A_97 {
        %add3A_130 = arith.constant 2 : i32
        %add3A_131 = arith.addi %mul3A_74, %add3A_130 : i32
        %dma_start3A_132 = arith.constant 0 : i32
        %dma_start3A_133 = tpu.memref_slice %arg9[%add3A_131, %dma_start3A_132] : memref<16x128xi32, #tpu.memory_space<vmem>> -> memref<1x128xi32, #tpu.memory_space<vmem>>
        %dma_start3A_134 = tpu.memref_squeeze %dma_start3A_133 : memref<1x128xi32, #tpu.memory_space<vmem>> -> memref<128xi32, #tpu.memory_space<vmem>>
        %dma_start3A_135 = arith.constant 0 : i32
        %dma_start3A_136 = arith.constant 0 : i32
        %dma_start3A_137 = tpu.memref_slice %arg2[%dma_start3A_135, %dma_start3A_136] : memref<123904x256xf32, #tpu.memory_space<hbm>> -> memref<123904x256xf32, #tpu.memory_space<hbm>>
        tpu.enqueue_indirect_dma source(%dma_start3A_137 : memref<123904x256xf32, #tpu.memory_space<hbm>>) target(%arg5 : memref<128x256xf32, #tpu.memory_space<vmem>>) offsets(%dma_start3A_134 : memref<128xi32, #tpu.memory_space<vmem>>) semaphore(%arg13 : memref<!tpu.dma_semaphore, #tpu.memory_space<semaphore_mem>>)
      } else {
      }
      %ge3A_98 = arith.constant 1 : i32
      %ge3A_99 = arith.cmpi sge, %scan3A_72, %ge3A_98 : i32
      %convert_element_type3A_100 = arith.extui %ge3A_99 : i1 to i32
      %cond3A_101 = arith.constant 0 : i32
      %cond3A_102 = arith.cmpi ne, %convert_element_type3A_100, %cond3A_101 : i32
      scf.if %cond3A_102 {
        %sub3A_130 = arith.constant 1 : i32
        %sub3A_131 = arith.subi %mul3A_74, %sub3A_130 : i32
        %mul3A_132 = arith.constant 32 : i32
        %mul3A_133 = arith.muli %sub3A_131, %mul3A_132 : i32
        %add3A_134 = arith.addi %mul3A_18, %mul3A_133 : i32
        %dma_wait3A_135 = arith.constant 0 : i32
        %dma_wait3A_136 = tpu.memref_slice %arg4[%add3A_134, %dma_wait3A_135] : memref<16384x256xf32, #tpu.memory_space<hbm>> -> memref<32x256xf32, #tpu.memory_space<hbm>>
        %dma_wait3A_137 = arith.constant 0 : i32
        %dma_wait3A_138 = tpu.memref_slice %arg4[%add3A_134, %dma_wait3A_137] : memref<16384x256xf32, #tpu.memory_space<hbm>> -> memref<32x256xf32, #tpu.memory_space<hbm>>
        tpu.wait_dma2 semaphore(%arg16 : memref<!tpu.dma_semaphore, #tpu.memory_space<semaphore_mem>>) src(%arg8 : memref<32x256xf32, #tpu.memory_space<vmem>>) dst(%dma_wait3A_138 : memref<32x256xf32, #tpu.memory_space<hbm>>)
      } else {
      }
      %add3A_103 = arith.constant 1 : i32
      %add3A_104 = arith.addi %mul3A_74, %add3A_103 : i32
      %dma_wait3A_105 = arith.constant 0 : i32
      %dma_wait3A_106 = tpu.memref_slice %arg9[%add3A_104, %dma_wait3A_105] : memref<16x128xi32, #tpu.memory_space<vmem>> -> memref<1x128xi32, #tpu.memory_space<vmem>>
      %dma_wait3A_107 = tpu.memref_squeeze %dma_wait3A_106 : memref<1x128xi32, #tpu.memory_space<vmem>> -> memref<128xi32, #tpu.memory_space<vmem>>
      %dma_wait3A_108 = arith.constant 0 : i32
      %dma_wait3A_109 = arith.constant 0 : i32
      %dma_wait3A_110 = tpu.memref_slice %arg2[%dma_wait3A_108, %dma_wait3A_109] : memref<123904x256xf32, #tpu.memory_space<hbm>> -> memref<123904x256xf32, #tpu.memory_space<hbm>>
      tpu.wait_indirect_dma semaphore(%arg14 : memref<!tpu.dma_semaphore, #tpu.memory_space<semaphore_mem>>) src(%dma_wait3A_110 : memref<123904x256xf32, #tpu.memory_space<hbm>>) dst(%arg6 : memref<128x256xf32, #tpu.memory_space<vmem>>)
      %add3A_111 = arith.constant 1 : i32
      %add3A_112 = arith.addi %mul3A_74, %add3A_111 : i32
      %parallel_loop3A_113 = arith.constant 0 : i32
      %parallel_loop3A_114 = arith.constant 32 : i32
      %parallel_loop3A_115 = arith.constant 1 : i32
      scf.for %parallel_loop3A_130 = %parallel_loop3A_113 to %parallel_loop3A_114 step %parallel_loop3A_115  : i32 {
        %parallel_loop3A_131 = arith.constant 32 : i32
        %parallel_loop3A_132 = arith.muli %add3A_112, %parallel_loop3A_131 : i32
        %parallel_loop3A_133 = arith.addi %parallel_loop3A_132, %parallel_loop3A_130 : i32
        %parallel_loop3A_134 = arith.constant 4 : i32
        %parallel_loop3A_135 = arith.muli %parallel_loop3A_133, %parallel_loop3A_134 : i32
        %parallel_loop3A_136 = arith.index_cast %parallel_loop3A_135 : i32 to index
        %parallel_loop3A_137 = tpu.vector_load %arg10[%parallel_loop3A_136] {strides = array<i32>} : memref<2064xf32, #tpu.memory_space<vmem>>, vector<16xf32>,
        %parallel_loop3A_138 = vector.extract_strided_slice %parallel_loop3A_137 {offsets = [0], sizes = [1], strides = [1]} : vector<16xf32> to vector<1xf32>
        %parallel_loop3A_139 = vector.extract %parallel_loop3A_138[0] : f32 from vector<1xf32>
        %parallel_loop3A_140 = vector.extract_strided_slice %parallel_loop3A_137 {offsets = [1], sizes = [1], strides = [1]} : vector<16xf32> to vector<1xf32>
        %parallel_loop3A_141 = vector.extract %parallel_loop3A_140[0] : f32 from vector<1xf32>
        %parallel_loop3A_142 = vector.extract_strided_slice %parallel_loop3A_137 {offsets = [2], sizes = [1], strides = [1]} : vector<16xf32> to vector<1xf32>
        %parallel_loop3A_143 = vector.extract %parallel_loop3A_142[0] : f32 from vector<1xf32>
        %parallel_loop3A_144 = vector.extract_strided_slice %parallel_loop3A_137 {offsets = [3], sizes = [1], strides = [1]} : vector<16xf32> to vector<1xf32>
        %parallel_loop3A_145 = vector.extract %parallel_loop3A_144[0] : f32 from vector<1xf32>
        %parallel_loop3A_146 = arith.constant 0 : i32
        %parallel_loop3A_147 = arith.addi %parallel_loop3A_146, %parallel_loop3A_130 : i32
        %parallel_loop3A_148 = arith.index_cast %parallel_loop3A_147 : i32 to index
        %parallel_loop3A_149 = arith.constant 0 : index
        %parallel_loop3A_150 = tpu.vector_load %arg6[%parallel_loop3A_148, %parallel_loop3A_149] {strides = array<i32>} : memref<128x256xf32, #tpu.memory_space<vmem>>, vector<16xf32>,
        %parallel_loop3A_151 = vector.broadcast %parallel_loop3A_139 : f32 to vector<16xf32>
        %parallel_loop3A_152 = arith.mulf %parallel_loop3A_150, %parallel_loop3A_151 : vector<16xf32>
        %parallel_loop3A_153 = arith.constant 32 : i32
        %parallel_loop3A_154 = arith.addi %parallel_loop3A_153, %parallel_loop3A_130 : i32
        %parallel_loop3A_155 = arith.index_cast %parallel_loop3A_154 : i32 to index
        %parallel_loop3A_156 = arith.constant 0 : index
        %parallel_loop3A_157 = tpu.vector_load %arg6[%parallel_loop3A_155, %parallel_loop3A_156] {strides = array<i32>} : memref<128x256xf32, #tpu.memory_space<vmem>>, vector<16xf32>,
        %parallel_loop3A_158 = vector.broadcast %parallel_loop3A_141 : f32 to vector<16xf32>
        %parallel_loop3A_159 = arith.mulf %parallel_loop3A_157, %parallel_loop3A_158 : vector<16xf32>
        %parallel_loop3A_160 = arith.addf %parallel_loop3A_152, %parallel_loop3A_159 : vector<16xf32>
        %parallel_loop3A_161 = arith.constant 64 : i32
        %parallel_loop3A_162 = arith.addi %parallel_loop3A_161, %parallel_loop3A_130 : i32
        %parallel_loop3A_163 = arith.index_cast %parallel_loop3A_162 : i32 to index
        %parallel_loop3A_164 = arith.constant 0 : index
        %parallel_loop3A_165 = tpu.vector_load %arg6[%parallel_loop3A_163, %parallel_loop3A_164] {strides = array<i32>} : memref<128x256xf32, #tpu.memory_space<vmem>>, vector<16xf32>,
        %parallel_loop3A_166 = vector.broadcast %parallel_loop3A_143 : f32 to vector<16xf32>
        %parallel_loop3A_167 = arith.mulf %parallel_loop3A_165, %parallel_loop3A_166 : vector<16xf32>
        %parallel_loop3A_168 = arith.addf %parallel_loop3A_160, %parallel_loop3A_167 : vector<16xf32>
        %parallel_loop3A_169 = arith.constant 96 : i32
        %parallel_loop3A_170 = arith.addi %parallel_loop3A_169, %parallel_loop3A_130 : i32
        %parallel_loop3A_171 = arith.index_cast %parallel_loop3A_170 : i32 to index
        %parallel_loop3A_172 = arith.constant 0 : index
        %parallel_loop3A_173 = tpu.vector_load %arg6[%parallel_loop3A_171, %parallel_loop3A_172] {strides = array<i32>} : memref<128x256xf32, #tpu.memory_space<vmem>>, vector<16xf32>,
        %parallel_loop3A_174 = vector.broadcast %parallel_loop3A_145 : f32 to vector<16xf32>
        %parallel_loop3A_175 = arith.mulf %parallel_loop3A_173, %parallel_loop3A_174 : vector<16xf32>
        %parallel_loop3A_176 = arith.addf %parallel_loop3A_168, %parallel_loop3A_175 : vector<16xf32>
        %parallel_loop3A_177 = arith.index_cast %parallel_loop3A_130 : i32 to index
        %parallel_loop3A_178 = arith.constant 0 : index
        %parallel_loop3A_179 = tpu.vector_load %arg8[%parallel_loop3A_177, %parallel_loop3A_178] {strides = array<i32>} : memref<32x256xf32, #tpu.memory_space<vmem>>, vector<16xf32>,
        tpu.vector_store %arg8[%parallel_loop3A_177, %parallel_loop3A_178], %parallel_loop3A_176 {strides = array<i32>} : memref<32x256xf32, #tpu.memory_space<vmem>>, vector<16xf32>,
        %parallel_loop3A_180 = arith.constant 0 : i32
        %parallel_loop3A_181 = arith.addi %parallel_loop3A_180, %parallel_loop3A_130 : i32
        %parallel_loop3A_182 = arith.index_cast %parallel_loop3A_181 : i32 to index
        %parallel_loop3A_183 = arith.constant 16 : index
        %parallel_loop3A_184 = tpu.vector_load %arg6[%parallel_loop3A_182, %parallel_loop3A_183] {strides = array<i32>} : memref<128x256xf32, #tpu.memory_space<vmem>>, vector<16xf32>,
        %parallel_loop3A_185 = vector.broadcast %parallel_loop3A_139 : f32 to vector<16xf32>
        %parallel_loop3A_186 = arith.mulf %parallel_loop3A_184, %parallel_loop3A_185 : vector<16xf32>
        %parallel_loop3A_187 = arith.constant 32 : i32
        %parallel_loop3A_188 = arith.addi %parallel_loop3A_187, %parallel_loop3A_130 : i32
        %parallel_loop3A_189 = arith.index_cast %parallel_loop3A_188 : i32 to index
        %parallel_loop3A_190 = arith.constant 16 : index
        %parallel_loop3A_191 = tpu.vector_load %arg6[%parallel_loop3A_189, %parallel_loop3A_190] {strides = array<i32>} : memref<128x256xf32, #tpu.memory_space<vmem>>, vector<16xf32>,
        %parallel_loop3A_192 = vector.broadcast %parallel_loop3A_141 : f32 to vector<16xf32>
        %parallel_loop3A_193 = arith.mulf %parallel_loop3A_191, %parallel_loop3A_192 : vector<16xf32>
        %parallel_loop3A_194 = arith.addf %parallel_loop3A_186, %parallel_loop3A_193 : vector<16xf32>
        %parallel_loop3A_195 = arith.constant 64 : i32
        %parallel_loop3A_196 = arith.addi %parallel_loop3A_195, %parallel_loop3A_130 : i32
        %parallel_loop3A_197 = arith.index_cast %parallel_loop3A_196 : i32 to index
        %parallel_loop3A_198 = arith.constant 16 : index
        %parallel_loop3A_199 = tpu.vector_load %arg6[%parallel_loop3A_197, %parallel_loop3A_198] {strides = array<i32>} : memref<128x256xf32, #tpu.memory_space<vmem>>, vector<16xf32>,
        %parallel_loop3A_200 = vector.broadcast %parallel_loop3A_143 : f32 to vector<16xf32>
        %parallel_loop3A_201 = arith.mulf %parallel_loop3A_199, %parallel_loop3A_200 : vector<16xf32>
        %parallel_loop3A_202 = arith.addf %parallel_loop3A_194, %parallel_loop3A_201 : vector<16xf32>
        %parallel_loop3A_203 = arith.constant 96 : i32
        %parallel_loop3A_204 = arith.addi %parallel_loop3A_203, %parallel_loop3A_130 : i32
        %parallel_loop3A_205 = arith.index_cast %parallel_loop3A_204 : i32 to index
        %parallel_loop3A_206 = arith.constant 16 : index
        %parallel_loop3A_207 = tpu.vector_load %arg6[%parallel_loop3A_205, %parallel_loop3A_206] {strides = array<i32>} : memref<128x256xf32, #tpu.memory_space<vmem>>, vector<16xf32>,
        %parallel_loop3A_208 = vector.broadcast %parallel_loop3A_145 : f32 to vector<16xf32>
        %parallel_loop3A_209 = arith.mulf %parallel_loop3A_207, %parallel_loop3A_208 : vector<16xf32>
        %parallel_loop3A_210 = arith.addf %parallel_loop3A_202, %parallel_loop3A_209 : vector<16xf32>
        %parallel_loop3A_211 = arith.index_cast %parallel_loop3A_130 : i32 to index
        %parallel_loop3A_212 = arith.constant 16 : index
        %parallel_loop3A_213 = tpu.vector_load %arg8[%parallel_loop3A_211, %parallel_loop3A_212] {strides = array<i32>} : memref<32x256xf32, #tpu.memory_space<vmem>>, vector<16xf32>,
        tpu.vector_store %arg8[%parallel_loop3A_211, %parallel_loop3A_212], %parallel_loop3A_210 {strides = array<i32>} : memref<32x256xf32, #tpu.memory_space<vmem>>, vector<16xf32>,
        %parallel_loop3A_214 = arith.constant 0 : i32
        %parallel_loop3A_215 = arith.addi %parallel_loop3A_214, %parallel_loop3A_130 : i32
        %parallel_loop3A_216 = arith.index_cast %parallel_loop3A_215 : i32 to index
        %parallel_loop3A_217 = arith.constant 32 : index
        %parallel_loop3A_218 = tpu.vector_load %arg6[%parallel_loop3A_216, %parallel_loop3A_217] {strides = array<i32>} : memref<128x256xf32, #tpu.memory_space<vmem>>, vector<16xf32>,
        %parallel_loop3A_219 = vector.broadcast %parallel_loop3A_139 : f32 to vector<16xf32>
        %parallel_loop3A_220 = arith.mulf %parallel_loop3A_218, %parallel_loop3A_219 : vector<16xf32>
        %parallel_loop3A_221 = arith.constant 32 : i32
        %parallel_loop3A_222 = arith.addi %parallel_loop3A_221, %parallel_loop3A_130 : i32
        %parallel_loop3A_223 = arith.index_cast %parallel_loop3A_222 : i32 to index
        %parallel_loop3A_224 = arith.constant 32 : index
        %parallel_loop3A_225 = tpu.vector_load %arg6[%parallel_loop3A_223, %parallel_loop3A_224] {strides = array<i32>} : memref<128x256xf32, #tpu.memory_space<vmem>>, vector<16xf32>,
        %parallel_loop3A_226 = vector.broadcast %parallel_loop3A_141 : f32 to vector<16xf32>
        %parallel_loop3A_227 = arith.mulf %parallel_loop3A_225, %parallel_loop3A_226 : vector<16xf32>
        %parallel_loop3A_228 = arith.addf %parallel_loop3A_220, %parallel_loop3A_227 : vector<16xf32>
        %parallel_loop3A_229 = arith.constant 64 : i32
        %parallel_loop3A_230 = arith.addi %parallel_loop3A_229, %parallel_loop3A_130 : i32
        %parallel_loop3A_231 = arith.index_cast %parallel_loop3A_230 : i32 to index
        %parallel_loop3A_232 = arith.constant 32 : index
        %parallel_loop3A_233 = tpu.vector_load %arg6[%parallel_loop3A_231, %parallel_loop3A_232] {strides = array<i32>} : memref<128x256xf32, #tpu.memory_space<vmem>>, vector<16xf32>,
        %parallel_loop3A_234 = vector.broadcast %parallel_loop3A_143 : f32 to vector<16xf32>
        %parallel_loop3A_235 = arith.mulf %parallel_loop3A_233, %parallel_loop3A_234 : vector<16xf32>
        %parallel_loop3A_236 = arith.addf %parallel_loop3A_228, %parallel_loop3A_235 : vector<16xf32>
        %parallel_loop3A_237 = arith.constant 96 : i32
        %parallel_loop3A_238 = arith.addi %parallel_loop3A_237, %parallel_loop3A_130 : i32
        %parallel_loop3A_239 = arith.index_cast %parallel_loop3A_238 : i32 to index
        %parallel_loop3A_240 = arith.constant 32 : index
        %parallel_loop3A_241 = tpu.vector_load %arg6[%parallel_loop3A_239, %parallel_loop3A_240] {strides = array<i32>} : memref<128x256xf32, #tpu.memory_space<vmem>>, vector<16xf32>,
        %parallel_loop3A_242 = vector.broadcast %parallel_loop3A_145 : f32 to vector<16xf32>
        %parallel_loop3A_243 = arith.mulf %parallel_loop3A_241, %parallel_loop3A_242 : vector<16xf32>
        %parallel_loop3A_244 = arith.addf %parallel_loop3A_236, %parallel_loop3A_243 : vector<16xf32>
        %parallel_loop3A_245 = arith.index_cast %parallel_loop3A_130 : i32 to index
        %parallel_loop3A_246 = arith.constant 32 : index
        %parallel_loop3A_247 = tpu.vector_load %arg8[%parallel_loop3A_245, %parallel_loop3A_246] {strides = array<i32>} : memref<32x256xf32, #tpu.memory_space<vmem>>, vector<16xf32>,
        tpu.vector_store %arg8[%parallel_loop3A_245, %parallel_loop3A_246], %parallel_loop3A_244 {strides = array<i32>} : memref<32x256xf32, #tpu.memory_space<vmem>>, vector<16xf32>,
        %parallel_loop3A_248 = arith.constant 0 : i32
        %parallel_loop3A_249 = arith.addi %parallel_loop3A_248, %parallel_loop3A_130 : i32
        %parallel_loop3A_250 = arith.index_cast %parallel_loop3A_249 : i32 to index
        %parallel_loop3A_251 = arith.constant 48 : index
        %parallel_loop3A_252 = tpu.vector_load %arg6[%parallel_loop3A_250, %parallel_loop3A_251] {strides = array<i32>} : memref<128x256xf32, #tpu.memory_space<vmem>>, vector<16xf32>,
        %parallel_loop3A_253 = vector.broadcast %parallel_loop3A_139 : f32 to vector<16xf32>
        %parallel_loop3A_254 = arith.mulf %parallel_loop3A_252, %parallel_loop3A_253 : vector<16xf32>
        %parallel_loop3A_255 = arith.constant 32 : i32
        %parallel_loop3A_256 = arith.addi %parallel_loop3A_255, %parallel_loop3A_130 : i32
        %parallel_loop3A_257 = arith.index_cast %parallel_loop3A_256 : i32 to index
        %parallel_loop3A_258 = arith.constant 48 : index
        %parallel_loop3A_259 = tpu.vector_load %arg6[%parallel_loop3A_257, %parallel_loop3A_258] {strides = array<i32>} : memref<128x256xf32, #tpu.memory_space<vmem>>, vector<16xf32>,
        %parallel_loop3A_260 = vector.broadcast %parallel_loop3A_141 : f32 to vector<16xf32>
        %parallel_loop3A_261 = arith.mulf %parallel_loop3A_259, %parallel_loop3A_260 : vector<16xf32>
        %parallel_loop3A_262 = arith.addf %parallel_loop3A_254, %parallel_loop3A_261 : vector<16xf32>
        %parallel_loop3A_263 = arith.constant 64 : i32
        %parallel_loop3A_264 = arith.addi %parallel_loop3A_263, %parallel_loop3A_130 : i32
        %parallel_loop3A_265 = arith.index_cast %parallel_loop3A_264 : i32 to index
        %parallel_loop3A_266 = arith.constant 48 : index
        %parallel_loop3A_267 = tpu.vector_load %arg6[%parallel_loop3A_265, %parallel_loop3A_266] {strides = array<i32>} : memref<128x256xf32, #tpu.memory_space<vmem>>, vector<16xf32>,
        %parallel_loop3A_268 = vector.broadcast %parallel_loop3A_143 : f32 to vector<16xf32>
        %parallel_loop3A_269 = arith.mulf %parallel_loop3A_267, %parallel_loop3A_268 : vector<16xf32>
        %parallel_loop3A_270 = arith.addf %parallel_loop3A_262, %parallel_loop3A_269 : vector<16xf32>
        %parallel_loop3A_271 = arith.constant 96 : i32
        %parallel_loop3A_272 = arith.addi %parallel_loop3A_271, %parallel_loop3A_130 : i32
        %parallel_loop3A_273 = arith.index_cast %parallel_loop3A_272 : i32 to index
        %parallel_loop3A_274 = arith.constant 48 : index
        %parallel_loop3A_275 = tpu.vector_load %arg6[%parallel_loop3A_273, %parallel_loop3A_274] {strides = array<i32>} : memref<128x256xf32, #tpu.memory_space<vmem>>, vector<16xf32>,
        %parallel_loop3A_276 = vector.broadcast %parallel_loop3A_145 : f32 to vector<16xf32>
        %parallel_loop3A_277 = arith.mulf %parallel_loop3A_275, %parallel_loop3A_276 : vector<16xf32>
        %parallel_loop3A_278 = arith.addf %parallel_loop3A_270, %parallel_loop3A_277 : vector<16xf32>
        %parallel_loop3A_279 = arith.index_cast %parallel_loop3A_130 : i32 to index
        %parallel_loop3A_280 = arith.constant 48 : index
        %parallel_loop3A_281 = tpu.vector_load %arg8[%parallel_loop3A_279, %parallel_loop3A_280] {strides = array<i32>} : memref<32x256xf32, #tpu.memory_space<vmem>>, vector<16xf32>,
        tpu.vector_store %arg8[%parallel_loop3A_279, %parallel_loop3A_280], %parallel_loop3A_278 {strides = array<i32>} : memref<32x256xf32, #tpu.memory_space<vmem>>, vector<16xf32>,
        %parallel_loop3A_282 = arith.constant 0 : i32
        %parallel_loop3A_283 = arith.addi %parallel_loop3A_282, %parallel_loop3A_130 : i32
        %parallel_loop3A_284 = arith.index_cast %parallel_loop3A_283 : i32 to index
        %parallel_loop3A_285 = arith.constant 64 : index
        %parallel_loop3A_286 = tpu.vector_load %arg6[%parallel_loop3A_284, %parallel_loop3A_285] {strides = array<i32>} : memref<128x256xf32, #tpu.memory_space<vmem>>, vector<16xf32>,
        %parallel_loop3A_287 = vector.broadcast %parallel_loop3A_139 : f32 to vector<16xf32>
        %parallel_loop3A_288 = arith.mulf %parallel_loop3A_286, %parallel_loop3A_287 : vector<16xf32>
        %parallel_loop3A_289 = arith.constant 32 : i32
        %parallel_loop3A_290 = arith.addi %parallel_loop3A_289, %parallel_loop3A_130 : i32
        %parallel_loop3A_291 = arith.index_cast %parallel_loop3A_290 : i32 to index
        %parallel_loop3A_292 = arith.constant 64 : index
        %parallel_loop3A_293 = tpu.vector_load %arg6[%parallel_loop3A_291, %parallel_loop3A_292] {strides = array<i32>} : memref<128x256xf32, #tpu.memory_space<vmem>>, vector<16xf32>,
        %parallel_loop3A_294 = vector.broadcast %parallel_loop3A_141 : f32 to vector<16xf32>
        %parallel_loop3A_295 = arith.mulf %parallel_loop3A_293, %parallel_loop3A_294 : vector<16xf32>
        %parallel_loop3A_296 = arith.addf %parallel_loop3A_288, %parallel_loop3A_295 : vector<16xf32>
        %parallel_loop3A_297 = arith.constant 64 : i32
        %parallel_loop3A_298 = arith.addi %parallel_loop3A_297, %parallel_loop3A_130 : i32
        %parallel_loop3A_299 = arith.index_cast %parallel_loop3A_298 : i32 to index
        %parallel_loop3A_300 = arith.constant 64 : index
        %parallel_loop3A_301 = tpu.vector_load %arg6[%parallel_loop3A_299, %parallel_loop3A_300] {strides = array<i32>} : memref<128x256xf32, #tpu.memory_space<vmem>>, vector<16xf32>,
        %parallel_loop3A_302 = vector.broadcast %parallel_loop3A_143 : f32 to vector<16xf32>
        %parallel_loop3A_303 = arith.mulf %parallel_loop3A_301, %parallel_loop3A_302 : vector<16xf32>
        %parallel_loop3A_304 = arith.addf %parallel_loop3A_296, %parallel_loop3A_303 : vector<16xf32>
        %parallel_loop3A_305 = arith.constant 96 : i32
        %parallel_loop3A_306 = arith.addi %parallel_loop3A_305, %parallel_loop3A_130 : i32
        %parallel_loop3A_307 = arith.index_cast %parallel_loop3A_306 : i32 to index
        %parallel_loop3A_308 = arith.constant 64 : index
        %parallel_loop3A_309 = tpu.vector_load %arg6[%parallel_loop3A_307, %parallel_loop3A_308] {strides = array<i32>} : memref<128x256xf32, #tpu.memory_space<vmem>>, vector<16xf32>,
        %parallel_loop3A_310 = vector.broadcast %parallel_loop3A_145 : f32 to vector<16xf32>
        %parallel_loop3A_311 = arith.mulf %parallel_loop3A_309, %parallel_loop3A_310 : vector<16xf32>
        %parallel_loop3A_312 = arith.addf %parallel_loop3A_304, %parallel_loop3A_311 : vector<16xf32>
        %parallel_loop3A_313 = arith.index_cast %parallel_loop3A_130 : i32 to index
        %parallel_loop3A_314 = arith.constant 64 : index
        %parallel_loop3A_315 = tpu.vector_load %arg8[%parallel_loop3A_313, %parallel_loop3A_314] {strides = array<i32>} : memref<32x256xf32, #tpu.memory_space<vmem>>, vector<16xf32>,
        tpu.vector_store %arg8[%parallel_loop3A_313, %parallel_loop3A_314], %parallel_loop3A_312 {strides = array<i32>} : memref<32x256xf32, #tpu.memory_space<vmem>>, vector<16xf32>,
        %parallel_loop3A_316 = arith.constant 0 : i32
        %parallel_loop3A_317 = arith.addi %parallel_loop3A_316, %parallel_loop3A_130 : i32
        %parallel_loop3A_318 = arith.index_cast %parallel_loop3A_317 : i32 to index
        %parallel_loop3A_319 = arith.constant 80 : index
        %parallel_loop3A_320 = tpu.vector_load %arg6[%parallel_loop3A_318, %parallel_loop3A_319] {strides = array<i32>} : memref<128x256xf32, #tpu.memory_space<vmem>>, vector<16xf32>,
        %parallel_loop3A_321 = vector.broadcast %parallel_loop3A_139 : f32 to vector<16xf32>
        %parallel_loop3A_322 = arith.mulf %parallel_loop3A_320, %parallel_loop3A_321 : vector<16xf32>
        %parallel_loop3A_323 = arith.constant 32 : i32
        %parallel_loop3A_324 = arith.addi %parallel_loop3A_323, %parallel_loop3A_130 : i32
        %parallel_loop3A_325 = arith.index_cast %parallel_loop3A_324 : i32 to index
        %parallel_loop3A_326 = arith.constant 80 : index
        %parallel_loop3A_327 = tpu.vector_load %arg6[%parallel_loop3A_325, %parallel_loop3A_326] {strides = array<i32>} : memref<128x256xf32, #tpu.memory_space<vmem>>, vector<16xf32>,
        %parallel_loop3A_328 = vector.broadcast %parallel_loop3A_141 : f32 to vector<16xf32>
        %parallel_loop3A_329 = arith.mulf %parallel_loop3A_327, %parallel_loop3A_328 : vector<16xf32>
        %parallel_loop3A_330 = arith.addf %parallel_loop3A_322, %parallel_loop3A_329 : vector<16xf32>
        %parallel_loop3A_331 = arith.constant 64 : i32
        %parallel_loop3A_332 = arith.addi %parallel_loop3A_331, %parallel_loop3A_130 : i32
        %parallel_loop3A_333 = arith.index_cast %parallel_loop3A_332 : i32 to index
        %parallel_loop3A_334 = arith.constant 80 : index
        %parallel_loop3A_335 = tpu.vector_load %arg6[%parallel_loop3A_333, %parallel_loop3A_334] {strides = array<i32>} : memref<128x256xf32, #tpu.memory_space<vmem>>, vector<16xf32>,
        %parallel_loop3A_336 = vector.broadcast %parallel_loop3A_143 : f32 to vector<16xf32>
        %parallel_loop3A_337 = arith.mulf %parallel_loop3A_335, %parallel_loop3A_336 : vector<16xf32>
        %parallel_loop3A_338 = arith.addf %parallel_loop3A_330, %parallel_loop3A_337 : vector<16xf32>
        %parallel_loop3A_339 = arith.constant 96 : i32
        %parallel_loop3A_340 = arith.addi %parallel_loop3A_339, %parallel_loop3A_130 : i32
        %parallel_loop3A_341 = arith.index_cast %parallel_loop3A_340 : i32 to index
        %parallel_loop3A_342 = arith.constant 80 : index
        %parallel_loop3A_343 = tpu.vector_load %arg6[%parallel_loop3A_341, %parallel_loop3A_342] {strides = array<i32>} : memref<128x256xf32, #tpu.memory_space<vmem>>, vector<16xf32>,
        %parallel_loop3A_344 = vector.broadcast %parallel_loop3A_145 : f32 to vector<16xf32>
        %parallel_loop3A_345 = arith.mulf %parallel_loop3A_343, %parallel_loop3A_344 : vector<16xf32>
        %parallel_loop3A_346 = arith.addf %parallel_loop3A_338, %parallel_loop3A_345 : vector<16xf32>
        %parallel_loop3A_347 = arith.index_cast %parallel_loop3A_130 : i32 to index
        %parallel_loop3A_348 = arith.constant 80 : index
        %parallel_loop3A_349 = tpu.vector_load %arg8[%parallel_loop3A_347, %parallel_loop3A_348] {strides = array<i32>} : memref<32x256xf32, #tpu.memory_space<vmem>>, vector<16xf32>,
        tpu.vector_store %arg8[%parallel_loop3A_347, %parallel_loop3A_348], %parallel_loop3A_346 {strides = array<i32>} : memref<32x256xf32, #tpu.memory_space<vmem>>, vector<16xf32>,
        %parallel_loop3A_350 = arith.constant 0 : i32
        %parallel_loop3A_351 = arith.addi %parallel_loop3A_350, %parallel_loop3A_130 : i32
        %parallel_loop3A_352 = arith.index_cast %parallel_loop3A_351 : i32 to index
        %parallel_loop3A_353 = arith.constant 96 : index
        %parallel_loop3A_354 = tpu.vector_load %arg6[%parallel_loop3A_352, %parallel_loop3A_353] {strides = array<i32>} : memref<128x256xf32, #tpu.memory_space<vmem>>, vector<16xf32>,
        %parallel_loop3A_355 = vector.broadcast %parallel_loop3A_139 : f32 to vector<16xf32>
        %parallel_loop3A_356 = arith.mulf %parallel_loop3A_354, %parallel_loop3A_355 : vector<16xf32>
        %parallel_loop3A_357 = arith.constant 32 : i32
        %parallel_loop3A_358 = arith.addi %parallel_loop3A_357, %parallel_loop3A_130 : i32
        %parallel_loop3A_359 = arith.index_cast %parallel_loop3A_358 : i32 to index
        %parallel_loop3A_360 = arith.constant 96 : index
        %parallel_loop3A_361 = tpu.vector_load %arg6[%parallel_loop3A_359, %parallel_loop3A_360] {strides = array<i32>} : memref<128x256xf32, #tpu.memory_space<vmem>>, vector<16xf32>,
        %parallel_loop3A_362 = vector.broadcast %parallel_loop3A_141 : f32 to vector<16xf32>
        %parallel_loop3A_363 = arith.mulf %parallel_loop3A_361, %parallel_loop3A_362 : vector<16xf32>
        %parallel_loop3A_364 = arith.addf %parallel_loop3A_356, %parallel_loop3A_363 : vector<16xf32>
        %parallel_loop3A_365 = arith.constant 64 : i32
        %parallel_loop3A_366 = arith.addi %parallel_loop3A_365, %parallel_loop3A_130 : i32
        %parallel_loop3A_367 = arith.index_cast %parallel_loop3A_366 : i32 to index
        %parallel_loop3A_368 = arith.constant 96 : index
        %parallel_loop3A_369 = tpu.vector_load %arg6[%parallel_loop3A_367, %parallel_loop3A_368] {strides = array<i32>} : memref<128x256xf32, #tpu.memory_space<vmem>>, vector<16xf32>,
        %parallel_loop3A_370 = vector.broadcast %parallel_loop3A_143 : f32 to vector<16xf32>
        %parallel_loop3A_371 = arith.mulf %parallel_loop3A_369, %parallel_loop3A_370 : vector<16xf32>
        %parallel_loop3A_372 = arith.addf %parallel_loop3A_364, %parallel_loop3A_371 : vector<16xf32>
        %parallel_loop3A_373 = arith.constant 96 : i32
        %parallel_loop3A_374 = arith.addi %parallel_loop3A_373, %parallel_loop3A_130 : i32
        %parallel_loop3A_375 = arith.index_cast %parallel_loop3A_374 : i32 to index
        %parallel_loop3A_376 = arith.constant 96 : index
        %parallel_loop3A_377 = tpu.vector_load %arg6[%parallel_loop3A_375, %parallel_loop3A_376] {strides = array<i32>} : memref<128x256xf32, #tpu.memory_space<vmem>>, vector<16xf32>,
        %parallel_loop3A_378 = vector.broadcast %parallel_loop3A_145 : f32 to vector<16xf32>
        %parallel_loop3A_379 = arith.mulf %parallel_loop3A_377, %parallel_loop3A_378 : vector<16xf32>
        %parallel_loop3A_380 = arith.addf %parallel_loop3A_372, %parallel_loop3A_379 : vector<16xf32>
        %parallel_loop3A_381 = arith.index_cast %parallel_loop3A_130 : i32 to index
        %parallel_loop3A_382 = arith.constant 96 : index
        %parallel_loop3A_383 = tpu.vector_load %arg8[%parallel_loop3A_381, %parallel_loop3A_382] {strides = array<i32>} : memref<32x256xf32, #tpu.memory_space<vmem>>, vector<16xf32>,
        tpu.vector_store %arg8[%parallel_loop3A_381, %parallel_loop3A_382], %parallel_loop3A_380 {strides = array<i32>} : memref<32x256xf32, #tpu.memory_space<vmem>>, vector<16xf32>,
        %parallel_loop3A_384 = arith.constant 0 : i32
        %parallel_loop3A_385 = arith.addi %parallel_loop3A_384, %parallel_loop3A_130 : i32
        %parallel_loop3A_386 = arith.index_cast %parallel_loop3A_385 : i32 to index
        %parallel_loop3A_387 = arith.constant 112 : index
        %parallel_loop3A_388 = tpu.vector_load %arg6[%parallel_loop3A_386, %parallel_loop3A_387] {strides = array<i32>} : memref<128x256xf32, #tpu.memory_space<vmem>>, vector<16xf32>,
        %parallel_loop3A_389 = vector.broadcast %parallel_loop3A_139 : f32 to vector<16xf32>
        %parallel_loop3A_390 = arith.mulf %parallel_loop3A_388, %parallel_loop3A_389 : vector<16xf32>
        %parallel_loop3A_391 = arith.constant 32 : i32
        %parallel_loop3A_392 = arith.addi %parallel_loop3A_391, %parallel_loop3A_130 : i32
        %parallel_loop3A_393 = arith.index_cast %parallel_loop3A_392 : i32 to index
        %parallel_loop3A_394 = arith.constant 112 : index
        %parallel_loop3A_395 = tpu.vector_load %arg6[%parallel_loop3A_393, %parallel_loop3A_394] {strides = array<i32>} : memref<128x256xf32, #tpu.memory_space<vmem>>, vector<16xf32>,
        %parallel_loop3A_396 = vector.broadcast %parallel_loop3A_141 : f32 to vector<16xf32>
        %parallel_loop3A_397 = arith.mulf %parallel_loop3A_395, %parallel_loop3A_396 : vector<16xf32>
        %parallel_loop3A_398 = arith.addf %parallel_loop3A_390, %parallel_loop3A_397 : vector<16xf32>
        %parallel_loop3A_399 = arith.constant 64 : i32
        %parallel_loop3A_400 = arith.addi %parallel_loop3A_399, %parallel_loop3A_130 : i32
        %parallel_loop3A_401 = arith.index_cast %parallel_loop3A_400 : i32 to index
        %parallel_loop3A_402 = arith.constant 112 : index
        %parallel_loop3A_403 = tpu.vector_load %arg6[%parallel_loop3A_401, %parallel_loop3A_402] {strides = array<i32>} : memref<128x256xf32, #tpu.memory_space<vmem>>, vector<16xf32>,
        %parallel_loop3A_404 = vector.broadcast %parallel_loop3A_143 : f32 to vector<16xf32>
        %parallel_loop3A_405 = arith.mulf %parallel_loop3A_403, %parallel_loop3A_404 : vector<16xf32>
        %parallel_loop3A_406 = arith.addf %parallel_loop3A_398, %parallel_loop3A_405 : vector<16xf32>
        %parallel_loop3A_407 = arith.constant 96 : i32
        %parallel_loop3A_408 = arith.addi %parallel_loop3A_407, %parallel_loop3A_130 : i32
        %parallel_loop3A_409 = arith.index_cast %parallel_loop3A_408 : i32 to index
        %parallel_loop3A_410 = arith.constant 112 : index
        %parallel_loop3A_411 = tpu.vector_load %arg6[%parallel_loop3A_409, %parallel_loop3A_410] {strides = array<i32>} : memref<128x256xf32, #tpu.memory_space<vmem>>, vector<16xf32>,
        %parallel_loop3A_412 = vector.broadcast %parallel_loop3A_145 : f32 to vector<16xf32>
        %parallel_loop3A_413 = arith.mulf %parallel_loop3A_411, %parallel_loop3A_412 : vector<16xf32>
        %parallel_loop3A_414 = arith.addf %parallel_loop3A_406, %parallel_loop3A_413 : vector<16xf32>
        %parallel_loop3A_415 = arith.index_cast %parallel_loop3A_130 : i32 to index
        %parallel_loop3A_416 = arith.constant 112 : index
        %parallel_loop3A_417 = tpu.vector_load %arg8[%parallel_loop3A_415, %parallel_loop3A_416] {strides = array<i32>} : memref<32x256xf32, #tpu.memory_space<vmem>>, vector<16xf32>,
        tpu.vector_store %arg8[%parallel_loop3A_415, %parallel_loop3A_416], %parallel_loop3A_414 {strides = array<i32>} : memref<32x256xf32, #tpu.memory_space<vmem>>, vector<16xf32>,
        %parallel_loop3A_418 = arith.constant 0 : i32
        %parallel_loop3A_419 = arith.addi %parallel_loop3A_418, %parallel_loop3A_130 : i32
        %parallel_loop3A_420 = arith.index_cast %parallel_loop3A_419 : i32 to index
        %parallel_loop3A_421 = arith.constant 128 : index
        %parallel_loop3A_422 = tpu.vector_load %arg6[%parallel_loop3A_420, %parallel_loop3A_421] {strides = array<i32>} : memref<128x256xf32, #tpu.memory_space<vmem>>, vector<16xf32>,
        %parallel_loop3A_423 = vector.broadcast %parallel_loop3A_139 : f32 to vector<16xf32>
        %parallel_loop3A_424 = arith.mulf %parallel_loop3A_422, %parallel_loop3A_423 : vector<16xf32>
        %parallel_loop3A_425 = arith.constant 32 : i32
        %parallel_loop3A_426 = arith.addi %parallel_loop3A_425, %parallel_loop3A_130 : i32
        %parallel_loop3A_427 = arith.index_cast %parallel_loop3A_426 : i32 to index
        %parallel_loop3A_428 = arith.constant 128 : index
        %parallel_loop3A_429 = tpu.vector_load %arg6[%parallel_loop3A_427, %parallel_loop3A_428] {strides = array<i32>} : memref<128x256xf32, #tpu.memory_space<vmem>>, vector<16xf32>,
        %parallel_loop3A_430 = vector.broadcast %parallel_loop3A_141 : f32 to vector<16xf32>
        %parallel_loop3A_431 = arith.mulf %parallel_loop3A_429, %parallel_loop3A_430 : vector<16xf32>
        %parallel_loop3A_432 = arith.addf %parallel_loop3A_424, %parallel_loop3A_431 : vector<16xf32>
        %parallel_loop3A_433 = arith.constant 64 : i32
        %parallel_loop3A_434 = arith.addi %parallel_loop3A_433, %parallel_loop3A_130 : i32
        %parallel_loop3A_435 = arith.index_cast %parallel_loop3A_434 : i32 to index
        %parallel_loop3A_436 = arith.constant 128 : index
        %parallel_loop3A_437 = tpu.vector_load %arg6[%parallel_loop3A_435, %parallel_loop3A_436] {strides = array<i32>} : memref<128x256xf32, #tpu.memory_space<vmem>>, vector<16xf32>,
        %parallel_loop3A_438 = vector.broadcast %parallel_loop3A_143 : f32 to vector<16xf32>
        %parallel_loop3A_439 = arith.mulf %parallel_loop3A_437, %parallel_loop3A_438 : vector<16xf32>
        %parallel_loop3A_440 = arith.addf %parallel_loop3A_432, %parallel_loop3A_439 : vector<16xf32>
        %parallel_loop3A_441 = arith.constant 96 : i32
        %parallel_loop3A_442 = arith.addi %parallel_loop3A_441, %parallel_loop3A_130 : i32
        %parallel_loop3A_443 = arith.index_cast %parallel_loop3A_442 : i32 to index
        %parallel_loop3A_444 = arith.constant 128 : index
        %parallel_loop3A_445 = tpu.vector_load %arg6[%parallel_loop3A_443, %parallel_loop3A_444] {strides = array<i32>} : memref<128x256xf32, #tpu.memory_space<vmem>>, vector<16xf32>,
        %parallel_loop3A_446 = vector.broadcast %parallel_loop3A_145 : f32 to vector<16xf32>
        %parallel_loop3A_447 = arith.mulf %parallel_loop3A_445, %parallel_loop3A_446 : vector<16xf32>
        %parallel_loop3A_448 = arith.addf %parallel_loop3A_440, %parallel_loop3A_447 : vector<16xf32>
        %parallel_loop3A_449 = arith.index_cast %parallel_loop3A_130 : i32 to index
        %parallel_loop3A_450 = arith.constant 128 : index
        %parallel_loop3A_451 = tpu.vector_load %arg8[%parallel_loop3A_449, %parallel_loop3A_450] {strides = array<i32>} : memref<32x256xf32, #tpu.memory_space<vmem>>, vector<16xf32>,
        tpu.vector_store %arg8[%parallel_loop3A_449, %parallel_loop3A_450], %parallel_loop3A_448 {strides = array<i32>} : memref<32x256xf32, #tpu.memory_space<vmem>>, vector<16xf32>,
        %parallel_loop3A_452 = arith.constant 0 : i32
        %parallel_loop3A_453 = arith.addi %parallel_loop3A_452, %parallel_loop3A_130 : i32
        %parallel_loop3A_454 = arith.index_cast %parallel_loop3A_453 : i32 to index
        %parallel_loop3A_455 = arith.constant 144 : index
        %parallel_loop3A_456 = tpu.vector_load %arg6[%parallel_loop3A_454, %parallel_loop3A_455] {strides = array<i32>} : memref<128x256xf32, #tpu.memory_space<vmem>>, vector<16xf32>,
        %parallel_loop3A_457 = vector.broadcast %parallel_loop3A_139 : f32 to vector<16xf32>
        %parallel_loop3A_458 = arith.mulf %parallel_loop3A_456, %parallel_loop3A_457 : vector<16xf32>
        %parallel_loop3A_459 = arith.constant 32 : i32
        %parallel_loop3A_460 = arith.addi %parallel_loop3A_459, %parallel_loop3A_130 : i32
        %parallel_loop3A_461 = arith.index_cast %parallel_loop3A_460 : i32 to index
        %parallel_loop3A_462 = arith.constant 144 : index
        %parallel_loop3A_463 = tpu.vector_load %arg6[%parallel_loop3A_461, %parallel_loop3A_462] {strides = array<i32>} : memref<128x256xf32, #tpu.memory_space<vmem>>, vector<16xf32>,
        %parallel_loop3A_464 = vector.broadcast %parallel_loop3A_141 : f32 to vector<16xf32>
        %parallel_loop3A_465 = arith.mulf %parallel_loop3A_463, %parallel_loop3A_464 : vector<16xf32>
        %parallel_loop3A_466 = arith.addf %parallel_loop3A_458, %parallel_loop3A_465 : vector<16xf32>
        %parallel_loop3A_467 = arith.constant 64 : i32
        %parallel_loop3A_468 = arith.addi %parallel_loop3A_467, %parallel_loop3A_130 : i32
        %parallel_loop3A_469 = arith.index_cast %parallel_loop3A_468 : i32 to index
        %parallel_loop3A_470 = arith.constant 144 : index
        %parallel_loop3A_471 = tpu.vector_load %arg6[%parallel_loop3A_469, %parallel_loop3A_470] {strides = array<i32>} : memref<128x256xf32, #tpu.memory_space<vmem>>, vector<16xf32>,
        %parallel_loop3A_472 = vector.broadcast %parallel_loop3A_143 : f32 to vector<16xf32>
        %parallel_loop3A_473 = arith.mulf %parallel_loop3A_471, %parallel_loop3A_472 : vector<16xf32>
        %parallel_loop3A_474 = arith.addf %parallel_loop3A_466, %parallel_loop3A_473 : vector<16xf32>
        %parallel_loop3A_475 = arith.constant 96 : i32
        %parallel_loop3A_476 = arith.addi %parallel_loop3A_475, %parallel_loop3A_130 : i32
        %parallel_loop3A_477 = arith.index_cast %parallel_loop3A_476 : i32 to index
        %parallel_loop3A_478 = arith.constant 144 : index
        %parallel_loop3A_479 = tpu.vector_load %arg6[%parallel_loop3A_477, %parallel_loop3A_478] {strides = array<i32>} : memref<128x256xf32, #tpu.memory_space<vmem>>, vector<16xf32>,
        %parallel_loop3A_480 = vector.broadcast %parallel_loop3A_145 : f32 to vector<16xf32>
        %parallel_loop3A_481 = arith.mulf %parallel_loop3A_479, %parallel_loop3A_480 : vector<16xf32>
        %parallel_loop3A_482 = arith.addf %parallel_loop3A_474, %parallel_loop3A_481 : vector<16xf32>
        %parallel_loop3A_483 = arith.index_cast %parallel_loop3A_130 : i32 to index
        %parallel_loop3A_484 = arith.constant 144 : index
        %parallel_loop3A_485 = tpu.vector_load %arg8[%parallel_loop3A_483, %parallel_loop3A_484] {strides = array<i32>} : memref<32x256xf32, #tpu.memory_space<vmem>>, vector<16xf32>,
        tpu.vector_store %arg8[%parallel_loop3A_483, %parallel_loop3A_484], %parallel_loop3A_482 {strides = array<i32>} : memref<32x256xf32, #tpu.memory_space<vmem>>, vector<16xf32>,
        %parallel_loop3A_486 = arith.constant 0 : i32
        %parallel_loop3A_487 = arith.addi %parallel_loop3A_486, %parallel_loop3A_130 : i32
        %parallel_loop3A_488 = arith.index_cast %parallel_loop3A_487 : i32 to index
        %parallel_loop3A_489 = arith.constant 160 : index
        %parallel_loop3A_490 = tpu.vector_load %arg6[%parallel_loop3A_488, %parallel_loop3A_489] {strides = array<i32>} : memref<128x256xf32, #tpu.memory_space<vmem>>, vector<16xf32>,
        %parallel_loop3A_491 = vector.broadcast %parallel_loop3A_139 : f32 to vector<16xf32>
        %parallel_loop3A_492 = arith.mulf %parallel_loop3A_490, %parallel_loop3A_491 : vector<16xf32>
        %parallel_loop3A_493 = arith.constant 32 : i32
        %parallel_loop3A_494 = arith.addi %parallel_loop3A_493, %parallel_loop3A_130 : i32
        %parallel_loop3A_495 = arith.index_cast %parallel_loop3A_494 : i32 to index
        %parallel_loop3A_496 = arith.constant 160 : index
        %parallel_loop3A_497 = tpu.vector_load %arg6[%parallel_loop3A_495, %parallel_loop3A_496] {strides = array<i32>} : memref<128x256xf32, #tpu.memory_space<vmem>>, vector<16xf32>,
        %parallel_loop3A_498 = vector.broadcast %parallel_loop3A_141 : f32 to vector<16xf32>
        %parallel_loop3A_499 = arith.mulf %parallel_loop3A_497, %parallel_loop3A_498 : vector<16xf32>
        %parallel_loop3A_500 = arith.addf %parallel_loop3A_492, %parallel_loop3A_499 : vector<16xf32>
        %parallel_loop3A_501 = arith.constant 64 : i32
        %parallel_loop3A_502 = arith.addi %parallel_loop3A_501, %parallel_loop3A_130 : i32
        %parallel_loop3A_503 = arith.index_cast %parallel_loop3A_502 : i32 to index
        %parallel_loop3A_504 = arith.constant 160 : index
        %parallel_loop3A_505 = tpu.vector_load %arg6[%parallel_loop3A_503, %parallel_loop3A_504] {strides = array<i32>} : memref<128x256xf32, #tpu.memory_space<vmem>>, vector<16xf32>,
        %parallel_loop3A_506 = vector.broadcast %parallel_loop3A_143 : f32 to vector<16xf32>
        %parallel_loop3A_507 = arith.mulf %parallel_loop3A_505, %parallel_loop3A_506 : vector<16xf32>
        %parallel_loop3A_508 = arith.addf %parallel_loop3A_500, %parallel_loop3A_507 : vector<16xf32>
        %parallel_loop3A_509 = arith.constant 96 : i32
        %parallel_loop3A_510 = arith.addi %parallel_loop3A_509, %parallel_loop3A_130 : i32
        %parallel_loop3A_511 = arith.index_cast %parallel_loop3A_510 : i32 to index
        %parallel_loop3A_512 = arith.constant 160 : index
        %parallel_loop3A_513 = tpu.vector_load %arg6[%parallel_loop3A_511, %parallel_loop3A_512] {strides = array<i32>} : memref<128x256xf32, #tpu.memory_space<vmem>>, vector<16xf32>,
        %parallel_loop3A_514 = vector.broadcast %parallel_loop3A_145 : f32 to vector<16xf32>
        %parallel_loop3A_515 = arith.mulf %parallel_loop3A_513, %parallel_loop3A_514 : vector<16xf32>
        %parallel_loop3A_516 = arith.addf %parallel_loop3A_508, %parallel_loop3A_515 : vector<16xf32>
        %parallel_loop3A_517 = arith.index_cast %parallel_loop3A_130 : i32 to index
        %parallel_loop3A_518 = arith.constant 160 : index
        %parallel_loop3A_519 = tpu.vector_load %arg8[%parallel_loop3A_517, %parallel_loop3A_518] {strides = array<i32>} : memref<32x256xf32, #tpu.memory_space<vmem>>, vector<16xf32>,
        tpu.vector_store %arg8[%parallel_loop3A_517, %parallel_loop3A_518], %parallel_loop3A_516 {strides = array<i32>} : memref<32x256xf32, #tpu.memory_space<vmem>>, vector<16xf32>,
        %parallel_loop3A_520 = arith.constant 0 : i32
        %parallel_loop3A_521 = arith.addi %parallel_loop3A_520, %parallel_loop3A_130 : i32
        %parallel_loop3A_522 = arith.index_cast %parallel_loop3A_521 : i32 to index
        %parallel_loop3A_523 = arith.constant 176 : index
        %parallel_loop3A_524 = tpu.vector_load %arg6[%parallel_loop3A_522, %parallel_loop3A_523] {strides = array<i32>} : memref<128x256xf32, #tpu.memory_space<vmem>>, vector<16xf32>,
        %parallel_loop3A_525 = vector.broadcast %parallel_loop3A_139 : f32 to vector<16xf32>
        %parallel_loop3A_526 = arith.mulf %parallel_loop3A_524, %parallel_loop3A_525 : vector<16xf32>
        %parallel_loop3A_527 = arith.constant 32 : i32
        %parallel_loop3A_528 = arith.addi %parallel_loop3A_527, %parallel_loop3A_130 : i32
        %parallel_loop3A_529 = arith.index_cast %parallel_loop3A_528 : i32 to index
        %parallel_loop3A_530 = arith.constant 176 : index
        %parallel_loop3A_531 = tpu.vector_load %arg6[%parallel_loop3A_529, %parallel_loop3A_530] {strides = array<i32>} : memref<128x256xf32, #tpu.memory_space<vmem>>, vector<16xf32>,
        %parallel_loop3A_532 = vector.broadcast %parallel_loop3A_141 : f32 to vector<16xf32>
        %parallel_loop3A_533 = arith.mulf %parallel_loop3A_531, %parallel_loop3A_532 : vector<16xf32>
        %parallel_loop3A_534 = arith.addf %parallel_loop3A_526, %parallel_loop3A_533 : vector<16xf32>
        %parallel_loop3A_535 = arith.constant 64 : i32
        %parallel_loop3A_536 = arith.addi %parallel_loop3A_535, %parallel_loop3A_130 : i32
        %parallel_loop3A_537 = arith.index_cast %parallel_loop3A_536 : i32 to index
        %parallel_loop3A_538 = arith.constant 176 : index
        %parallel_loop3A_539 = tpu.vector_load %arg6[%parallel_loop3A_537, %parallel_loop3A_538] {strides = array<i32>} : memref<128x256xf32, #tpu.memory_space<vmem>>, vector<16xf32>,
        %parallel_loop3A_540 = vector.broadcast %parallel_loop3A_143 : f32 to vector<16xf32>
        %parallel_loop3A_541 = arith.mulf %parallel_loop3A_539, %parallel_loop3A_540 : vector<16xf32>
        %parallel_loop3A_542 = arith.addf %parallel_loop3A_534, %parallel_loop3A_541 : vector<16xf32>
        %parallel_loop3A_543 = arith.constant 96 : i32
        %parallel_loop3A_544 = arith.addi %parallel_loop3A_543, %parallel_loop3A_130 : i32
        %parallel_loop3A_545 = arith.index_cast %parallel_loop3A_544 : i32 to index
        %parallel_loop3A_546 = arith.constant 176 : index
        %parallel_loop3A_547 = tpu.vector_load %arg6[%parallel_loop3A_545, %parallel_loop3A_546] {strides = array<i32>} : memref<128x256xf32, #tpu.memory_space<vmem>>, vector<16xf32>,
        %parallel_loop3A_548 = vector.broadcast %parallel_loop3A_145 : f32 to vector<16xf32>
        %parallel_loop3A_549 = arith.mulf %parallel_loop3A_547, %parallel_loop3A_548 : vector<16xf32>
        %parallel_loop3A_550 = arith.addf %parallel_loop3A_542, %parallel_loop3A_549 : vector<16xf32>
        %parallel_loop3A_551 = arith.index_cast %parallel_loop3A_130 : i32 to index
        %parallel_loop3A_552 = arith.constant 176 : index
        %parallel_loop3A_553 = tpu.vector_load %arg8[%parallel_loop3A_551, %parallel_loop3A_552] {strides = array<i32>} : memref<32x256xf32, #tpu.memory_space<vmem>>, vector<16xf32>,
        tpu.vector_store %arg8[%parallel_loop3A_551, %parallel_loop3A_552], %parallel_loop3A_550 {strides = array<i32>} : memref<32x256xf32, #tpu.memory_space<vmem>>, vector<16xf32>,
        %parallel_loop3A_554 = arith.constant 0 : i32
        %parallel_loop3A_555 = arith.addi %parallel_loop3A_554, %parallel_loop3A_130 : i32
        %parallel_loop3A_556 = arith.index_cast %parallel_loop3A_555 : i32 to index
        %parallel_loop3A_557 = arith.constant 192 : index
        %parallel_loop3A_558 = tpu.vector_load %arg6[%parallel_loop3A_556, %parallel_loop3A_557] {strides = array<i32>} : memref<128x256xf32, #tpu.memory_space<vmem>>, vector<16xf32>,
        %parallel_loop3A_559 = vector.broadcast %parallel_loop3A_139 : f32 to vector<16xf32>
        %parallel_loop3A_560 = arith.mulf %parallel_loop3A_558, %parallel_loop3A_559 : vector<16xf32>
        %parallel_loop3A_561 = arith.constant 32 : i32
        %parallel_loop3A_562 = arith.addi %parallel_loop3A_561, %parallel_loop3A_130 : i32
        %parallel_loop3A_563 = arith.index_cast %parallel_loop3A_562 : i32 to index
        %parallel_loop3A_564 = arith.constant 192 : index
        %parallel_loop3A_565 = tpu.vector_load %arg6[%parallel_loop3A_563, %parallel_loop3A_564] {strides = array<i32>} : memref<128x256xf32, #tpu.memory_space<vmem>>, vector<16xf32>,
        %parallel_loop3A_566 = vector.broadcast %parallel_loop3A_141 : f32 to vector<16xf32>
        %parallel_loop3A_567 = arith.mulf %parallel_loop3A_565, %parallel_loop3A_566 : vector<16xf32>
        %parallel_loop3A_568 = arith.addf %parallel_loop3A_560, %parallel_loop3A_567 : vector<16xf32>
        %parallel_loop3A_569 = arith.constant 64 : i32
        %parallel_loop3A_570 = arith.addi %parallel_loop3A_569, %parallel_loop3A_130 : i32
        %parallel_loop3A_571 = arith.index_cast %parallel_loop3A_570 : i32 to index
        %parallel_loop3A_572 = arith.constant 192 : index
        %parallel_loop3A_573 = tpu.vector_load %arg6[%parallel_loop3A_571, %parallel_loop3A_572] {strides = array<i32>} : memref<128x256xf32, #tpu.memory_space<vmem>>, vector<16xf32>,
        %parallel_loop3A_574 = vector.broadcast %parallel_loop3A_143 : f32 to vector<16xf32>
        %parallel_loop3A_575 = arith.mulf %parallel_loop3A_573, %parallel_loop3A_574 : vector<16xf32>
        %parallel_loop3A_576 = arith.addf %parallel_loop3A_568, %parallel_loop3A_575 : vector<16xf32>
        %parallel_loop3A_577 = arith.constant 96 : i32
        %parallel_loop3A_578 = arith.addi %parallel_loop3A_577, %parallel_loop3A_130 : i32
        %parallel_loop3A_579 = arith.index_cast %parallel_loop3A_578 : i32 to index
        %parallel_loop3A_580 = arith.constant 192 : index
        %parallel_loop3A_581 = tpu.vector_load %arg6[%parallel_loop3A_579, %parallel_loop3A_580] {strides = array<i32>} : memref<128x256xf32, #tpu.memory_space<vmem>>, vector<16xf32>,
        %parallel_loop3A_582 = vector.broadcast %parallel_loop3A_145 : f32 to vector<16xf32>
        %parallel_loop3A_583 = arith.mulf %parallel_loop3A_581, %parallel_loop3A_582 : vector<16xf32>
        %parallel_loop3A_584 = arith.addf %parallel_loop3A_576, %parallel_loop3A_583 : vector<16xf32>
        %parallel_loop3A_585 = arith.index_cast %parallel_loop3A_130 : i32 to index
        %parallel_loop3A_586 = arith.constant 192 : index
        %parallel_loop3A_587 = tpu.vector_load %arg8[%parallel_loop3A_585, %parallel_loop3A_586] {strides = array<i32>} : memref<32x256xf32, #tpu.memory_space<vmem>>, vector<16xf32>,
        tpu.vector_store %arg8[%parallel_loop3A_585, %parallel_loop3A_586], %parallel_loop3A_584 {strides = array<i32>} : memref<32x256xf32, #tpu.memory_space<vmem>>, vector<16xf32>,
        %parallel_loop3A_588 = arith.constant 0 : i32
        %parallel_loop3A_589 = arith.addi %parallel_loop3A_588, %parallel_loop3A_130 : i32
        %parallel_loop3A_590 = arith.index_cast %parallel_loop3A_589 : i32 to index
        %parallel_loop3A_591 = arith.constant 208 : index
        %parallel_loop3A_592 = tpu.vector_load %arg6[%parallel_loop3A_590, %parallel_loop3A_591] {strides = array<i32>} : memref<128x256xf32, #tpu.memory_space<vmem>>, vector<16xf32>,
        %parallel_loop3A_593 = vector.broadcast %parallel_loop3A_139 : f32 to vector<16xf32>
        %parallel_loop3A_594 = arith.mulf %parallel_loop3A_592, %parallel_loop3A_593 : vector<16xf32>
        %parallel_loop3A_595 = arith.constant 32 : i32
        %parallel_loop3A_596 = arith.addi %parallel_loop3A_595, %parallel_loop3A_130 : i32
        %parallel_loop3A_597 = arith.index_cast %parallel_loop3A_596 : i32 to index
        %parallel_loop3A_598 = arith.constant 208 : index
        %parallel_loop3A_599 = tpu.vector_load %arg6[%parallel_loop3A_597, %parallel_loop3A_598] {strides = array<i32>} : memref<128x256xf32, #tpu.memory_space<vmem>>, vector<16xf32>,
        %parallel_loop3A_600 = vector.broadcast %parallel_loop3A_141 : f32 to vector<16xf32>
        %parallel_loop3A_601 = arith.mulf %parallel_loop3A_599, %parallel_loop3A_600 : vector<16xf32>
        %parallel_loop3A_602 = arith.addf %parallel_loop3A_594, %parallel_loop3A_601 : vector<16xf32>
        %parallel_loop3A_603 = arith.constant 64 : i32
        %parallel_loop3A_604 = arith.addi %parallel_loop3A_603, %parallel_loop3A_130 : i32
        %parallel_loop3A_605 = arith.index_cast %parallel_loop3A_604 : i32 to index
        %parallel_loop3A_606 = arith.constant 208 : index
        %parallel_loop3A_607 = tpu.vector_load %arg6[%parallel_loop3A_605, %parallel_loop3A_606] {strides = array<i32>} : memref<128x256xf32, #tpu.memory_space<vmem>>, vector<16xf32>,
        %parallel_loop3A_608 = vector.broadcast %parallel_loop3A_143 : f32 to vector<16xf32>
        %parallel_loop3A_609 = arith.mulf %parallel_loop3A_607, %parallel_loop3A_608 : vector<16xf32>
        %parallel_loop3A_610 = arith.addf %parallel_loop3A_602, %parallel_loop3A_609 : vector<16xf32>
        %parallel_loop3A_611 = arith.constant 96 : i32
        %parallel_loop3A_612 = arith.addi %parallel_loop3A_611, %parallel_loop3A_130 : i32
        %parallel_loop3A_613 = arith.index_cast %parallel_loop3A_612 : i32 to index
        %parallel_loop3A_614 = arith.constant 208 : index
        %parallel_loop3A_615 = tpu.vector_load %arg6[%parallel_loop3A_613, %parallel_loop3A_614] {strides = array<i32>} : memref<128x256xf32, #tpu.memory_space<vmem>>, vector<16xf32>,
        %parallel_loop3A_616 = vector.broadcast %parallel_loop3A_145 : f32 to vector<16xf32>
        %parallel_loop3A_617 = arith.mulf %parallel_loop3A_615, %parallel_loop3A_616 : vector<16xf32>
        %parallel_loop3A_618 = arith.addf %parallel_loop3A_610, %parallel_loop3A_617 : vector<16xf32>
        %parallel_loop3A_619 = arith.index_cast %parallel_loop3A_130 : i32 to index
        %parallel_loop3A_620 = arith.constant 208 : index
        %parallel_loop3A_621 = tpu.vector_load %arg8[%parallel_loop3A_619, %parallel_loop3A_620] {strides = array<i32>} : memref<32x256xf32, #tpu.memory_space<vmem>>, vector<16xf32>,
        tpu.vector_store %arg8[%parallel_loop3A_619, %parallel_loop3A_620], %parallel_loop3A_618 {strides = array<i32>} : memref<32x256xf32, #tpu.memory_space<vmem>>, vector<16xf32>,
        %parallel_loop3A_622 = arith.constant 0 : i32
        %parallel_loop3A_623 = arith.addi %parallel_loop3A_622, %parallel_loop3A_130 : i32
        %parallel_loop3A_624 = arith.index_cast %parallel_loop3A_623 : i32 to index
        %parallel_loop3A_625 = arith.constant 224 : index
        %parallel_loop3A_626 = tpu.vector_load %arg6[%parallel_loop3A_624, %parallel_loop3A_625] {strides = array<i32>} : memref<128x256xf32, #tpu.memory_space<vmem>>, vector<16xf32>,
        %parallel_loop3A_627 = vector.broadcast %parallel_loop3A_139 : f32 to vector<16xf32>
        %parallel_loop3A_628 = arith.mulf %parallel_loop3A_626, %parallel_loop3A_627 : vector<16xf32>
        %parallel_loop3A_629 = arith.constant 32 : i32
        %parallel_loop3A_630 = arith.addi %parallel_loop3A_629, %parallel_loop3A_130 : i32
        %parallel_loop3A_631 = arith.index_cast %parallel_loop3A_630 : i32 to index
        %parallel_loop3A_632 = arith.constant 224 : index
        %parallel_loop3A_633 = tpu.vector_load %arg6[%parallel_loop3A_631, %parallel_loop3A_632] {strides = array<i32>} : memref<128x256xf32, #tpu.memory_space<vmem>>, vector<16xf32>,
        %parallel_loop3A_634 = vector.broadcast %parallel_loop3A_141 : f32 to vector<16xf32>
        %parallel_loop3A_635 = arith.mulf %parallel_loop3A_633, %parallel_loop3A_634 : vector<16xf32>
        %parallel_loop3A_636 = arith.addf %parallel_loop3A_628, %parallel_loop3A_635 : vector<16xf32>
        %parallel_loop3A_637 = arith.constant 64 : i32
        %parallel_loop3A_638 = arith.addi %parallel_loop3A_637, %parallel_loop3A_130 : i32
        %parallel_loop3A_639 = arith.index_cast %parallel_loop3A_638 : i32 to index
        %parallel_loop3A_640 = arith.constant 224 : index
        %parallel_loop3A_641 = tpu.vector_load %arg6[%parallel_loop3A_639, %parallel_loop3A_640] {strides = array<i32>} : memref<128x256xf32, #tpu.memory_space<vmem>>, vector<16xf32>,
        %parallel_loop3A_642 = vector.broadcast %parallel_loop3A_143 : f32 to vector<16xf32>
        %parallel_loop3A_643 = arith.mulf %parallel_loop3A_641, %parallel_loop3A_642 : vector<16xf32>
        %parallel_loop3A_644 = arith.addf %parallel_loop3A_636, %parallel_loop3A_643 : vector<16xf32>
        %parallel_loop3A_645 = arith.constant 96 : i32
        %parallel_loop3A_646 = arith.addi %parallel_loop3A_645, %parallel_loop3A_130 : i32
        %parallel_loop3A_647 = arith.index_cast %parallel_loop3A_646 : i32 to index
        %parallel_loop3A_648 = arith.constant 224 : index
        %parallel_loop3A_649 = tpu.vector_load %arg6[%parallel_loop3A_647, %parallel_loop3A_648] {strides = array<i32>} : memref<128x256xf32, #tpu.memory_space<vmem>>, vector<16xf32>,
        %parallel_loop3A_650 = vector.broadcast %parallel_loop3A_145 : f32 to vector<16xf32>
        %parallel_loop3A_651 = arith.mulf %parallel_loop3A_649, %parallel_loop3A_650 : vector<16xf32>
        %parallel_loop3A_652 = arith.addf %parallel_loop3A_644, %parallel_loop3A_651 : vector<16xf32>
        %parallel_loop3A_653 = arith.index_cast %parallel_loop3A_130 : i32 to index
        %parallel_loop3A_654 = arith.constant 224 : index
        %parallel_loop3A_655 = tpu.vector_load %arg8[%parallel_loop3A_653, %parallel_loop3A_654] {strides = array<i32>} : memref<32x256xf32, #tpu.memory_space<vmem>>, vector<16xf32>,
        tpu.vector_store %arg8[%parallel_loop3A_653, %parallel_loop3A_654], %parallel_loop3A_652 {strides = array<i32>} : memref<32x256xf32, #tpu.memory_space<vmem>>, vector<16xf32>,
        %parallel_loop3A_656 = arith.constant 0 : i32
        %parallel_loop3A_657 = arith.addi %parallel_loop3A_656, %parallel_loop3A_130 : i32
        %parallel_loop3A_658 = arith.index_cast %parallel_loop3A_657 : i32 to index
        %parallel_loop3A_659 = arith.constant 240 : index
        %parallel_loop3A_660 = tpu.vector_load %arg6[%parallel_loop3A_658, %parallel_loop3A_659] {strides = array<i32>} : memref<128x256xf32, #tpu.memory_space<vmem>>, vector<16xf32>,
        %parallel_loop3A_661 = vector.broadcast %parallel_loop3A_139 : f32 to vector<16xf32>
        %parallel_loop3A_662 = arith.mulf %parallel_loop3A_660, %parallel_loop3A_661 : vector<16xf32>
        %parallel_loop3A_663 = arith.constant 32 : i32
        %parallel_loop3A_664 = arith.addi %parallel_loop3A_663, %parallel_loop3A_130 : i32
        %parallel_loop3A_665 = arith.index_cast %parallel_loop3A_664 : i32 to index
        %parallel_loop3A_666 = arith.constant 240 : index
        %parallel_loop3A_667 = tpu.vector_load %arg6[%parallel_loop3A_665, %parallel_loop3A_666] {strides = array<i32>} : memref<128x256xf32, #tpu.memory_space<vmem>>, vector<16xf32>,
        %parallel_loop3A_668 = vector.broadcast %parallel_loop3A_141 : f32 to vector<16xf32>
        %parallel_loop3A_669 = arith.mulf %parallel_loop3A_667, %parallel_loop3A_668 : vector<16xf32>
        %parallel_loop3A_670 = arith.addf %parallel_loop3A_662, %parallel_loop3A_669 : vector<16xf32>
        %parallel_loop3A_671 = arith.constant 64 : i32
        %parallel_loop3A_672 = arith.addi %parallel_loop3A_671, %parallel_loop3A_130 : i32
        %parallel_loop3A_673 = arith.index_cast %parallel_loop3A_672 : i32 to index
        %parallel_loop3A_674 = arith.constant 240 : index
        %parallel_loop3A_675 = tpu.vector_load %arg6[%parallel_loop3A_673, %parallel_loop3A_674] {strides = array<i32>} : memref<128x256xf32, #tpu.memory_space<vmem>>, vector<16xf32>,
        %parallel_loop3A_676 = vector.broadcast %parallel_loop3A_143 : f32 to vector<16xf32>
        %parallel_loop3A_677 = arith.mulf %parallel_loop3A_675, %parallel_loop3A_676 : vector<16xf32>
        %parallel_loop3A_678 = arith.addf %parallel_loop3A_670, %parallel_loop3A_677 : vector<16xf32>
        %parallel_loop3A_679 = arith.constant 96 : i32
        %parallel_loop3A_680 = arith.addi %parallel_loop3A_679, %parallel_loop3A_130 : i32
        %parallel_loop3A_681 = arith.index_cast %parallel_loop3A_680 : i32 to index
        %parallel_loop3A_682 = arith.constant 240 : index
        %parallel_loop3A_683 = tpu.vector_load %arg6[%parallel_loop3A_681, %parallel_loop3A_682] {strides = array<i32>} : memref<128x256xf32, #tpu.memory_space<vmem>>, vector<16xf32>,
        %parallel_loop3A_684 = vector.broadcast %parallel_loop3A_145 : f32 to vector<16xf32>
        %parallel_loop3A_685 = arith.mulf %parallel_loop3A_683, %parallel_loop3A_684 : vector<16xf32>
        %parallel_loop3A_686 = arith.addf %parallel_loop3A_678, %parallel_loop3A_685 : vector<16xf32>
        %parallel_loop3A_687 = arith.index_cast %parallel_loop3A_130 : i32 to index
        %parallel_loop3A_688 = arith.constant 240 : index
        %parallel_loop3A_689 = tpu.vector_load %arg8[%parallel_loop3A_687, %parallel_loop3A_688] {strides = array<i32>} : memref<32x256xf32, #tpu.memory_space<vmem>>, vector<16xf32>,
        tpu.vector_store %arg8[%parallel_loop3A_687, %parallel_loop3A_688], %parallel_loop3A_686 {strides = array<i32>} : memref<32x256xf32, #tpu.memory_space<vmem>>, vector<16xf32>,
      } {sc.loop_unroll_factor = 1 : i64, sc.parallel_access}
      %add3A_116 = arith.constant 1 : i32
      %add3A_117 = arith.addi %mul3A_74, %add3A_116 : i32
      %mul3A_118 = arith.constant 32 : i32
      %mul3A_119 = arith.muli %add3A_117, %mul3A_118 : i32
      %add3A_120 = arith.addi %mul3A_18, %mul3A_119 : i32
      %dma_start3A_121 = arith.constant 0 : i32
      %dma_start3A_122 = tpu.memref_slice %arg4[%add3A_120, %dma_start3A_121] : memref<16384x256xf32, #tpu.memory_space<hbm>> -> memref<32x256xf32, #tpu.memory_space<hbm>>
      %dma_start3A_123 = arith.constant 0 : i32
      %dma_start3A_124 = tpu.memref_slice %arg4[%add3A_120, %dma_start3A_123] : memref<16384x256xf32, #tpu.memory_space<hbm>> -> memref<32x256xf32, #tpu.memory_space<hbm>>
      tpu.enqueue_dma source(%arg8 : memref<32x256xf32, #tpu.memory_space<vmem>>) target(%dma_start3A_124 : memref<32x256xf32, #tpu.memory_space<hbm>>) target_semaphore(%arg16 : memref<!tpu.dma_semaphore, #tpu.memory_space<semaphore_mem>>)
      %lt3A_125 = arith.constant 7 : i32
      %lt3A_126 = arith.cmpi slt, %scan3A_72, %lt3A_125 : i32
      %convert_element_type3A_127 = arith.extui %lt3A_126 : i1 to i32
      %cond3A_128 = arith.constant 0 : i32
      %cond3A_129 = arith.cmpi ne, %convert_element_type3A_127, %cond3A_128 : i32
      scf.if %cond3A_129 {
        %add3A_130 = arith.constant 3 : i32
        %add3A_131 = arith.addi %mul3A_74, %add3A_130 : i32
        %dma_start3A_132 = arith.constant 0 : i32
        %dma_start3A_133 = tpu.memref_slice %arg9[%add3A_131, %dma_start3A_132] : memref<16x128xi32, #tpu.memory_space<vmem>> -> memref<1x128xi32, #tpu.memory_space<vmem>>
        %dma_start3A_134 = tpu.memref_squeeze %dma_start3A_133 : memref<1x128xi32, #tpu.memory_space<vmem>> -> memref<128xi32, #tpu.memory_space<vmem>>
        %dma_start3A_135 = arith.constant 0 : i32
        %dma_start3A_136 = arith.constant 0 : i32
        %dma_start3A_137 = tpu.memref_slice %arg2[%dma_start3A_135, %dma_start3A_136] : memref<123904x256xf32, #tpu.memory_space<hbm>> -> memref<123904x256xf32, #tpu.memory_space<hbm>>
        tpu.enqueue_indirect_dma source(%dma_start3A_137 : memref<123904x256xf32, #tpu.memory_space<hbm>>) target(%arg6 : memref<128x256xf32, #tpu.memory_space<vmem>>) offsets(%dma_start3A_134 : memref<128xi32, #tpu.memory_space<vmem>>) semaphore(%arg14 : memref<!tpu.dma_semaphore, #tpu.memory_space<semaphore_mem>>)
      } else {
      }
    }
    %scan3A_60 = arith.constant 8 : i32
    %add3A_61 = arith.constant 448 : i32
    %add3A_62 = arith.addi %mul3A_18, %add3A_61 : i32
    %dma_wait3A = arith.constant 0 : i32
    %dma_wait3A_63 = tpu.memref_slice %arg4[%add3A_62, %dma_wait3A] : memref<16384x256xf32, #tpu.memory_space<hbm>> -> memref<32x256xf32, #tpu.memory_space<hbm>>
    %dma_wait3A_64 = arith.constant 0 : i32
    %dma_wait3A_65 = tpu.memref_slice %arg4[%add3A_62, %dma_wait3A_64] : memref<16384x256xf32, #tpu.memory_space<hbm>> -> memref<32x256xf32, #tpu.memory_space<hbm>>
    tpu.wait_dma2 semaphore(%arg15 : memref<!tpu.dma_semaphore, #tpu.memory_space<semaphore_mem>>) src(%arg7 : memref<32x256xf32, #tpu.memory_space<vmem>>) dst(%dma_wait3A_65 : memref<32x256xf32, #tpu.memory_space<hbm>>)
    %add3A_66 = arith.constant 480 : i32
    %add3A_67 = arith.addi %mul3A_18, %add3A_66 : i32
    %dma_wait3A_68 = arith.constant 0 : i32
    %dma_wait3A_69 = tpu.memref_slice %arg4[%add3A_67, %dma_wait3A_68] : memref<16384x256xf32, #tpu.memory_space<hbm>> -> memref<32x256xf32, #tpu.memory_space<hbm>>
    %dma_wait3A_70 = arith.constant 0 : i32
    %dma_wait3A_71 = tpu.memref_slice %arg4[%add3A_67, %dma_wait3A_70] : memref<16384x256xf32, #tpu.memory_space<hbm>> -> memref<32x256xf32, #tpu.memory_space<hbm>>
    tpu.wait_dma2 semaphore(%arg16 : memref<!tpu.dma_semaphore, #tpu.memory_space<semaphore_mem>>) src(%arg8 : memref<32x256xf32, #tpu.memory_space<vmem>>) dst(%dma_wait3A_71 : memref<32x256xf32, #tpu.memory_space<hbm>>)
    return
  }
}

</mosaic_0001>

<sc_bundles>
// kernel: kernel.3.cloned.1.call-start
scs
__scs_entry_jumppad:
0x0: {  	(pc) =	sbr.rel $0x88, $3  }
0x1: {  	(tag) =	ssettag $0x0;
	lr =	simm.s32 $0x1  }
0x2: {  	[smem:$0x3F9F] =	sst lr;
	_ =	strace $0xD0000000  }
0x3: {  	_ = 	snop  }
0x4: {  	_ = 	snop  }
0x5: {  	_ = 	snop  }
0x6: {  	_ = 	snop  }
0x7: {  	_ = 	snop  }
__scs_overlays_trampoline_lowered:
0x8: {  	[smem:$0x3FAE] =	sst s0  }
0x9: {  	[smem:$0x3FAF] =	sst s1  }
0xa: {  	[smem:$0x3FB0] =	sst s2  }
0xb: {  	[smem:$0x3FB1] =	sst s3  }
0xc: {  	[smem:$0x3FB2] =	sst s4  }
0xd: {  	[smem:$0x3FB3] =	sst s5  }
0xe: {  	[smem:$0x3FB4] =	sst s6  }
0xf: {  	[smem:$0x3FB5] =	sst s7  }
0x10: {  	[smem:$0x3FB6] =	sst s8  }
0x11: {  	[smem:$0x3FB7] =	sst s9;
	s0 =	simm.s32 @!p0 $0x0  }
0x12: {  	s1 =	sld [smem:$0x3F9D];
	s0 =	simm.s32 @p0 $0x1  }
0x13: {  	[smem:$0x3FB8] =	sst s0;
	s0 =	simm.s32 @!p1 $0x0  }
0x14: {  	s2 =	sld [smem:$0x3F9C];
	s0 =	simm.s32 @p1 $0x1  }
0x15: {  	[smem:$0x3FB9] =	sst s0;
	s0 =	simm.s32 @!p2 $0x0  }
0x16: {  	s3 =	sld [smem:$0x3FDB];
	s0 =	simm.s32 @p2 $0x1  }
0x17: {  	s4 =	simm.s32 $0x1BF5;
	[smem:$0x3FBB] =	sst s0  }
0x18: {  	s0 =	sld [smem:$0x3F9E];
	_ =	swait.ge [sflag:s4], $0x0  }
0x19: {  	s7 =	sld [smem:$0x3F9F]  }
0x1a: {  	s8 =	sadd.s32 $0xFFFFE003, lr  }
0x1b: {  	s9 =	sadd.s32 $0xFFFFFEF7, lr;
	s5 =	simm.s32 $0xFFFFFFFF;
	p2 =	slt.u32 s8, $0xFFFFF086  }
0x1c: {  	p1 =	slt.u32 s9, $0xF7A;
	s5 =	simm.s32 @!p2 $0x0  }
0x1d: {  	s5 =	simm.s32 @p1 $0x1;
	p0 =	seq.s32 s7, s2  }
0x1e: {  	s7 =	smul.u32 @!p0 $0xF7A, s2;
	p2 =	seq.s32 @!p0 s5, $0x0  }
0x1f: {  	s9 =	smul.u32 $0xF7A, s1;
	s8 =	simm.s32 @!p0 $0x1BF5;
	p2 =	por !p2, p0  }
0x20: {  	[sflag:s8] =	ssyncset.s32 @!p0 $0xFFFFF086;
	s6 =	sadd.s32 @!p0 s3, s7;
	s7 =	simm.s32 @!p0 $0x108  }
0x21: {  	s3 =	sadd.s32 s3, s9;
	s6 =	sadd.s32 @!p0 $0x88, s6;
	s7 =	simm.s32 @p2 $0x1082  }
0x22: {  	[simem:s7], [sflag:s8] =	dma.local @!p0 [hbm:s6], $0xF7A  }
0x23: {  	s9 =	sor.u32 $0xD0000000, s2;
	s6 =	simm.s32 $0x108;
	_ =	swait.ge @!p0 [sflag:s8], $0x0  }
0x24: {  	s3 =	sadd.s32 $0x88, s3;
	s6 =	simm.s32 @!p1 $0x1082;
	[sflag:s4] =	ssyncset.s32 $0xFFFFF086  }
0x25: {  	[simem:s6], [sflag:s4] =	dma.local [hbm:s3], $0xF7A  }
0x26: {  	[smem:$0x3F9F] =	sst s1;
	(tag) =	ssettag s2;
	_ =	strace s9  }
0x27: {  	s1 =	sld [smem:$0x3FAF]  }
0x28: {  	s2 =	sld [smem:$0x3FB0]  }
0x29: {  	s4 =	sld [smem:$0x3FB2]  }
0x2a: {  	p0 =	seq.s32 s5, $0x0;
	s5 =	sld [smem:$0x3FB3]  }
0x2b: {  	s6 =	sld [smem:$0x3FB4]  }
0x2c: {  	s7 =	sld [smem:$0x3FB5]  }
0x2d: {  	s3 =	simm.s32 $0x108;
	s8 =	sld [smem:$0x3FB6]  }
0x2e: {  	s3 =	simm.s32 @!p0 $0x1082;
	s9 =	sld [smem:$0x3FB7]  }
0x2f: {  	lr =	sadd.s32 s0, s3;
	s0 =	sld [smem:$0x3FAE]  }
0x30: {  	s3 =	sld [smem:$0x3FB1]  }
0x31: {  	[smem:$0x3FBA] =	sst s10  }
0x32: {  	s10 =	sld [smem:$0x3FB8];
	_ =	sdelay $0x3  }
0x33: {  	p0 =	seq.s32 s10, $0x1;
	s10 =	sld [smem:$0x3FBA];
	_ =	sdelay $0x3  }
0x34: {  	[smem:$0x3FBA] =	sst s10  }
0x35: {  	s10 =	sld [smem:$0x3FB9];
	_ =	sdelay $0x3  }
0x36: {  	p1 =	seq.s32 s10, $0x1;
	s10 =	sld [smem:$0x3FBA];
	_ =	sdelay $0x3  }
0x37: {  	[smem:$0x3FBA] =	sst s10  }
0x38: {  	s10 =	sld [smem:$0x3FBB]  }
0x39: {  	_ = 	snop;
	(pc) =	sbr.ind lr, $3  }
0x3a: {  	_ = 	snop  }
0x3b: {  	_ = 	snop  }
0x3c: {  	p2 =	seq.s32 s10, $0x1;
	s10 =	sld [smem:$0x3FBA]  }
0x3d: {  	_ =	shalt  }
0x3e: {  	_ =	shalt  }
0x3f: {  	_ =	shalt  }
0x40: {  	_ =	shalt  }
0x41: {  	_ =	shalt  }
0x42: {  	_ =	shalt  }
0x43: {  	_ =	shalt  }
0x44: {  	_ =	shalt  }
0x45: {  	_ =	shalt  }
0x46: {  	_ =	shalt  }
0x47: {  	_ =	shalt  }
0x48: {  	_ =	shalt  }
0x49: {  	_ =	shalt  }
0x4a: {  	_ =	shalt  }
0x4b: {  	_ =	shalt  }
0x4c: {  	_ =	shalt  }
0x4d: {  	_ =	shalt  }
0x4e: {  	_ =	shalt  }
0x4f: {  	_ =	shalt  }
0x50: {  	_ =	shalt  }
0x51: {  	_ =	shalt  }
0x52: {  	_ =	shalt  }
0x53: {  	_ =	shalt  }
0x54: {  	_ =	shalt  }
0x55: {  	_ =	shalt  }
0x56: {  	_ =	shalt  }
0x57: {  	_ =	shalt  }
0x58: {  	_ =	shalt  }
0x59: {  	_ =	shalt  }
0x5a: {  	_ =	shalt  }
0x5b: {  	_ =	shalt  }
0x5c: {  	_ =	shalt  }
0x5d: {  	_ =	shalt  }
0x5e: {  	_ =	shalt  }
0x5f: {  	_ =	shalt  }
0x60: {  	_ =	shalt  }
0x61: {  	_ =	shalt  }
0x62: {  	_ =	shalt  }
0x63: {  	_ =	shalt  }
0x64: {  	_ =	shalt  }
0x65: {  	_ =	shalt  }
0x66: {  	_ =	shalt  }
0x67: {  	_ =	shalt  }
0x68: {  	_ =	shalt  }
0x69: {  	_ =	shalt  }
0x6a: {  	_ =	shalt  }
0x6b: {  	_ =	shalt  }
0x6c: {  	_ =	shalt  }
0x6d: {  	_ =	shalt  }
0x6e: {  	_ =	shalt  }
0x6f: {  	_ =	shalt  }
0x70: {  	_ =	shalt  }
0x71: {  	_ =	shalt  }
0x72: {  	_ =	shalt  }
0x73: {  	_ =	shalt  }
0x74: {  	_ =	shalt  }
0x75: {  	_ =	shalt  }
0x76: {  	_ =	shalt  }
0x77: {  	_ =	shalt  }
0x78: {  	_ =	shalt  }
0x79: {  	_ =	shalt  }
0x7a: {  	_ =	shalt  }
0x7b: {  	_ =	shalt  }
0x7c: {  	_ =	shalt  }
0x7d: {  	_ =	shalt  }
0x7e: {  	_ =	shalt  }
0x7f: {  	_ =	shalt  }
0x80: {  	_ =	shalt  }
0x81: {  	_ =	shalt  }
0x82: {  	_ =	shalt  }
0x83: {  	_ =	shalt  }
0x84: {  	_ =	shalt  }
0x85: {  	_ =	shalt  }
0x86: {  	_ =	shalt  }
0x87: {  	_ =	shalt  }
.Lfunc_end0:
.L_simem_size_0:
called_computation_lowered:
.L_overlay_start_0:
0x88: {  	s2 =	sld [smem:$0x3FD9]  }
0x89: {  	s3 =	sld [smem:$0x3FFE];
	_ =	sdelay $0x1  }
0x8a: {  	s1 =	srdreg.scid  }
0x8b: {  	s0 =	sand.u32 $0x1, s1  }
0x8c: {  	s18 =	sshll.u32 s0, $0xA;
	s2 =	sadd.s32 s3, s2  }
0x8d: {  	s2 =	sadd.s32 s2, s18  }
0x8e: {  	[smem:$0x3FC6] =	sst s2  }
0x8f: {  	_ = 	snop  }
0x90: {  	s2 =	sld [smem:$0x3FC9]  }
0x91: {  	s19 =	sld [smem:$0x3FC8]  }
0x92: {  	s4 =	sld [smem:$0x3FD0];
	(tm) =	ssettm $0x1  }
0x93: {  	s5 =	sld [smem:$0x3FFB];
	_ =	sdelay $0x3  }
0x94: {  	_ =	strace s5  }
0x95: {  	s5 =	sld [smem:$0x3FFC];
	_ =	sdelay $0x3  }
0x96: {  	_ =	strace s5  }
0x97: {  	s5 =	sld [smem:$0x3FFD];
	_ =	sdelay $0x3  }
0x98: {  	_ =	strace s5  }
0x99: {  	_ =	strace $0x8FFFFFFF  }
0x9a: {  	s20 =	sld [smem:$0x3FDB];
	_ =	sdelay $0x1  }
0x9b: {  	s6 =	simm.s32 $_scs_section_size  }
0x9c: {  	s7 =	simm.s32 $_size__tile_overlayer_lowered;
	s8 =	simm.s32 $_tile_overlayer_lowered  }
0x9d: {  	s23 =	simm.s32 $0x1BFF;
	s22 =	sshll.u32 s8, $0x1;
	s5 =	sadd.s32 s6, s20  }
0x9e: {  	s9 =	simm.s32 $0x0;
	s21 =	sshll.u32 s7, $0x1;
	s7 =	sadd.s32 s22, s5  }
0x9f: {  	[timem:s9], [sflag:s23] =	dma.local [hbm:s7], s21  }
0xa0: {  	_ =	swait.ge [sflag:s23], s21  }
0xa1: {  	s6 =	ssub.s32 $0x0, s21;
	[sflag:s23] =	ssyncset.done $0x0  }
0xa2: {  	[sflag:s23] =	ssyncadd.s32 s6;
	_ =	sdelay $0x1  }
0xa3: {  	s24 =	simm.s32 $0x1B8B  }
0xa4: {  	_ =	swait.ge [sflag:s24], $0x1  }
0xa5: {  	[sflag:s24] =	ssyncset.done $0x0  }
0xa6: {  	s25 =	simm.s32 $0x1B8E;
	[sflag:s24] =	ssyncadd.s32 $0xFFFFFFFF  }
0xa7: {  	s26 =	simm.s32 $execute0_lowered;
	[smem:$0x3FD2] =	sst s25  }
0xa8: {  	s6 =	sshll.u32 s26, $0x1;
	_ =	strace $0x80000046;
	[dreg:$0x1] =	wrdreg $0xFFFFFFFF  }
0xa9: {  	s28 =	simm.s32 $_size_execute0_lowered;
	s5 =	sadd.s32 s5, s6;
	[dreg:$0x0] =	wrdreg $0x0  }
0xaa: {  	s6 =	sshll.u32 s28, $0x1;
	[dreg:$0x2] =	wrdreg s5  }
0xab: {  	[dreg:$0x3] =	wrdreg s6  }
0xac: {  	[dreg:$0x4] =	wrdreg $0xC0  }
0xad: {  	_ =	task [dreg:s9], $0x5FFFF  }
0xae: {  	[dreg:$0x1] =	wrdreg $0xFFFFFFFF  }
0xaf: {  	[dreg:$0x0] =	wrdreg $0x60  }
0xb0: {  	[dreg:$0x2] =	wrdreg s19  }
0xb1: {  	[dreg:$0x3] =	wrdreg s2  }
0xb2: {  	[dreg:$0x4] =	wrdreg s4  }
0xb3: {  	[dreg:$0x5] =	wrdreg $0x9  }
0xb4: {  	_ =	task.clear_ibuf [dreg:s9], $0x6FFFF;
	_ =	strace $0x90000046  }
0xb5: {  	s29 =	simm.s32 $0x9;
	_ =	strace $0x80000048  }
0xb6: {  	_ =	swait.ge [sflag:s29], $0x1  }
0xb7: {  	[sflag:s29] =	ssyncadd.s32 $0xFFFFFFFF  }
0xb8: {  	_ =	strace $0x90000048  }
0xb9: {  	_ =	sfence  }
0xba: {  	s30 =	sld [smem:$0x0];
	_ =	sdelay $0x2  }
0xbb: {  	s31 =	sshll.u32 s1, $0xD;
	s1 =	sshrl.u32 s1, $0x2  }
0xbc: {  	s3 =	sand.u32 $0x4000, s31;
	s1 =	sadd.s32 s1, s30  }
0xbd: {  	s0 =	sor.u32 s3, s0;
	s1 =	sshll.u32 s1, $0x11  }
0xbe: {  	s0 =	sor.u32 s1, s0  }
0xbf: {  	s0 =	sadd.s32 $0x8F2B, s0  }
0xc0: {  	[sflag:s0] =	ssyncadd.remote.s32 $0x1  }
0xc1: {  	_ =	sfence.sel $0xFFFF  }
0xc2: {  	[dreg:$0x0] =	wrdreg $0xFFFFFFFF;
	(pc) =	sbr.abs _section_cstart, $3  }
0xc3: {  	[dreg:$0x1] =	wrdreg $0xFFFFFFFF  }
0xc4: {  	_ =	task.clear_ibuf [dreg:s9], $0x2FFFF;
	_ =	strace $0x9FFFFFFF  }
0xc5: {  	(tm) =	ssettm $0x7FFFFFFF  }
tec
execute0_lowered:
.L_overlay_start_1:
0x0: {  	(tag) =	ssettag $0x1  }
0x1: {  	s1 =	rddreg [dreg:$0x0]  }
0x2: {  	s0 =	rddreg [dreg:$0x1]  }
0x3: {  	s2 =	srdreg.scid;
	s6 =	stileid.u32  }
0x4: {  	s4 =	rddreg [dreg:$0x2];
	s3 =	simm.s32 $0x0;
	s13 =	simm.s32 $0x14800  }
0x5: {  	s14 =	simm.s32 $0xB000;
	s15 =	simm.s32 $0xB800;
	s16 =	simm.s32 $0xC000  }
0x6: {  	s17 =	simm.s32 $0xC800;
	s18 =	simm.s32 $0xD000;
	s19 =	simm.s32 $0xD800  }
0x7: {  	s20 =	simm.s32 $0xE000;
	s21 =	simm.s32 $0xE800;
	s22 =	simm.s32 $0xF000  }
0x8: {  	s23 =	simm.s32 $0xF800;
	s24 =	simm.s32 $0x1;
	s25 =	simm.s32 $0x10000  }
0x9: {  	s26 =	simm.s32 $0x2;
	s28 =	simm.s32 $0x12000;
	s2 =	sand.u32 $0x1, s2  }
0xa: {  	s5 =	sshll.u32 s6, $0x1;
	[smem:$0x7FF] =	sst s3;
	s6 =	sshrl.u32 s6, $0x2  }
0xb: {  	s5 =	sor.u32 s2, s5;
	s2 =	ssub.s32 $0x2, s2;
	s8 =	sshll.u32 s6, $0x4  }
0xc: {  	v10 =	vlaneseq.u32;
	_ =	strace $0x80000047;
	s7 =	sshll.u32 s5, $0x8;
	s9 =	sshrl.u32 s2, $0x1  }
.Ltmp0:
0xd: {  	v0 =	vmul.u32 $0x4, v10;
	s7 =	sand.u32 $0x700, s7;
	s2 =	ssub.s32 s2, s9;
	(pc) =	sbr.rel .LBB2_1-.Ltmp0, $4  }
0xe: {  	vm0 =	vmmov $0xffff;
	v8 =	vand.u32 $0x7, v10;
	v9 =	vshrl.u32 v10, $0x3;
	s30 =	smul.u32 $0x7900, s6;
	s7 =	sor.u32 s8, s7;
	s2 =	smax.u32 s2, $0x1  }
0xf: {  	v10 =	vor.u32 $0x8, v10;
	v9 =	vmul.u32 $0x8, v9;
	s5 =	sshll.u32 s5, $0xE;
	v2 =	vor.u32 $0x1, v0;
	s7 =	sadd.s32 s0, s7;
	[dreg:$0x6] =	wrdreg s2  }
0x10: {  	v3 =	vor.u32 $0x2, v0;
	v4 =	vor.u32 $0x3, v0;
	v5 =	vor.u32 $0x41, v0;
	s6 =	sadd.s32 s4, s5;
	[dreg:$0x4] =	wrdreg s7;
	s31 =	sadd.s32 $0x800, s7  }
0x11: {  	v6 =	vor.u32 $0x42, v0;
	v7 =	vor.u32 $0x43, v0;
	v1 =	vmov s30;
	s8 =	simm.s32 $0x4;
	s2 =	simm.s32 $0x0;
	[dreg:$0x5] =	wrdreg s31  }
.LBB2_10:
0x12: {  	s0 =	simm.s32 $0x3  }
0x13: {  	_ =	swait.ge [sflag:s0], $0x2000  }
0x14: {  	[sflag:s0] =	ssyncset.done $0x0  }
0x15: {  	[sflag:s0] =	ssyncadd.s32 $0xFFFFE000  }
0x16: {  	_ =	swait.ge [sflag:s8], $0x2000  }
0x17: {  	s2 =	rddreg [dreg:$0x7]  }
0x18: {  	s31 =	rddreg [dreg:$0x6];
	s2 =	sadd.s32 $0x1, s2  }
0x19: {  	p0 =	sne.s32 s2, s31  }
.Ltmp1:
0x1a: {  	_ = 	snop;
	(pc) =	sbr.rel @!p0 .LBB2_11-.Ltmp1, $3  }
0x1b: {  	_ =	sdelay $0x1  }
0x1c: {  	[sflag:s8] =	ssyncset.done $0x0  }
0x1d: {  	[sflag:s8] =	ssyncadd.s32 $0xFFFFE000  }
.LBB2_1:
0x1e: {  	[dreg:$0x7] =	wrdreg s2  }
0x1f: {  	s0 =	rddreg [dreg:$0x4];
	s10 =	simm.s32 $0x80  }
0x20: {  	s4 =	simm.s32 $0x200;
	s5 =	simm.s32 $0x15080;
	s11 =	simm.s32 $0x5  }
0x21: {  	[tilespmem:s5], [sflag:$0x5] =	stream.strided.gather [hbm4b:s0+s10], $0x200, s4, s10, $0x38;
	[tilespmem:$0x15480] =	vst v63  }
0x22: {  	_ =	swait.ge [sflag:s11], $0x200  }
0x23: {  	[sflag:s11] =	ssyncset.done $0x0  }
0x24: {  	s7 =	simm.s32 $0x15280;
	s12 =	rddreg [dreg:$0x5];
	[sflag:s11] =	ssyncadd.s32 $0xFFFFFE00  }
0x25: {  	[tilespmem:s7], [sflag:$0x5] =	stream.strided.gather [hbm4b:s12+s10], $0x200, s4, s10, $0x38;
	[tilespmem:$0x15480] =	vst v63  }
0x26: {  	_ =	swait.ge [sflag:s11], $0x200  }
0x27: {  	[sflag:s11] =	ssyncset.done $0x0  }
0x28: {  	s29 =	simm.s32 $0x10;
	[sflag:s11] =	ssyncadd.s32 $0xFFFFFE00  }
0x29: {  	v11 =	vld [tilespmem:s29+$0x15280];
	_ =	sdelay $0x1  }
0x2a: {  	v13 =	vld [tilespmem:s29+$0x15080]  }
0x2b: {  	v14 =	vld [tilespmem:s29+$0x15070]  }
0x2c: {  	v12 =	vld [tilespmem:s29+$0x15270]  }
0x2d: {  	v11 =	vadd.f32 $4.000000000e+01, v11  }
0x2e: {  	s31 =	simm.s32 $0x40  }
0x2f: {  	v25 =	vor.u32 s31, v0;
	v20 =	vmul.f32 $2.500000000e+00, v13;
	v21 =	vmul.f32 $2.500000000e+00, v11  }
0x30: {  	v29 =	vor.u32 s31, v5;
	v62 =	vor.u32 s31, v7;
	v15 =	vmul.f32 $2.500000000e+00, v14  }
0x31: {  	s30 =	simm.s32 $0x0;
	v12 =	vadd.f32 $4.000000000e+01, v12;
	v13 =	vtrunc.f32 v20;
	v17 =	vtrunc.f32 v21  }
0x32: {  	v14 =	vor.u32 s30, v2;
	v18 =	vcvt.f32.s32 v13;
	v17 =	vcvt.f32.s32 v17  }
0x33: {  	v11 =	vor.u32 s30, v0;
	v16 =	vmul.f32 $2.500000000e+00, v12;
	v12 =	vor.u32 s30, v3  }
0x34: {  	v19 =	vtrunc.f32 v15;
	vm1 =	vgt.s32 v18, $0x0;
	vm2 =	vgt.s32 v17, $0x0  }
0x35: {  	v23 =	vcvt.f32.s32 v19;
	v18 =	vnsel vm1, $0x0, v18;
	v19 =	vnsel vm2, $0x0, v17  }
0x36: {  	v13 =	vor.u32 s30, v4;
	v17 =	vadd.s32 $0x1, v18;
	v24 =	vadd.s32 $0x1, v19  }
0x37: {  	v22 =	vtrunc.f32 v16;
	vm3 =	vlt.s32 v17, $0xAF;
	vm4 =	vlt.s32 v24, $0xAF  }
0x38: {  	v22 =	vcvt.f32.s32 v22;
	v17 =	vnsel vm3, $0xAF, v17;
	v24 =	vnsel vm4, $0xAF, v24  }
0x39: {  	v19 =	vmin.u32 v19, $0xAF;
	v26 =	vcvt.s32.f32 v17;
	v27 =	vcvt.s32.f32 v24  }
0x3a: {  	vm1 =	vgt.s32 v22, $0x0;
	v18 =	vmin.u32 v18, $0xAF;
	v28 =	vcvt.s32.f32 v19  }
0x3b: {  	v30 =	vcvt.s32.f32 v18;
	v26 =	vsub.f32 v26, v20;
	v27 =	vsub.f32 v27, v21  }
0x3c: {  	v31 =	vnsel vm1, $0x0, v22;
	v22 =	vor.u32 s31, v6;
	v21 =	vsub.f32 v21, v28  }
0x3d: {  	vm2 =	vgt.s32 v23, $0x0;
	v20 =	vsub.f32 v20, v30;
	v61 =	vmul.f32 v27, v26  }
0x3e: {  	v23 =	vnsel vm2, $0x0, v23;
	v32 =	vadd.s32 $0x1, v31;
	v26 =	vmul.f32 v21, v26  }
0x3f: {  	v33 =	vadd.s32 $0x1, v23;
	v24 =	vmul.u32 $0xB0, v24;
	[tilespmem:v25+s13+$0x0] =	vst.idx.msk $0xffff, v61;
	v25 =	vmul.f32 v27, v20  }
0x40: {  	vm2 =	vlt.s32 v32, $0xAF;
	vm1 =	vlt.s32 v33, $0xAF;
	[tilespmem:v29+s13+$0x0] =	vst.idx.msk $0xffff, v26;
	v26 =	vmul.f32 v21, v20  }
0x41: {  	v27 =	vnsel vm2, $0xAF, v32;
	v20 =	vnsel vm1, $0xAF, v33;
	v21 =	vadd.s32 v1, v24;
	[tilespmem:v22+s13+$0x0] =	vst.idx.msk $0xffff, v25  }
0x42: {  	s0 =	simm.s32 $0x14040;
	v24 =	vmin.u32 v31, $0xAF;
	v22 =	vmin.u32 v23, $0xAF;
	v63 =	vadd.s32 v17, v21;
	[tilespmem:v62+s13+$0x0] =	vst.idx.msk $0xffff, v26  }
0x43: {  	s2 =	simm.s32 $0x0;
	s4 =	simm.s32 $0xC0;
	v25 =	vcvt.s32.f32 v20;
	v23 =	vmul.u32 $0xB0, v27;
	v26 =	vcvt.s32.f32 v27;
	[tilespmem:s0+$0x30] =	vst v63  }
.LBB2_2:
0x44: {  	s5 =	sshra.s32 s4, $0x2;
	s7 =	sadd.s32 $0xFFFFFFC0, s4;
	v27 =	vcvt.s32.f32 v22;
	v28 =	vcvt.s32.f32 v24;
	v24 =	vmul.u32 $0xB0, v24  }
0x45: {  	v19 =	vmul.u32 $0xB0, v19;
	v29 =	vld [tilespmem:s5+$0x15280];
	v25 =	vsub.f32 v25, v15;
	v26 =	vsub.f32 v26, v16  }
0x46: {  	v23 =	vadd.s32 v1, v23;
	v30 =	vld [tilespmem:s5+$0x15270];
	v16 =	vsub.f32 v16, v28;
	v15 =	vsub.f32 v15, v27  }
0x47: {  	v24 =	vadd.s32 v1, v24;
	v19 =	vadd.s32 v1, v19;
	v27 =	vld [tilespmem:s5+$0x15080];
	v28 =	vmul.f32 v26, v25  }
0x48: {  	s2 =	sadd.s32 $0x2, s2;
	v32 =	vadd.s32 v22, v23;
	v31 =	vld [tilespmem:s5+$0x15070];
	v25 =	vmul.f32 v16, v25;
	v26 =	vmul.f32 v26, v15  }
0x49: {  	v21 =	vadd.s32 v18, v21;
	p0 =	slt.u32 s2, $0x1E;
	v23 =	vadd.s32 v20, v23;
	v33 =	vmul.f32 v16, v15  }
0x4a: {  	v22 =	vadd.s32 v22, v24;
	v20 =	vadd.s32 v20, v24;
	v15 =	vadd.f32 $4.000000000e+01, v29;
	[tilespmem:v11+s13+$0x0] =	vst.idx.msk $0xffff, v28  }
0x4b: {  	v18 =	vadd.s32 v18, v19;
	v17 =	vadd.s32 v17, v19;
	v16 =	vadd.f32 $4.000000000e+01, v30;
	[tilespmem:v14+s13+$0x0] =	vst.idx.msk $0xffff, v25  }
0x4c: {  	v11 =	vor.u32 s7, v0;
	v24 =	vmul.f32 $2.500000000e+00, v27;
	v25 =	vmul.f32 $2.500000000e+00, v15;
	[tilespmem:v12+s13+$0x0] =	vst.idx.msk $0xffff, v26  }
0x4d: {  	v14 =	vor.u32 s7, v2;
	v15 =	vmul.f32 $2.500000000e+00, v31;
	v16 =	vmul.f32 $2.500000000e+00, v16;
	[tilespmem:v13+s13+$0x0] =	vst.idx.msk $0xffff, v33  }
0x4e: {  	v12 =	vor.u32 s7, v3;
	v19 =	vtrunc.f32 v24;
	v26 =	vtrunc.f32 v25;
	[tilespmem:s0+$0xFFFFFFC0] =	vst v22  }
0x4f: {  	v13 =	vor.u32 s7, v4;
	v19 =	vcvt.f32.s32 v19;
	v22 =	vcvt.f32.s32 v26;
	[tilespmem:s0+$0xFFFFFFE0] =	vst v32  }
0x50: {  	v26 =	vtrunc.f32 v15;
	v27 =	vtrunc.f32 v16;
	[tilespmem:s0+$0x0] =	vst v20  }
0x51: {  	v20 =	vcvt.f32.s32 v27;
	vm1 =	vgt.s32 v19, $0x0;
	vm2 =	vgt.s32 v22, $0x0;
	[tilespmem:s0+$0x20] =	vst v23  }
0x52: {  	v23 =	vcvt.f32.s32 v26;
	v26 =	vnsel vm1, $0x0, v19;
	v19 =	vnsel vm2, $0x0, v22;
	[tilespmem:s0+$0xFFFFFFD0] =	vst v18  }
0x53: {  	vm1 =	vgt.s32 v20, $0x0;
	v18 =	vadd.s32 $0x1, v26;
	v22 =	vadd.s32 $0x1, v19;
	[tilespmem:s0+$0xFFFFFFF0] =	vst v21  }
0x54: {  	vm2 =	vgt.s32 v23, $0x0;
	vm3 =	vlt.s32 v18, $0xAF;
	vm4 =	vlt.s32 v22, $0xAF;
	[tilespmem:s0+$0x10] =	vst v17  }
0x55: {  	v17 =	vnsel vm3, $0xAF, v18;
	v21 =	vnsel vm4, $0xAF, v22;
	v22 =	vor.u32 s4, v0  }
0x56: {  	v19 =	vmin.u32 v19, $0xAF;
	v27 =	vcvt.s32.f32 v17;
	v28 =	vcvt.s32.f32 v21  }
0x57: {  	v29 =	vor.u32 s4, v5;
	v18 =	vmin.u32 v26, $0xAF;
	v26 =	vcvt.s32.f32 v19  }
0x58: {  	v30 =	vcvt.s32.f32 v18;
	v27 =	vsub.f32 v27, v24;
	v28 =	vsub.f32 v28, v25  }
0x59: {  	v31 =	vnsel vm1, $0x0, v20;
	v20 =	vsub.f32 v25, v26;
	v25 =	vor.u32 s4, v6  }
0x5a: {  	v24 =	vsub.f32 v24, v30;
	v30 =	vor.u32 s4, v7;
	v26 =	vmul.f32 v28, v27  }
0x5b: {  	v23 =	vnsel vm2, $0x0, v23;
	v32 =	vadd.s32 $0x1, v31;
	v27 =	vmul.f32 v20, v27  }
.Ltmp2:
0x5c: {  	v33 =	vadd.s32 $0x1, v23;
	v21 =	vmul.u32 $0xB0, v21;
	[tilespmem:v22+s13+$0x0] =	vst.idx.msk $0xffff, v26;
	v22 =	vmul.f32 v28, v24;
	(pc) =	sbr.rel @p0 .LBB2_2-.Ltmp2, $4  }
0x5d: {  	vm2 =	vlt.s32 v32, $0xAF;
	vm1 =	vlt.s32 v33, $0xAF;
	v26 =	vmul.f32 v20, v24;
	[tilespmem:v29+s13+$0x0] =	vst.idx.msk $0xffff, v27  }
0x5e: {  	v21 =	vadd.s32 v1, v21;
	v20 =	vnsel vm1, $0xAF, v33;
	v27 =	vnsel vm2, $0xAF, v32;
	[tilespmem:v25+s13+$0x0] =	vst.idx.msk $0xffff, v22  }
0x5f: {  	s0 =	sadd.s32 $0x80, s0;
	v24 =	vmin.u32 v31, $0xAF;
	v28 =	vadd.s32 v17, v21;
	v22 =	vmin.u32 v23, $0xAF;
	[tilespmem:v30+s13+$0x0] =	vst.idx.msk $0xffff, v26  }
0x60: {  	s4 =	sadd.s32 $0x80, s4;
	v25 =	vcvt.s32.f32 v20;
	v23 =	vmul.u32 $0xB0, v27;
	v26 =	vcvt.s32.f32 v27;
	[tilespmem:s0+$0x30] =	vst v28  }
0x61: {  	v27 =	vcvt.s32.f32 v24  }
0x62: {  	v28 =	vcvt.s32.f32 v22;
	v25 =	vsub.f32 v25, v15;
	v26 =	vsub.f32 v26, v16  }
0x63: {  	v38 =	vsub.f32 v16, v27  }
0x64: {  	v47 =	vadd.s32 v18, v21;
	v39 =	vsub.f32 v15, v28;
	v40 =	vmul.f32 v26, v25  }
0x65: {  	[tilespmem:s0+$0xFFFFFFF0] =	vst v47;
	v25 =	vmul.f32 v38, v25  }
0x66: {  	v41 =	vmul.u32 $0xB0, v24;
	v26 =	vmul.f32 v26, v39;
	[tilespmem:v11+s13+$0x0] =	vst.idx.msk $0xffff, v40  }
0x67: {  	v11 =	vmul.f32 v38, v39;
	[tilespmem:v14+s13+$0x0] =	vst.idx.msk $0xffff, v25  }
0x68: {  	v42 =	vadd.s32 v1, v41;
	[tilespmem:v12+s13+$0x0] =	vst.idx.msk $0xffff, v26  }
0x69: {  	v43 =	vadd.s32 v1, v23;
	v44 =	vadd.s32 v22, v42;
	[tilespmem:v13+s13+$0x0] =	vst.idx.msk $0xffff, v11  }
0x6a: {  	v45 =	vadd.s32 v22, v43;
	v11 =	vmul.u32 $0xB0, v19;
	[tilespmem:s0+$0xFFFFFFC0] =	vst v44  }
0x6b: {  	v14 =	vadd.s32 v20, v42;
	[tilespmem:s0+$0xFFFFFFE0] =	vst v45  }
0x6c: {  	v12 =	vadd.s32 v20, v43;
	[tilespmem:s0+$0x0] =	vst v14;
	v11 =	vadd.s32 v1, v11  }
0x6d: {  	[tilespmem:s0+$0x20] =	vst v12;
	v46 =	vadd.s32 v18, v11  }
0x6e: {  	v11 =	vadd.s32 v17, v11;
	[tilespmem:s0+$0xFFFFFFD0] =	vst v46  }
0x6f: {  	[tilespmem:s0+$0x10] =	vst v11  }
0x70: {  	v11 =	vld [tilespmem:$0x14000];
	_ =	sdelay $0x4  }
0x71: {  	v48 =	vshll.u32 v11, $0x1  }
0x72: {  	v11 =	vand.u32 $0x7, v11;
	v12 =	vand.u32 $0xFFFFFFF0, v48  }
0x73: {  	v11 =	vor.u32 v11, v12  }
0x74: {  	v12 =	vperm.xlane v11, v8;
	_ =	sdelay $0x1  }
0x75: {  	v11 =	vperm.xlane v11, v10;
	v12 =	vadd.s32 v9, v12;
	_ =	sdelay $0x1  }
0x76: {  	v11 =	vadd.s32 v9, v11;
	_ =	sdelay $0x1  }
0x77: {  	s5 =	simm.s32 $0x0  }
0x78: {  	[tilespmem:s5], [sflag:$0x1] =	stream.indirect_vreg.gather [hbm4b:s1+s5], $0x80, v12, vm0, $0xb8;
	[tilespmem:$0x15480] =	vst v63  }
0x79: {  	s12 =	simm.s32 $0x800  }
0x7a: {  	[tilespmem:s12], [sflag:$0x1] =	stream.indirect_vreg.gather [hbm4b:s1+s5], $0x80, v11, vm0, $0xb8;
	[tilespmem:$0x15480] =	vst v63  }
0x7b: {  	v11 =	vld [tilespmem:$0x14010];
	_ =	sdelay $0x4  }
0x7c: {  	v49 =	vshll.u32 v11, $0x1  }
0x7d: {  	v11 =	vand.u32 $0x7, v11;
	v12 =	vand.u32 $0xFFFFFFF0, v49  }
0x7e: {  	v11 =	vor.u32 v11, v12  }
0x7f: {  	v12 =	vperm.xlane v11, v8;
	_ =	sdelay $0x1  }
0x80: {  	v11 =	vperm.xlane v11, v10;
	v12 =	vadd.s32 v9, v12;
	_ =	sdelay $0x1  }
0x81: {  	v11 =	vadd.s32 v9, v11;
	_ =	sdelay $0x1  }
0x82: {  	s30 =	simm.s32 $0x1000  }
0x83: {  	[tilespmem:s30], [sflag:$0x1] =	stream.indirect_vreg.gather [hbm4b:s1+s5], $0x80, v12, vm0, $0xb8;
	[tilespmem:$0x15480] =	vst v63  }
0x84: {  	s31 =	simm.s32 $0x1800  }
0x85: {  	[tilespmem:s31], [sflag:$0x1] =	stream.indirect_vreg.gather [hbm4b:s1+s5], $0x80, v11, vm0, $0xb8;
	[tilespmem:$0x15480] =	vst v63  }
0x86: {  	v11 =	vld [tilespmem:$0x14020];
	_ =	sdelay $0x4  }
0x87: {  	v50 =	vshll.u32 v11, $0x1  }
0x88: {  	v11 =	vand.u32 $0x7, v11;
	v12 =	vand.u32 $0xFFFFFFF0, v50  }
0x89: {  	v11 =	vor.u32 v11, v12  }
0x8a: {  	v12 =	vperm.xlane v11, v8;
	_ =	sdelay $0x1  }
0x8b: {  	v11 =	vperm.xlane v11, v10;
	v12 =	vadd.s32 v9, v12;
	_ =	sdelay $0x1  }
0x8c: {  	v11 =	vadd.s32 v9, v11;
	_ =	sdelay $0x1  }
0x8d: {  	s2 =	simm.s32 $0x2000  }
0x8e: {  	[tilespmem:s2], [sflag:$0x1] =	stream.indirect_vreg.gather [hbm4b:s1+s5], $0x80, v12, vm0, $0xb8;
	[tilespmem:$0x15480] =	vst v63  }
0x8f: {  	s4 =	simm.s32 $0x2800  }
0x90: {  	[tilespmem:s4], [sflag:$0x1] =	stream.indirect_vreg.gather [hbm4b:s1+s5], $0x80, v11, vm0, $0xb8;
	[tilespmem:$0x15480] =	vst v63  }
0x91: {  	v11 =	vld [tilespmem:$0x14030];
	_ =	sdelay $0x4  }
0x92: {  	v51 =	vshll.u32 v11, $0x1  }
0x93: {  	v11 =	vand.u32 $0x7, v11;
	v12 =	vand.u32 $0xFFFFFFF0, v51  }
0x94: {  	v11 =	vor.u32 v11, v12  }
0x95: {  	v12 =	vperm.xlane v11, v8;
	_ =	sdelay $0x1  }
0x96: {  	v11 =	vperm.xlane v11, v10;
	v12 =	vadd.s32 v9, v12;
	_ =	sdelay $0x1  }
0x97: {  	v11 =	vadd.s32 v9, v11;
	_ =	sdelay $0x1  }
0x98: {  	s7 =	simm.s32 $0x3000  }
0x99: {  	[tilespmem:s7], [sflag:$0x1] =	stream.indirect_vreg.gather [hbm4b:s1+s5], $0x80, v12, vm0, $0xb8;
	[tilespmem:$0x15480] =	vst v63  }
0x9a: {  	s9 =	simm.s32 $0x3800  }
0x9b: {  	[tilespmem:s9], [sflag:$0x1] =	stream.indirect_vreg.gather [hbm4b:s1+s5], $0x80, v11, vm0, $0xb8;
	[tilespmem:$0x15480] =	vst v63  }
0x9c: {  	v11 =	vld [tilespmem:$0x14040];
	_ =	sdelay $0x4  }
0x9d: {  	v52 =	vshll.u32 v11, $0x1  }
0x9e: {  	v11 =	vand.u32 $0x7, v11;
	v12 =	vand.u32 $0xFFFFFFF0, v52  }
0x9f: {  	v11 =	vor.u32 v11, v12  }
0xa0: {  	v12 =	vperm.xlane v11, v8;
	_ =	sdelay $0x1  }
0xa1: {  	v11 =	vperm.xlane v11, v10;
	v12 =	vadd.s32 v9, v12;
	_ =	sdelay $0x1  }
0xa2: {  	v11 =	vadd.s32 v9, v11;
	_ =	sdelay $0x1  }
0xa3: {  	s10 =	simm.s32 $0x4000  }
0xa4: {  	[tilespmem:s10], [sflag:$0x1] =	stream.indirect_vreg.gather [hbm4b:s1+s5], $0x80, v12, vm0, $0xb8;
	[tilespmem:$0x15480] =	vst v63  }
0xa5: {  	s11 =	simm.s32 $0x4800  }
0xa6: {  	[tilespmem:s11], [sflag:$0x1] =	stream.indirect_vreg.gather [hbm4b:s1+s5], $0x80, v11, vm0, $0xb8;
	[tilespmem:$0x15480] =	vst v63  }
0xa7: {  	v11 =	vld [tilespmem:$0x14050];
	_ =	sdelay $0x4  }
0xa8: {  	v53 =	vshll.u32 v11, $0x1  }
0xa9: {  	v11 =	vand.u32 $0x7, v11;
	v12 =	vand.u32 $0xFFFFFFF0, v53  }
0xaa: {  	v11 =	vor.u32 v11, v12  }
0xab: {  	v12 =	vperm.xlane v11, v8;
	_ =	sdelay $0x1  }
0xac: {  	v11 =	vperm.xlane v11, v10;
	v12 =	vadd.s32 v9, v12;
	_ =	sdelay $0x1  }
0xad: {  	v11 =	vadd.s32 v9, v11;
	_ =	sdelay $0x1  }
0xae: {  	s12 =	simm.s32 $0x5000  }
0xaf: {  	[tilespmem:s12], [sflag:$0x1] =	stream.indirect_vreg.gather [hbm4b:s1+s5], $0x80, v12, vm0, $0xb8;
	[tilespmem:$0x15480] =	vst v63  }
0xb0: {  	s30 =	simm.s32 $0x5800  }
0xb1: {  	[tilespmem:s30], [sflag:$0x1] =	stream.indirect_vreg.gather [hbm4b:s1+s5], $0x80, v11, vm0, $0xb8;
	[tilespmem:$0x15480] =	vst v63  }
0xb2: {  	v11 =	vld [tilespmem:$0x14060];
	_ =	sdelay $0x4  }
0xb3: {  	v54 =	vshll.u32 v11, $0x1  }
0xb4: {  	v11 =	vand.u32 $0x7, v11;
	v12 =	vand.u32 $0xFFFFFFF0, v54  }
0xb5: {  	v11 =	vor.u32 v11, v12  }
0xb6: {  	v12 =	vperm.xlane v11, v8;
	_ =	sdelay $0x1  }
0xb7: {  	v11 =	vperm.xlane v11, v10;
	v12 =	vadd.s32 v9, v12;
	_ =	sdelay $0x1  }
0xb8: {  	v11 =	vadd.s32 v9, v11;
	_ =	sdelay $0x1  }
0xb9: {  	s31 =	simm.s32 $0x6000  }
0xba: {  	[tilespmem:s31], [sflag:$0x1] =	stream.indirect_vreg.gather [hbm4b:s1+s5], $0x80, v12, vm0, $0xb8;
	[tilespmem:$0x15480] =	vst v63  }
0xbb: {  	s2 =	simm.s32 $0x6800  }
0xbc: {  	[tilespmem:s2], [sflag:$0x1] =	stream.indirect_vreg.gather [hbm4b:s1+s5], $0x80, v11, vm0, $0xb8;
	[tilespmem:$0x15480] =	vst v63  }
0xbd: {  	v11 =	vld [tilespmem:$0x14070];
	_ =	sdelay $0x4  }
0xbe: {  	v55 =	vshll.u32 v11, $0x1  }
0xbf: {  	v11 =	vand.u32 $0x7, v11;
	v12 =	vand.u32 $0xFFFFFFF0, v55  }
0xc0: {  	v11 =	vor.u32 v11, v12  }
0xc1: {  	v12 =	vperm.xlane v11, v8;
	_ =	sdelay $0x1  }
0xc2: {  	v11 =	vperm.xlane v11, v10;
	v12 =	vadd.s32 v9, v12;
	_ =	sdelay $0x1  }
0xc3: {  	v11 =	vadd.s32 v9, v11;
	_ =	sdelay $0x1  }
0xc4: {  	s4 =	simm.s32 $0x7000  }
0xc5: {  	[tilespmem:s4], [sflag:$0x1] =	stream.indirect_vreg.gather [hbm4b:s1+s5], $0x80, v12, vm0, $0xb8;
	[tilespmem:$0x15480] =	vst v63  }
0xc6: {  	s7 =	simm.s32 $0x7800  }
0xc7: {  	[tilespmem:s7], [sflag:$0x1] =	stream.indirect_vreg.gather [hbm4b:s1+s5], $0x80, v11, vm0, $0xb8;
	[tilespmem:$0x15480] =	vst v63  }
0xc8: {  	v11 =	vld [tilespmem:$0x14080];
	_ =	sdelay $0x4  }
0xc9: {  	v56 =	vshll.u32 v11, $0x1  }
0xca: {  	v11 =	vand.u32 $0x7, v11;
	v12 =	vand.u32 $0xFFFFFFF0, v56  }
0xcb: {  	v11 =	vor.u32 v11, v12  }
0xcc: {  	v12 =	vperm.xlane v11, v8;
	_ =	sdelay $0x1  }
0xcd: {  	v11 =	vperm.xlane v11, v10;
	v12 =	vadd.s32 v9, v12;
	_ =	sdelay $0x1  }
0xce: {  	v11 =	vadd.s32 v9, v11;
	_ =	sdelay $0x1  }
0xcf: {  	s9 =	simm.s32 $0x8000  }
0xd0: {  	[tilespmem:s9], [sflag:$0x2] =	stream.indirect_vreg.gather [hbm4b:s1+s5], $0x80, v12, vm0, $0xb8;
	[tilespmem:$0x15480] =	vst v63  }
0xd1: {  	s10 =	simm.s32 $0x8800  }
0xd2: {  	[tilespmem:s10], [sflag:$0x2] =	stream.indirect_vreg.gather [hbm4b:s1+s5], $0x80, v11, vm0, $0xb8;
	[tilespmem:$0x15480] =	vst v63  }
0xd3: {  	v11 =	vld [tilespmem:$0x14090];
	_ =	sdelay $0x4  }
0xd4: {  	v57 =	vshll.u32 v11, $0x1  }
0xd5: {  	v11 =	vand.u32 $0x7, v11;
	v12 =	vand.u32 $0xFFFFFFF0, v57  }
0xd6: {  	v11 =	vor.u32 v11, v12  }
0xd7: {  	v12 =	vperm.xlane v11, v8;
	_ =	sdelay $0x1  }
0xd8: {  	v11 =	vperm.xlane v11, v10;
	v12 =	vadd.s32 v9, v12;
	_ =	sdelay $0x1  }
0xd9: {  	v11 =	vadd.s32 v9, v11;
	_ =	sdelay $0x1  }
0xda: {  	s11 =	simm.s32 $0x9000  }
0xdb: {  	[tilespmem:s11], [sflag:$0x2] =	stream.indirect_vreg.gather [hbm4b:s1+s5], $0x80, v12, vm0, $0xb8;
	[tilespmem:$0x15480] =	vst v63  }
0xdc: {  	s12 =	simm.s32 $0x9800  }
0xdd: {  	[tilespmem:s12], [sflag:$0x2] =	stream.indirect_vreg.gather [hbm4b:s1+s5], $0x80, v11, vm0, $0xb8;
	[tilespmem:$0x15480] =	vst v63  }
0xde: {  	v11 =	vld [tilespmem:$0x140A0];
	_ =	sdelay $0x4  }
0xdf: {  	v58 =	vshll.u32 v11, $0x1  }
0xe0: {  	v11 =	vand.u32 $0x7, v11;
	v12 =	vand.u32 $0xFFFFFFF0, v58  }
0xe1: {  	v11 =	vor.u32 v11, v12  }
0xe2: {  	v12 =	vperm.xlane v11, v8;
	_ =	sdelay $0x1  }
0xe3: {  	v11 =	vperm.xlane v11, v10;
	v12 =	vadd.s32 v9, v12;
	_ =	sdelay $0x1  }
0xe4: {  	v11 =	vadd.s32 v9, v11;
	_ =	sdelay $0x1  }
0xe5: {  	s30 =	simm.s32 $0xA000  }
0xe6: {  	[tilespmem:s30], [sflag:$0x2] =	stream.indirect_vreg.gather [hbm4b:s1+s5], $0x80, v12, vm0, $0xb8;
	[tilespmem:$0x15480] =	vst v63  }
0xe7: {  	s31 =	simm.s32 $0xA800  }
0xe8: {  	[tilespmem:s31], [sflag:$0x2] =	stream.indirect_vreg.gather [hbm4b:s1+s5], $0x80, v11, vm0, $0xb8;
	[tilespmem:$0x15480] =	vst v63  }
0xe9: {  	v11 =	vld [tilespmem:$0x140B0];
	_ =	sdelay $0x4  }
0xea: {  	v59 =	vshll.u32 v11, $0x1  }
0xeb: {  	v11 =	vand.u32 $0x7, v11;
	v12 =	vand.u32 $0xFFFFFFF0, v59  }
0xec: {  	v11 =	vor.u32 v11, v12  }
0xed: {  	v12 =	vperm.xlane v11, v8;
	_ =	sdelay $0x1  }
0xee: {  	v11 =	vperm.xlane v11, v10;
	v12 =	vadd.s32 v9, v12;
	_ =	sdelay $0x1  }
0xef: {  	v11 =	vadd.s32 v9, v11;
	_ =	sdelay $0x2  }
0xf0: {  	[tilespmem:s14], [sflag:$0x2] =	stream.indirect_vreg.gather [hbm4b:s1+s5], $0x80, v12, vm0, $0xb8;
	[tilespmem:$0x15480] =	vst v63  }
0xf1: {  	_ = 	snop  }
0xf2: {  	[tilespmem:s15], [sflag:$0x2] =	stream.indirect_vreg.gather [hbm4b:s1+s5], $0x80, v11, vm0, $0xb8;
	[tilespmem:$0x15480] =	vst v63  }
0xf3: {  	v11 =	vld [tilespmem:$0x140C0];
	_ =	sdelay $0x4  }
0xf4: {  	v60 =	vshll.u32 v11, $0x1  }
0xf5: {  	v11 =	vand.u32 $0x7, v11;
	v12 =	vand.u32 $0xFFFFFFF0, v60  }
0xf6: {  	v11 =	vor.u32 v11, v12  }
0xf7: {  	v12 =	vperm.xlane v11, v8;
	_ =	sdelay $0x1  }
0xf8: {  	v11 =	vperm.xlane v11, v10;
	v12 =	vadd.s32 v9, v12;
	_ =	sdelay $0x1  }
0xf9: {  	v11 =	vadd.s32 v9, v11;
	_ =	sdelay $0x2  }
0xfa: {  	[tilespmem:s16], [sflag:$0x2] =	stream.indirect_vreg.gather [hbm4b:s1+s5], $0x80, v12, vm0, $0xb8;
	[tilespmem:$0x15480] =	vst v63  }
0xfb: {  	_ = 	snop  }
0xfc: {  	[tilespmem:s17], [sflag:$0x2] =	stream.indirect_vreg.gather [hbm4b:s1+s5], $0x80, v11, vm0, $0xb8;
	[tilespmem:$0x15480] =	vst v63  }
0xfd: {  	v11 =	vld [tilespmem:$0x140D0];
	_ =	sdelay $0x4  }
0xfe: {  	v61 =	vshll.u32 v11, $0x1  }
0xff: {  	v11 =	vand.u32 $0x7, v11;
	v12 =	vand.u32 $0xFFFFFFF0, v61  }
0x100: {  	v11 =	vor.u32 v11, v12  }
0x101: {  	v12 =	vperm.xlane v11, v8;
	_ =	sdelay $0x1  }
0x102: {  	v11 =	vperm.xlane v11, v10;
	v12 =	vadd.s32 v9, v12;
	_ =	sdelay $0x1  }
0x103: {  	v11 =	vadd.s32 v9, v11;
	_ =	sdelay $0x2  }
0x104: {  	[tilespmem:s18], [sflag:$0x2] =	stream.indirect_vreg.gather [hbm4b:s1+s5], $0x80, v12, vm0, $0xb8;
	[tilespmem:$0x15480] =	vst v63  }
0x105: {  	_ = 	snop  }
0x106: {  	[tilespmem:s19], [sflag:$0x2] =	stream.indirect_vreg.gather [hbm4b:s1+s5], $0x80, v11, vm0, $0xb8;
	[tilespmem:$0x15480] =	vst v63  }
0x107: {  	v11 =	vld [tilespmem:$0x140E0];
	_ =	sdelay $0x4  }
0x108: {  	v62 =	vshll.u32 v11, $0x1  }
0x109: {  	v11 =	vand.u32 $0x7, v11;
	v12 =	vand.u32 $0xFFFFFFF0, v62  }
0x10a: {  	v11 =	vor.u32 v11, v12  }
0x10b: {  	v12 =	vperm.xlane v11, v8;
	_ =	sdelay $0x1  }
0x10c: {  	v11 =	vperm.xlane v11, v10;
	v12 =	vadd.s32 v9, v12;
	_ =	sdelay $0x1  }
0x10d: {  	v11 =	vadd.s32 v9, v11;
	_ =	sdelay $0x2  }
0x10e: {  	[tilespmem:s20], [sflag:$0x2] =	stream.indirect_vreg.gather [hbm4b:s1+s5], $0x80, v12, vm0, $0xb8;
	[tilespmem:$0x15480] =	vst v63  }
0x10f: {  	_ = 	snop  }
0x110: {  	[tilespmem:s21], [sflag:$0x2] =	stream.indirect_vreg.gather [hbm4b:s1+s5], $0x80, v11, vm0, $0xb8;
	[tilespmem:$0x15480] =	vst v63  }
0x111: {  	v11 =	vld [tilespmem:$0x140F0];
	_ =	sdelay $0x4  }
0x112: {  	v63 =	vshll.u32 v11, $0x1  }
0x113: {  	v11 =	vand.u32 $0x7, v11;
	v12 =	vand.u32 $0xFFFFFFF0, v63  }
0x114: {  	v11 =	vor.u32 v11, v12  }
0x115: {  	v12 =	vperm.xlane v11, v8;
	_ =	sdelay $0x1  }
0x116: {  	v11 =	vperm.xlane v11, v10;
	v12 =	vadd.s32 v9, v12;
	_ =	sdelay $0x1  }
0x117: {  	v11 =	vadd.s32 v9, v11;
	_ =	sdelay $0x2  }
0x118: {  	[tilespmem:s22], [sflag:$0x2] =	stream.indirect_vreg.gather [hbm4b:s1+s5], $0x80, v12, vm0, $0xb8;
	[tilespmem:$0x15480] =	vst v63  }
0x119: {  	s29 =	simm.s32 $0x0;
	s4 =	simm.s32 $0x14880;
	s7 =	simm.s32 $0x14800  }
0x11a: {  	[tilespmem:s23], [sflag:$0x2] =	stream.indirect_vreg.gather [hbm4b:s1+s5], $0x80, v11, vm0, $0xb8;
	[tilespmem:$0x15480] =	vst v63  }
.LBB2_4:
0x11b: {  	p0 =	seq.s32 s29, $0x0  }
0x11c: {  	s0 =	simm.s32 @!p0 $0x3  }
0x11d: {  	_ =	swait.ge @!p0 [sflag:s0], $0x2000  }
0x11e: {  	[sflag:s0] =	ssyncset.done @!p0 $0x0  }
0x11f: {  	[sflag:s0] =	ssyncadd.s32 @!p0 $0xFFFFE000  }
0x120: {  	_ =	swait.ge [sflag:s24], $0x8000  }
0x121: {  	[sflag:s24] =	ssyncset.done $0x0  }
0x122: {  	s11 =	sand.u32 $0x1800, s5;
	s2 =	sand.u32 $0x380, s5;
	[sflag:s24] =	ssyncadd.s32 $0xFFFF8000  }
0x123: {  	s30 =	sor.u32 s2, s11;
	v11 =	vld [tilespmem:s7+$0x0]  }
0x124: {  	v13 =	vld [tilespmem:s30+$0x470]  }
0x125: {  	v14 =	vld [tilespmem:s30+$0x2470]  }
0x126: {  	v15 =	vld [tilespmem:s30+$0x0]  }
0x127: {  	v16 =	vld [tilespmem:s30+$0x4470]  }
0x128: {  	v17 =	vld [tilespmem:s30+$0x2000]  }
0x129: {  	v20 =	vld [tilespmem:s30+$0x6470]  }
0x12a: {  	v21 =	vld [tilespmem:s30+$0x10]  }
0x12b: {  	v22 =	vld [tilespmem:s30+$0x2010]  }
0x12c: {  	v23 =	vld [tilespmem:s30+$0x20]  }
0x12d: {  	v24 =	vld [tilespmem:s30+$0x30]  }
0x12e: {  	v25 =	vld [tilespmem:s30+$0x40]  }
0x12f: {  	v26 =	vld [tilespmem:s30+$0x50]  }
0x130: {  	v27 =	vld [tilespmem:s30+$0x60]  }
0x131: {  	v28 =	vld [tilespmem:s30+$0x2060]  }
0x132: {  	v29 =	vld [tilespmem:s30+$0x70]  }
0x133: {  	v30 =	vld [tilespmem:s30+$0x2070]  }
0x134: {  	v31 =	vld [tilespmem:s30+$0x400]  }
0x135: {  	v32 =	vld [tilespmem:s30+$0x2400]  }
0x136: {  	v33 =	vld [tilespmem:s30+$0x410]  }
0x137: {  	v34 =	vld [tilespmem:s30+$0x2410]  }
0x138: {  	v35 =	vld [tilespmem:s30+$0x420]  }
0x139: {  	v36 =	vld [tilespmem:s30+$0x2420]  }
0x13a: {  	v37 =	vld [tilespmem:s30+$0x430]  }
0x13b: {  	v38 =	vld [tilespmem:s30+$0x2430]  }
0x13c: {  	v39 =	vld [tilespmem:s30+$0x440]  }
0x13d: {  	v40 =	vld [tilespmem:s30+$0x2440]  }
0x13e: {  	v41 =	vld [tilespmem:s30+$0x450];
	v18 =	vbroadcast v11, $0x0  }
0x13f: {  	v42 =	vld [tilespmem:s30+$0x2450];
	v19 =	vbroadcast v11, $0x1;
	v12 =	vbroadcast v11, $0x2  }
0x140: {  	v43 =	vld [tilespmem:s30+$0x460];
	v11 =	vbroadcast v11, $0x3;
	v13 =	vmul.f32 v13, v18  }
0x141: {  	v44 =	vld [tilespmem:s30+$0x2460];
	v14 =	vmul.f32 v14, v19;
	v15 =	vmul.f32 v18, v15  }
0x142: {  	v45 =	vld [tilespmem:s30+$0x4000];
	v17 =	vmul.f32 v17, v19;
	v21 =	vmul.f32 v21, v18  }
0x143: {  	v46 =	vld [tilespmem:s30+$0x4010];
	v22 =	vmul.f32 v22, v19;
	v13 =	vadd.f32 v14, v13;
	v14 =	vmul.f32 v16, v12  }
0x144: {  	v61 =	vld [tilespmem:s30+$0x6010];
	v23 =	vmul.f32 v23, v18;
	v55 =	vmul.f32 v34, v19  }
0x145: {  	v56 =	vmul.f32 v36, v19;
	v16 =	vld [tilespmem:s30+$0x2020];
	v13 =	vadd.f32 v14, v13;
	v14 =	vmul.f32 v20, v11  }
0x146: {  	v57 =	vmul.f32 v38, v19;
	v59 =	vmul.f32 v39, v18;
	v20 =	vld [tilespmem:s30+$0x2030]  }
0x147: {  	v15 =	vadd.f32 v17, v15;
	v17 =	vmul.f32 v24, v18;
	v24 =	vld [tilespmem:s30+$0x4070];
	v13 =	vadd.f32 v14, v13  }
0x148: {  	v60 =	vmul.f32 v40, v19;
	v62 =	vmul.f32 v41, v18;
	v14 =	vld [tilespmem:s30+$0x2040]  }
0x149: {  	v63 =	vmul.f32 v42, v19;
	v53 =	vmul.f32 v45, v12;
	[tilespmem:s30+$0x10470] =	vst v13;
	v13 =	vld [tilespmem:s30+$0x2050]  }
0x14a: {  	v47 =	vld [tilespmem:s30+$0x4020];
	v40 =	vmul.f32 v61, v11;
	v16 =	vmul.f32 v16, v19  }
0x14b: {  	v48 =	vld [tilespmem:s30+$0x4030];
	v21 =	vadd.f32 v22, v21;
	v22 =	vmul.f32 v25, v18;
	v20 =	vmul.f32 v20, v19  }
0x14c: {  	v49 =	vld [tilespmem:s30+$0x4040];
	v24 =	vmul.f32 v24, v12;
	v16 =	vadd.f32 v16, v23;
	v23 =	vmul.f32 v26, v18  }
0x14d: {  	v50 =	vld [tilespmem:s30+$0x4050];
	v14 =	vmul.f32 v14, v19;
	v17 =	vadd.f32 v20, v17;
	v20 =	vmul.f32 v27, v18  }
0x14e: {  	v51 =	vld [tilespmem:s30+$0x4060];
	v15 =	vadd.f32 v53, v15;
	v27 =	vmul.f32 v28, v19;
	v13 =	vmul.f32 v13, v19  }
0x14f: {  	v58 =	vld [tilespmem:s30+$0x6000];
	v14 =	vadd.f32 v14, v22;
	v22 =	vmul.f32 v29, v18;
	v29 =	vmul.f32 v30, v19  }
0x150: {  	v52 =	vld [tilespmem:s30+$0x6020];
	v13 =	vadd.f32 v13, v23;
	v23 =	vmul.f32 v31, v18;
	v31 =	vmul.f32 v32, v19  }
0x151: {  	v54 =	vld [tilespmem:s30+$0x6030];
	v20 =	vadd.f32 v27, v20;
	v27 =	vmul.f32 v33, v18;
	v22 =	vadd.f32 v29, v22  }
0x152: {  	v61 =	vld [tilespmem:s30+$0x6400];
	v29 =	vmul.f32 v35, v18;
	v23 =	vadd.f32 v31, v23;
	v31 =	vmul.f32 v37, v18  }
0x153: {  	v25 =	vld [tilespmem:s30+$0x4400];
	v33 =	vadd.f32 v60, v59;
	v19 =	vmul.f32 v44, v19;
	v18 =	vmul.f32 v43, v18  }
0x154: {  	v28 =	vld [tilespmem:s30+$0x4420];
	v29 =	vadd.f32 v56, v29;
	v56 =	vmul.f32 v46, v12;
	v31 =	vadd.f32 v57, v31  }
0x155: {  	v60 =	vld [tilespmem:s30+$0x6070];
	v57 =	vmul.f32 v58, v11;
	v44 =	vadd.f32 v19, v18;
	v18 =	vmul.f32 v47, v12  }
0x156: {  	v26 =	vld [tilespmem:s30+$0x4410];
	v27 =	vadd.f32 v55, v27;
	v19 =	vmul.f32 v48, v12;
	v21 =	vadd.f32 v56, v21  }
0x157: {  	v30 =	vld [tilespmem:s30+$0x4430];
	v15 =	vadd.f32 v57, v15;
	v16 =	vadd.f32 v18, v16;
	v18 =	vmul.f32 v49, v12  }
0x158: {  	v59 =	vld [tilespmem:s30+$0x6060];
	v17 =	vadd.f32 v19, v17;
	v19 =	vadd.f32 v40, v21;
	v21 =	vmul.f32 v52, v11  }
0x159: {  	v55 =	vld [tilespmem:s30+$0x6040];
	[tilespmem:s30+$0x10000] =	vst v15;
	v15 =	vmul.f32 v50, v12;
	v14 =	vadd.f32 v18, v14;
	v18 =	vmul.f32 v51, v12  }
0x15a: {  	v35 =	vadd.f32 v63, v62;
	v58 =	vld [tilespmem:s30+$0x6050];
	[tilespmem:s30+$0x10010] =	vst v19;
	v19 =	vmul.f32 v28, v12;
	v28 =	vmul.f32 v60, v11  }
0x15b: {  	v32 =	vld [tilespmem:s30+$0x4440];
	v13 =	vadd.f32 v15, v13;
	v15 =	vadd.f32 v21, v16;
	v16 =	vmul.f32 v54, v11  }
0x15c: {  	v34 =	vld [tilespmem:s30+$0x4450];
	v20 =	vadd.f32 v18, v20;
	v18 =	vmul.f32 v25, v12;
	v21 =	vadd.f32 v24, v22  }
0x15d: {  	v36 =	vld [tilespmem:s30+$0x4460];
	v24 =	vmul.f32 v30, v12;
	v16 =	vadd.f32 v16, v17;
	[tilespmem:s30+$0x10020] =	vst v15;
	v15 =	vmul.f32 v26, v12  }
0x15e: {  	v62 =	vld [tilespmem:s30+$0x6410];
	v19 =	vadd.f32 v19, v29;
	v30 =	vmul.f32 v61, v11;
	v17 =	vmul.f32 v55, v11  }
0x15f: {  	v22 =	vld [tilespmem:s30+$0x6420];
	v63 =	vadd.f32 v18, v23;
	v18 =	vadd.f32 v15, v27;
	[tilespmem:s30+$0x10030] =	vst v16;
	v16 =	vmul.f32 v58, v11  }
0x160: {  	v23 =	vld [tilespmem:s30+$0x6430];
	v15 =	vadd.f32 v17, v14;
	v17 =	vmul.f32 v32, v12;
	v27 =	vmul.f32 v59, v11  }
0x161: {  	v26 =	vmul.f32 v34, v12;
	v14 =	vadd.f32 v24, v31;
	v24 =	vld [tilespmem:s30+$0x6440];
	v13 =	vadd.f32 v16, v13  }
0x162: {  	s9 =	sshll.u32 s29, $0x1;
	s12 =	simm.s32 $0x100;
	s31 =	simm.s32 $0x80;
	v25 =	vld [tilespmem:s30+$0x6450];
	v12 =	vmul.f32 v36, v12;
	[tilespmem:s30+$0x10040] =	vst v15;
	v15 =	vadd.f32 v17, v33;
	v29 =	vadd.f32 v27, v20  }
0x163: {  	s10 =	sand.u32 $0x380, s31;
	s2 =	sadd.s32 $0x4, s7;
	s0 =	sand.u32 $0x1800, s12;
	v16 =	vadd.f32 v26, v35;
	v20 =	vadd.f32 v28, v21;
	v26 =	vld [tilespmem:s30+$0x6460];
	v27 =	vmul.f32 v62, v11;
	[tilespmem:s30+$0x10050] =	vst v13  }
0x164: {  	s11 =	sshll.u32 s29, $0xA;
	s10 =	sor.u32 s10, s0;
	s0 =	simm.s32 $0x200;
	v17 =	vadd.f32 v12, v44;
	v28 =	vld [tilespmem:s2+$0x0];
	v21 =	vadd.f32 v30, v63;
	[tilespmem:s30+$0x10060] =	vst v29;
	v29 =	vmul.f32 v22, v11  }
.LBB2_5:
0x165: {  	p0 =	sne.s32 s0, $0x1F00;
	v22 =	vld [tilespmem:s10+$0x470];
	[tilespmem:s30+$0x10070] =	vst v20;
	v12 =	vadd.f32 v27, v18;
	v13 =	vmul.f32 v23, v11  }
0x166: {  	v18 =	vld [tilespmem:s10+$0x2470];
	[tilespmem:s30+$0x10400] =	vst v21;
	v19 =	vadd.f32 v29, v19;
	v20 =	vmul.f32 v24, v11  }
0x167: {  	v21 =	vld [tilespmem:s10+$0x0];
	[tilespmem:s30+$0x10410] =	vst v12;
	v12 =	vadd.f32 v13, v14;
	v14 =	vmul.f32 v25, v11  }
0x168: {  	v23 =	vld [tilespmem:s10+$0x4470];
	[tilespmem:s30+$0x10420] =	vst v19;
	v15 =	vadd.f32 v20, v15;
	v11 =	vmul.f32 v26, v11  }
0x169: {  	v19 =	vbroadcast v28, $0x0;
	v20 =	vld [tilespmem:s10+$0x2000];
	v13 =	vbroadcast v28, $0x1;
	[tilespmem:s30+$0x10430] =	vst v12;
	v14 =	vadd.f32 v14, v16  }
0x16a: {  	v12 =	vbroadcast v28, $0x2;
	v16 =	vld [tilespmem:s10+$0x6470];
	[tilespmem:s30+$0x10440] =	vst v15;
	v11 =	vadd.f32 v11, v17  }
0x16b: {  	v15 =	vld [tilespmem:s10+$0x10];
	v17 =	vmul.f32 v22, v19;
	v18 =	vmul.f32 v18, v13;
	[tilespmem:s30+$0x10450] =	vst v14  }
0x16c: {  	v14 =	vmul.f32 v19, v21;
	v21 =	vld [tilespmem:s10+$0x2010];
	[tilespmem:s30+$0x10460] =	vst v11;
	s30 =	smov.u32 s10  }
0x16d: {  	v11 =	vbroadcast v28, $0x3;
	v22 =	vld [tilespmem:s30+$0x20];
	v17 =	vadd.f32 v18, v17;
	v18 =	vmul.f32 v23, v12  }
0x16e: {  	v20 =	vmul.f32 v20, v13;
	v23 =	vld [tilespmem:s30+$0x2020]  }
0x16f: {  	v24 =	vld [tilespmem:s30+$0x30];
	v17 =	vadd.f32 v18, v17;
	v16 =	vmul.f32 v16, v11  }
0x170: {  	v14 =	vadd.f32 v20, v14;
	v15 =	vmul.f32 v15, v19;
	v18 =	vld [tilespmem:s30+$0x2030]  }
0x171: {  	v20 =	vmul.f32 v21, v13;
	v21 =	vld [tilespmem:s30+$0x40];
	v16 =	vadd.f32 v16, v17  }
0x172: {  	v17 =	vmul.f32 v22, v19;
	v22 =	vld [tilespmem:s30+$0x2040]  }
0x173: {  	v15 =	vadd.f32 v20, v15;
	v20 =	vmul.f32 v23, v13;
	v23 =	vld [tilespmem:s30+$0x50];
	[tilespmem:s30+$0x10470] =	vst v16  }
0x174: {  	v16 =	vmul.f32 v24, v19;
	v24 =	vld [tilespmem:s30+$0x2050]  }
0x175: {  	v17 =	vadd.f32 v20, v17;
	v18 =	vmul.f32 v18, v13;
	v20 =	vld [tilespmem:s30+$0x60]  }
0x176: {  	v21 =	vmul.f32 v21, v19;
	v25 =	vld [tilespmem:s30+$0x2060]  }
0x177: {  	v16 =	vadd.f32 v18, v16;
	v18 =	vmul.f32 v22, v13;
	v22 =	vld [tilespmem:s30+$0x70]  }
0x178: {  	v23 =	vmul.f32 v23, v19;
	v26 =	vld [tilespmem:s30+$0x2070]  }
0x179: {  	v18 =	vadd.f32 v18, v21;
	v21 =	vmul.f32 v24, v13;
	v24 =	vld [tilespmem:s30+$0x400]  }
0x17a: {  	v20 =	vmul.f32 v20, v19;
	v27 =	vld [tilespmem:s30+$0x2400]  }
0x17b: {  	v21 =	vadd.f32 v21, v23;
	v23 =	vmul.f32 v25, v13;
	v25 =	vld [tilespmem:s30+$0x410]  }
0x17c: {  	v22 =	vmul.f32 v22, v19;
	v28 =	vld [tilespmem:s30+$0x2410]  }
0x17d: {  	v20 =	vadd.f32 v23, v20;
	v23 =	vmul.f32 v26, v13;
	v26 =	vld [tilespmem:s30+$0x420]  }
0x17e: {  	v24 =	vmul.f32 v24, v19;
	v29 =	vld [tilespmem:s30+$0x2420]  }
0x17f: {  	v22 =	vadd.f32 v23, v22;
	v23 =	vmul.f32 v27, v13;
	v27 =	vld [tilespmem:s30+$0x430]  }
0x180: {  	v25 =	vmul.f32 v25, v19;
	v30 =	vld [tilespmem:s30+$0x2430]  }
0x181: {  	v23 =	vadd.f32 v23, v24;
	v24 =	vmul.f32 v28, v13;
	v28 =	vld [tilespmem:s30+$0x440]  }
0x182: {  	v26 =	vmul.f32 v26, v19;
	v31 =	vld [tilespmem:s30+$0x2440]  }
0x183: {  	v24 =	vadd.f32 v24, v25;
	v25 =	vmul.f32 v29, v13;
	v29 =	vld [tilespmem:s30+$0x450]  }
0x184: {  	v27 =	vmul.f32 v27, v19;
	v32 =	vld [tilespmem:s30+$0x2450]  }
0x185: {  	v25 =	vadd.f32 v25, v26;
	v26 =	vmul.f32 v30, v13;
	v30 =	vld [tilespmem:s30+$0x460]  }
0x186: {  	v28 =	vmul.f32 v28, v19;
	v33 =	vld [tilespmem:s30+$0x2460]  }
0x187: {  	v34 =	vld [tilespmem:s30+$0x4000];
	v26 =	vadd.f32 v26, v27;
	v27 =	vmul.f32 v31, v13  }
0x188: {  	v31 =	vld [tilespmem:s30+$0x4010];
	v29 =	vmul.f32 v29, v19  }
0x189: {  	v35 =	vld [tilespmem:s30+$0x4020];
	v27 =	vadd.f32 v27, v28;
	v28 =	vmul.f32 v32, v13  }
0x18a: {  	v32 =	vld [tilespmem:s30+$0x4030];
	v19 =	vmul.f32 v30, v19  }
0x18b: {  	v30 =	vld [tilespmem:s30+$0x4040];
	v28 =	vadd.f32 v28, v29;
	v13 =	vmul.f32 v33, v13  }
0x18c: {  	v29 =	vmul.f32 v34, v12;
	v33 =	vld [tilespmem:s30+$0x4050]  }
0x18d: {  	v31 =	vmul.f32 v31, v12;
	v34 =	vld [tilespmem:s30+$0x4060];
	v13 =	vadd.f32 v13, v19  }
0x18e: {  	v29 =	vadd.f32 v29, v14;
	v14 =	vmul.f32 v35, v12;
	v19 =	vld [tilespmem:s30+$0x4070]  }
0x18f: {  	v31 =	vadd.f32 v31, v15;
	v15 =	vmul.f32 v32, v12;
	v32 =	vld [tilespmem:s30+$0x4400]  }
0x190: {  	v35 =	vadd.f32 v14, v17;
	v14 =	vmul.f32 v30, v12;
	v17 =	vld [tilespmem:s30+$0x4410]  }
0x191: {  	v30 =	vadd.f32 v15, v16;
	v15 =	vmul.f32 v33, v12;
	v16 =	vld [tilespmem:s30+$0x4420]  }
0x192: {  	v33 =	vadd.f32 v14, v18;
	v14 =	vmul.f32 v34, v12;
	v34 =	vld [tilespmem:s30+$0x4430]  }
0x193: {  	v21 =	vadd.f32 v15, v21;
	v15 =	vmul.f32 v19, v12;
	v36 =	vld [tilespmem:s30+$0x4440]  }
0x194: {  	v20 =	vadd.f32 v14, v20;
	v14 =	vmul.f32 v32, v12;
	v32 =	vld [tilespmem:s30+$0x4450]  }
0x195: {  	v22 =	vadd.f32 v15, v22;
	v15 =	vmul.f32 v17, v12;
	v17 =	vld [tilespmem:s30+$0x4460]  }
0x196: {  	v37 =	vld [tilespmem:s30+$0x6000];
	v38 =	vadd.f32 v14, v23;
	v14 =	vmul.f32 v16, v12  }
0x197: {  	v23 =	vld [tilespmem:s30+$0x6010];
	v18 =	vadd.f32 v15, v24;
	v15 =	vmul.f32 v34, v12  }
0x198: {  	v24 =	vld [tilespmem:s30+$0x6020];
	v19 =	vadd.f32 v14, v25;
	v16 =	vmul.f32 v36, v12  }
0x199: {  	v25 =	vld [tilespmem:s30+$0x6030];
	v14 =	vadd.f32 v15, v26;
	v26 =	vmul.f32 v32, v12  }
0x19a: {  	v32 =	vld [tilespmem:s30+$0x6040];
	v15 =	vadd.f32 v16, v27;
	v12 =	vmul.f32 v17, v12  }
0x19b: {  	v27 =	vmul.f32 v37, v11;
	v34 =	vld [tilespmem:s30+$0x6050];
	v16 =	vadd.f32 v26, v28  }
0x19c: {  	v23 =	vmul.f32 v23, v11;
	v26 =	vld [tilespmem:s30+$0x6060];
	v17 =	vadd.f32 v12, v13  }
0x19d: {  	v12 =	vadd.f32 v27, v29;
	v13 =	vmul.f32 v24, v11;
	v24 =	vld [tilespmem:s30+$0x6070]  }
0x19e: {  	v23 =	vadd.f32 v23, v31;
	v25 =	vmul.f32 v25, v11;
	v27 =	vld [tilespmem:s30+$0x6400]  }
0x19f: {  	[tilespmem:s30+$0x10000] =	vst v12;
	v12 =	vadd.f32 v13, v35;
	v13 =	vmul.f32 v32, v11;
	v28 =	vld [tilespmem:s30+$0x6410]  }
0x1a0: {  	[tilespmem:s30+$0x10010] =	vst v23;
	v25 =	vadd.f32 v25, v30;
	v29 =	vmul.f32 v34, v11;
	v30 =	vld [tilespmem:s30+$0x6420]  }
.Ltmp3:
0x1a1: {  	[tilespmem:s30+$0x10020] =	vst v12;
	v12 =	vadd.f32 v13, v33;
	v13 =	vmul.f32 v26, v11;
	v23 =	vld [tilespmem:s30+$0x6430];
	(pc) =	sbr.rel @p0 .LBB2_5-.Ltmp3, $4  }
0x1a2: {  	[tilespmem:s30+$0x10030] =	vst v25;
	v21 =	vadd.f32 v29, v21;
	v26 =	vmul.f32 v24, v11;
	v24 =	vld [tilespmem:s30+$0x6440]  }
0x1a3: {  	s31 =	sadd.s32 $0x80, s31;
	[tilespmem:s30+$0x10040] =	vst v12;
	v12 =	vadd.f32 v13, v20;
	v13 =	vmul.f32 v27, v11;
	v25 =	vld [tilespmem:s30+$0x6450]  }
0x1a4: {  	s2 =	sadd.s32 $0x4, s2;
	s12 =	sand.u32 $0x380, s31;
	s10 =	sand.u32 $0x1800, s0;
	[tilespmem:s30+$0x10050] =	vst v21;
	v20 =	vadd.f32 v26, v22;
	v27 =	vmul.f32 v28, v11;
	v26 =	vld [tilespmem:s30+$0x6460]  }
0x1a5: {  	s0 =	sadd.s32 $0x100, s0;
	s10 =	sor.u32 s12, s10;
	v28 =	vld [tilespmem:s2+$0x0];
	[tilespmem:s30+$0x10060] =	vst v12;
	v21 =	vadd.f32 v13, v38;
	v29 =	vmul.f32 v30, v11  }
0x1a6: {  	v12 =	vld [tilespmem:s10+$0x470]  }
0x1a7: {  	v30 =	vld [tilespmem:s10+$0x2470]  }
0x1a8: {  	v31 =	vld [tilespmem:s10+$0x0]  }
0x1a9: {  	v32 =	vld [tilespmem:s10+$0x4470]  }
0x1aa: {  	v33 =	vld [tilespmem:s10+$0x2000]  }
0x1ab: {  	v35 =	vld [tilespmem:s10+$0x6470]  }
0x1ac: {  	v36 =	vld [tilespmem:s10+$0x10]  }
0x1ad: {  	v38 =	vld [tilespmem:s10+$0x2010]  }
0x1ae: {  	v39 =	vld [tilespmem:s10+$0x20]  }
0x1af: {  	v40 =	vld [tilespmem:s10+$0x40]  }
0x1b0: {  	v41 =	vld [tilespmem:s10+$0x50]  }
0x1b1: {  	v42 =	vld [tilespmem:s10+$0x60]  }
0x1b2: {  	v43 =	vld [tilespmem:s10+$0x2060]  }
0x1b3: {  	v44 =	vld [tilespmem:s10+$0x70]  }
0x1b4: {  	v45 =	vld [tilespmem:s10+$0x2070]  }
0x1b5: {  	v46 =	vld [tilespmem:s10+$0x400]  }
0x1b6: {  	v47 =	vld [tilespmem:s10+$0x2400]  }
0x1b7: {  	v48 =	vld [tilespmem:s10+$0x410]  }
0x1b8: {  	v49 =	vld [tilespmem:s10+$0x2410]  }
0x1b9: {  	v50 =	vld [tilespmem:s10+$0x420]  }
0x1ba: {  	v51 =	vld [tilespmem:s10+$0x2420]  }
0x1bb: {  	v52 =	vld [tilespmem:s10+$0x430]  }
0x1bc: {  	v53 =	vld [tilespmem:s10+$0x2430]  }
0x1bd: {  	v54 =	vld [tilespmem:s10+$0x440]  }
0x1be: {  	v55 =	vld [tilespmem:s10+$0x2440]  }
0x1bf: {  	v56 =	vld [tilespmem:s10+$0x450]  }
0x1c0: {  	v58 =	vld [tilespmem:s10+$0x460];
	v23 =	vmul.f32 v23, v11  }
0x1c1: {  	v59 =	vld [tilespmem:s10+$0x2460];
	v24 =	vmul.f32 v24, v11;
	v25 =	vmul.f32 v25, v11  }
0x1c2: {  	v60 =	vld [tilespmem:s10+$0x4000];
	v34 =	vbroadcast v28, $0x0;
	v22 =	vbroadcast v28, $0x1  }
0x1c3: {  	v61 =	vld [tilespmem:s10+$0x4010];
	v18 =	vadd.f32 v27, v18;
	v11 =	vmul.f32 v26, v11;
	v13 =	vbroadcast v28, $0x2  }
0x1c4: {  	v62 =	vld [tilespmem:s10+$0x4020];
	v14 =	vadd.f32 v23, v14;
	v37 =	vmul.f32 v12, v34;
	v30 =	vmul.f32 v30, v22  }
0x1c5: {  	v27 =	vld [tilespmem:s10+$0x4030];
	v15 =	vadd.f32 v24, v15;
	v12 =	vbroadcast v28, $0x3;
	v23 =	vmul.f32 v34, v31  }
0x1c6: {  	v24 =	vmul.f32 v33, v22;
	v28 =	vadd.f32 v30, v37;
	v30 =	vmul.f32 v32, v13;
	v32 =	vld [tilespmem:s10+$0x2020]  }
0x1c7: {  	v16 =	vadd.f32 v25, v16;
	v31 =	vmul.f32 v36, v34;
	v25 =	vmul.f32 v38, v22;
	v37 =	vld [tilespmem:s10+$0x30]  }
0x1c8: {  	v36 =	vmul.f32 v39, v34;
	v28 =	vadd.f32 v30, v28;
	v30 =	vmul.f32 v35, v12;
	v35 =	vld [tilespmem:s10+$0x2030]  }
0x1c9: {  	[tilespmem:s30+$0x10070] =	vst v20;
	v19 =	vadd.f32 v29, v19;
	v33 =	vld [tilespmem:s10+$0x4060];
	v60 =	vmul.f32 v60, v13;
	v61 =	vmul.f32 v61, v13  }
0x1ca: {  	v57 =	vld [tilespmem:s10+$0x2450];
	[tilespmem:s30+$0x10400] =	vst v21;
	v20 =	vmul.f32 v62, v13;
	v21 =	vmul.f32 v58, v34;
	v28 =	vadd.f32 v30, v28  }
0x1cb: {  	[tilespmem:s30+$0x10410] =	vst v18;
	v11 =	vadd.f32 v11, v17;
	v27 =	vmul.f32 v27, v13;
	v18 =	vmul.f32 v59, v22;
	v30 =	vld [tilespmem:s10+$0x2040]  }
0x1cc: {  	v25 =	vadd.f32 v25, v31;
	v31 =	vmul.f32 v41, v34;
	v17 =	vmul.f32 v32, v22;
	[tilespmem:s10+$0x10470] =	vst v28;
	v28 =	vld [tilespmem:s10+$0x2050]  }
0x1cd: {  	v29 =	vld [tilespmem:s10+$0x4040];
	v23 =	vadd.f32 v24, v23;
	v63 =	vmul.f32 v37, v34;
	v24 =	vmul.f32 v35, v22  }
0x1ce: {  	v26 =	vld [tilespmem:s10+$0x4050];
	v18 =	vadd.f32 v18, v21;
	v21 =	vmul.f32 v33, v13;
	v17 =	vadd.f32 v17, v36  }
0x1cf: {  	v38 =	vld [tilespmem:s10+$0x4070];
	v36 =	vmul.f32 v42, v34;
	v24 =	vadd.f32 v24, v63;
	v63 =	vmul.f32 v43, v22  }
0x1d0: {  	v41 =	vld [tilespmem:s10+$0x4430];
	v23 =	vadd.f32 v60, v23;
	v35 =	vmul.f32 v40, v34;
	v30 =	vmul.f32 v30, v22  }
0x1d1: {  	v28 =	vmul.f32 v28, v22;
	v32 =	vadd.f32 v63, v36;
	v63 =	vmul.f32 v49, v22;
	v49 =	vld [tilespmem:s10+$0x6000]  }
0x1d2: {  	v39 =	vld [tilespmem:s10+$0x4410];
	v42 =	vmul.f32 v44, v34;
	v30 =	vadd.f32 v30, v35;
	v35 =	vmul.f32 v45, v22  }
0x1d3: {  	v60 =	vld [tilespmem:s10+$0x6060];
	v44 =	vmul.f32 v46, v34;
	v28 =	vadd.f32 v28, v31;
	v31 =	vmul.f32 v47, v22  }
0x1d4: {  	[tilespmem:s30+$0x10430] =	vst v14;
	v14 =	vmul.f32 v38, v13;
	v35 =	vadd.f32 v35, v42;
	v42 =	vmul.f32 v51, v22;
	v51 =	vld [tilespmem:s10+$0x6010]  }
0x1d5: {  	[tilespmem:s30+$0x10450] =	vst v16;
	v16 =	vmul.f32 v41, v13;
	v31 =	vadd.f32 v31, v44;
	v44 =	vmul.f32 v53, v22;
	v53 =	vld [tilespmem:s10+$0x6020]  }
0x1d6: {  	v25 =	vadd.f32 v61, v25;
	v61 =	vld [tilespmem:s10+$0x6070];
	v46 =	vmul.f32 v48, v34;
	v49 =	vmul.f32 v49, v12  }
0x1d7: {  	v37 =	vld [tilespmem:s10+$0x4400];
	v48 =	vmul.f32 v50, v34;
	v50 =	vmul.f32 v52, v34  }
0x1d8: {  	v36 =	vadd.f32 v63, v46;
	v63 =	vmul.f32 v55, v22;
	v55 =	vld [tilespmem:s10+$0x6030];
	v23 =	vadd.f32 v49, v23  }
0x1d9: {  	v52 =	vmul.f32 v54, v34;
	v44 =	vadd.f32 v44, v50;
	v50 =	vld [tilespmem:s10+$0x6040];
	v51 =	vmul.f32 v51, v12  }
0x1da: {  	v40 =	vld [tilespmem:s10+$0x4420];
	v17 =	vadd.f32 v20, v17;
	v24 =	vadd.f32 v27, v24;
	[tilespmem:s10+$0x10000] =	vst v23;
	v23 =	vmul.f32 v53, v12  }
0x1db: {  	v54 =	vmul.f32 v56, v34;
	v43 =	vld [tilespmem:s10+$0x4440];
	v46 =	vadd.f32 v63, v52;
	v20 =	vadd.f32 v51, v25  }
0x1dc: {  	[tilespmem:s30+$0x10420] =	vst v19;
	v52 =	vld [tilespmem:s10+$0x6050];
	v63 =	vmul.f32 v57, v22;
	v22 =	vmul.f32 v29, v13;
	v17 =	vadd.f32 v23, v17  }
0x1dd: {  	v45 =	vld [tilespmem:s10+$0x4450];
	v21 =	vadd.f32 v21, v32;
	v42 =	vadd.f32 v42, v48;
	[tilespmem:s10+$0x10010] =	vst v20;
	v23 =	vmul.f32 v55, v12  }
0x1de: {  	v47 =	vld [tilespmem:s10+$0x4460];
	v19 =	vadd.f32 v22, v30;
	v20 =	vmul.f32 v26, v13;
	[tilespmem:s10+$0x10020] =	vst v17;
	v17 =	vmul.f32 v50, v12  }
0x1df: {  	v62 =	vadd.f32 v63, v54;
	v63 =	vld [tilespmem:s10+$0x6400];
	v23 =	vadd.f32 v23, v24;
	v24 =	vmul.f32 v37, v13  }
0x1e0: {  	[tilespmem:s30+$0x10440] =	vst v15;
	v29 =	vmul.f32 v43, v13;
	v25 =	vld [tilespmem:s10+$0x6410];
	v20 =	vadd.f32 v20, v28;
	v17 =	vadd.f32 v17, v19  }
0x1e1: {  	v22 =	vld [tilespmem:s10+$0x6420];
	[tilespmem:s10+$0x10030] =	vst v23;
	v23 =	vmul.f32 v52, v12;
	v15 =	vadd.f32 v24, v31;
	v24 =	vmul.f32 v40, v13  }
0x1e2: {  	v14 =	vadd.f32 v14, v35;
	v26 =	vld [tilespmem:s10+$0x6430];
	v19 =	vmul.f32 v39, v13;
	[tilespmem:s10+$0x10040] =	vst v17;
	v17 =	vmul.f32 v60, v12  }
0x1e3: {  	v27 =	vld [tilespmem:s10+$0x6440];
	v20 =	vadd.f32 v23, v20;
	v23 =	vadd.f32 v24, v42;
	v24 =	vmul.f32 v61, v12  }
0x1e4: {  	[tilespmem:s30+$0x10460] =	vst v11;
	v11 =	vadd.f32 v16, v44;
	v28 =	vld [tilespmem:s10+$0x6450];
	v17 =	vadd.f32 v17, v21;
	v21 =	vmul.f32 v63, v12  }
0x1e5: {  	v16 =	vmul.f32 v25, v12;
	v19 =	vadd.f32 v19, v36;
	[tilespmem:s10+$0x10050] =	vst v20;
	v14 =	vadd.f32 v24, v14;
	v20 =	vld [tilespmem:s10+$0x6460]  }
0x1e6: {  	v24 =	vmul.f32 v45, v13;
	[tilespmem:s10+$0x10060] =	vst v17;
	v15 =	vadd.f32 v21, v15;
	v17 =	vmul.f32 v22, v12  }
0x1e7: {  	v13 =	vmul.f32 v47, v13;
	[tilespmem:s10+$0x10070] =	vst v14;
	v14 =	vadd.f32 v16, v19;
	v16 =	vmul.f32 v26, v12  }
0x1e8: {  	v21 =	vadd.f32 v29, v46;
	[tilespmem:s10+$0x10400] =	vst v15;
	v15 =	vadd.f32 v17, v23;
	v17 =	vmul.f32 v27, v12  }
0x1e9: {  	v19 =	vadd.f32 v24, v62;
	[tilespmem:s10+$0x10410] =	vst v14;
	v11 =	vadd.f32 v16, v11;
	v14 =	vmul.f32 v28, v12  }
0x1ea: {  	v13 =	vadd.f32 v13, v18;
	v12 =	vmul.f32 v20, v12;
	[tilespmem:s10+$0x10420] =	vst v15;
	v15 =	vadd.f32 v17, v21  }
0x1eb: {  	[tilespmem:s10+$0x10430] =	vst v11;
	v11 =	vadd.f32 v14, v19  }
0x1ec: {  	v12 =	vadd.f32 v12, v13;
	[tilespmem:s10+$0x10440] =	vst v15  }
0x1ed: {  	s0 =	sshll.u32 s29, $0xB;
	[tilespmem:s10+$0x10450] =	vst v11  }
0x1ee: {  	p0 =	seq.s32 s29, $0x7;
	s0 =	sadd.s32 s0, s6;
	[tilespmem:s10+$0x10460] =	vst v12  }
0x1ef: {  	[hbm4b:s0+s3] =	stream.linear.scatter [tilespmem:s25], [sflag:$0x3], $0x2000, $0x38;
	[tilespmem:$0x15480] =	vst v63  }
0x1f0: {  	s0 =	sshrl.u32 @!p0 s11, $0x2  }
0x1f1: {  	v11 =	vld @!p0 [tilespmem:s0+$0x14100];
	_ =	sdelay $0x4  }
0x1f2: {  	v12 =	vshll.u32 @!p0 v11, $0x1  }
0x1f3: {  	v13 =	vlaneseq.u32 @!p0;
	v11 =	vand.u32 @!p0 $0x7, v11;
	v12 =	vand.u32 @!p0 $0xFFFFFFF0, v12  }
0x1f4: {  	v14 =	vshrl.u32 @!p0 v13, $0x3;
	v11 =	vor.u32 @!p0 v11, v12;
	v12 =	vand.u32 @!p0 $0x7, v13  }
0x1f5: {  	v14 =	vmul.u32 @!p0 $0x8, v14;
	v15 =	vperm.xlane @!p0 v11, v12  }
0x1f6: {  	v13 =	vor.u32 @!p0 $0x8, v13  }
0x1f7: {  	v11 =	vperm.xlane @!p0 v11, v13;
	v15 =	vadd.s32 @!p0 v14, v15;
	_ =	sdelay $0x1  }
0x1f8: {  	v11 =	vadd.s32 @!p0 v14, v11;
	_ =	sdelay $0x1  }
0x1f9: {  	vm1 =	vmmov @!p0 $0xffff;
	s2 =	simm.s32 @!p0 $0x0  }
0x1fa: {  	[tilespmem:s2], [sflag:$0x1] =	stream.indirect_vreg.gather @!p0 [hbm4b:s1+s2], $0x80, v15, vm1, $0xb8;
	[tilespmem:$0x15480] =	vst v63  }
0x1fb: {  	s10 =	simm.s32 @!p0 $0x800  }
0x1fc: {  	[tilespmem:s10], [sflag:$0x1] =	stream.indirect_vreg.gather @!p0 [hbm4b:s1+s2], $0x80, v11, vm1, $0xb8;
	[tilespmem:$0x15480] =	vst v63  }
0x1fd: {  	v11 =	vld @!p0 [tilespmem:s0+$0x14110];
	_ =	sdelay $0x4  }
0x1fe: {  	v15 =	vshll.u32 @!p0 v11, $0x1  }
0x1ff: {  	v11 =	vand.u32 @!p0 $0x7, v11;
	v15 =	vand.u32 @!p0 $0xFFFFFFF0, v15  }
0x200: {  	v11 =	vor.u32 @!p0 v11, v15  }
0x201: {  	v15 =	vperm.xlane @!p0 v11, v12;
	_ =	sdelay $0x1  }
0x202: {  	v11 =	vperm.xlane @!p0 v11, v13;
	v15 =	vadd.s32 @!p0 v14, v15;
	_ =	sdelay $0x1  }
0x203: {  	v11 =	vadd.s32 @!p0 v14, v11;
	_ =	sdelay $0x1  }
0x204: {  	s10 =	simm.s32 @!p0 $0x1000  }
0x205: {  	[tilespmem:s10], [sflag:$0x1] =	stream.indirect_vreg.gather @!p0 [hbm4b:s1+s2], $0x80, v15, vm1, $0xb8;
	[tilespmem:$0x15480] =	vst v63  }
0x206: {  	s10 =	simm.s32 @!p0 $0x1800  }
0x207: {  	[tilespmem:s10], [sflag:$0x1] =	stream.indirect_vreg.gather @!p0 [hbm4b:s1+s2], $0x80, v11, vm1, $0xb8;
	[tilespmem:$0x15480] =	vst v63  }
0x208: {  	v11 =	vld @!p0 [tilespmem:s0+$0x14120];
	_ =	sdelay $0x4  }
0x209: {  	v15 =	vshll.u32 @!p0 v11, $0x1  }
0x20a: {  	v11 =	vand.u32 @!p0 $0x7, v11;
	v15 =	vand.u32 @!p0 $0xFFFFFFF0, v15  }
0x20b: {  	v11 =	vor.u32 @!p0 v11, v15  }
0x20c: {  	v15 =	vperm.xlane @!p0 v11, v12;
	_ =	sdelay $0x1  }
0x20d: {  	v11 =	vperm.xlane @!p0 v11, v13;
	v15 =	vadd.s32 @!p0 v14, v15;
	_ =	sdelay $0x1  }
0x20e: {  	v11 =	vadd.s32 @!p0 v14, v11;
	_ =	sdelay $0x1  }
0x20f: {  	s10 =	simm.s32 @!p0 $0x2000  }
0x210: {  	[tilespmem:s10], [sflag:$0x1] =	stream.indirect_vreg.gather @!p0 [hbm4b:s1+s2], $0x80, v15, vm1, $0xb8;
	[tilespmem:$0x15480] =	vst v63  }
0x211: {  	s10 =	simm.s32 @!p0 $0x2800  }
0x212: {  	[tilespmem:s10], [sflag:$0x1] =	stream.indirect_vreg.gather @!p0 [hbm4b:s1+s2], $0x80, v11, vm1, $0xb8;
	[tilespmem:$0x15480] =	vst v63  }
0x213: {  	v11 =	vld @!p0 [tilespmem:s0+$0x14130];
	_ =	sdelay $0x4  }
0x214: {  	v15 =	vshll.u32 @!p0 v11, $0x1  }
0x215: {  	v11 =	vand.u32 @!p0 $0x7, v11;
	v15 =	vand.u32 @!p0 $0xFFFFFFF0, v15  }
0x216: {  	v11 =	vor.u32 @!p0 v11, v15  }
0x217: {  	v15 =	vperm.xlane @!p0 v11, v12;
	_ =	sdelay $0x1  }
0x218: {  	v11 =	vperm.xlane @!p0 v11, v13;
	v15 =	vadd.s32 @!p0 v14, v15;
	_ =	sdelay $0x1  }
0x219: {  	v11 =	vadd.s32 @!p0 v14, v11;
	_ =	sdelay $0x1  }
0x21a: {  	s10 =	simm.s32 @!p0 $0x3000  }
0x21b: {  	[tilespmem:s10], [sflag:$0x1] =	stream.indirect_vreg.gather @!p0 [hbm4b:s1+s2], $0x80, v15, vm1, $0xb8;
	[tilespmem:$0x15480] =	vst v63  }
0x21c: {  	s10 =	simm.s32 @!p0 $0x3800  }
0x21d: {  	[tilespmem:s10], [sflag:$0x1] =	stream.indirect_vreg.gather @!p0 [hbm4b:s1+s2], $0x80, v11, vm1, $0xb8;
	[tilespmem:$0x15480] =	vst v63  }
0x21e: {  	v11 =	vld @!p0 [tilespmem:s0+$0x14140];
	_ =	sdelay $0x4  }
0x21f: {  	v15 =	vshll.u32 @!p0 v11, $0x1  }
0x220: {  	v11 =	vand.u32 @!p0 $0x7, v11;
	v15 =	vand.u32 @!p0 $0xFFFFFFF0, v15  }
0x221: {  	v11 =	vor.u32 @!p0 v11, v15  }
0x222: {  	v15 =	vperm.xlane @!p0 v11, v12;
	_ =	sdelay $0x1  }
0x223: {  	v11 =	vperm.xlane @!p0 v11, v13;
	v15 =	vadd.s32 @!p0 v14, v15;
	_ =	sdelay $0x1  }
0x224: {  	v11 =	vadd.s32 @!p0 v14, v11;
	_ =	sdelay $0x1  }
0x225: {  	s10 =	simm.s32 @!p0 $0x4000  }
0x226: {  	[tilespmem:s10], [sflag:$0x1] =	stream.indirect_vreg.gather @!p0 [hbm4b:s1+s2], $0x80, v15, vm1, $0xb8;
	[tilespmem:$0x15480] =	vst v63  }
0x227: {  	s10 =	simm.s32 @!p0 $0x4800  }
0x228: {  	[tilespmem:s10], [sflag:$0x1] =	stream.indirect_vreg.gather @!p0 [hbm4b:s1+s2], $0x80, v11, vm1, $0xb8;
	[tilespmem:$0x15480] =	vst v63  }
0x229: {  	v11 =	vld @!p0 [tilespmem:s0+$0x14150];
	_ =	sdelay $0x4  }
0x22a: {  	v15 =	vshll.u32 @!p0 v11, $0x1  }
0x22b: {  	v11 =	vand.u32 @!p0 $0x7, v11;
	v15 =	vand.u32 @!p0 $0xFFFFFFF0, v15  }
0x22c: {  	v11 =	vor.u32 @!p0 v11, v15  }
0x22d: {  	v15 =	vperm.xlane @!p0 v11, v12;
	_ =	sdelay $0x1  }
0x22e: {  	v11 =	vperm.xlane @!p0 v11, v13;
	v15 =	vadd.s32 @!p0 v14, v15;
	_ =	sdelay $0x1  }
0x22f: {  	v11 =	vadd.s32 @!p0 v14, v11;
	_ =	sdelay $0x1  }
0x230: {  	s10 =	simm.s32 @!p0 $0x5000  }
0x231: {  	[tilespmem:s10], [sflag:$0x1] =	stream.indirect_vreg.gather @!p0 [hbm4b:s1+s2], $0x80, v15, vm1, $0xb8;
	[tilespmem:$0x15480] =	vst v63  }
0x232: {  	s10 =	simm.s32 @!p0 $0x5800  }
0x233: {  	[tilespmem:s10], [sflag:$0x1] =	stream.indirect_vreg.gather @!p0 [hbm4b:s1+s2], $0x80, v11, vm1, $0xb8;
	[tilespmem:$0x15480] =	vst v63  }
0x234: {  	v11 =	vld @!p0 [tilespmem:s0+$0x14160];
	_ =	sdelay $0x4  }
0x235: {  	v15 =	vshll.u32 @!p0 v11, $0x1  }
0x236: {  	v11 =	vand.u32 @!p0 $0x7, v11;
	v15 =	vand.u32 @!p0 $0xFFFFFFF0, v15  }
0x237: {  	v11 =	vor.u32 @!p0 v11, v15  }
0x238: {  	v15 =	vperm.xlane @!p0 v11, v12;
	_ =	sdelay $0x1  }
0x239: {  	v11 =	vperm.xlane @!p0 v11, v13;
	v15 =	vadd.s32 @!p0 v14, v15;
	_ =	sdelay $0x1  }
0x23a: {  	v11 =	vadd.s32 @!p0 v14, v11;
	_ =	sdelay $0x1  }
0x23b: {  	s10 =	simm.s32 @!p0 $0x6000  }
0x23c: {  	[tilespmem:s10], [sflag:$0x1] =	stream.indirect_vreg.gather @!p0 [hbm4b:s1+s2], $0x80, v15, vm1, $0xb8;
	[tilespmem:$0x15480] =	vst v63  }
0x23d: {  	s10 =	simm.s32 @!p0 $0x6800  }
0x23e: {  	[tilespmem:s10], [sflag:$0x1] =	stream.indirect_vreg.gather @!p0 [hbm4b:s1+s2], $0x80, v11, vm1, $0xb8;
	[tilespmem:$0x15480] =	vst v63  }
0x23f: {  	v11 =	vld @!p0 [tilespmem:s0+$0x14170];
	_ =	sdelay $0x4  }
0x240: {  	v15 =	vshll.u32 @!p0 v11, $0x1  }
0x241: {  	v11 =	vand.u32 @!p0 $0x7, v11;
	v15 =	vand.u32 @!p0 $0xFFFFFFF0, v15  }
0x242: {  	v11 =	vor.u32 @!p0 v11, v15  }
0x243: {  	v12 =	vperm.xlane @!p0 v11, v12;
	_ =	sdelay $0x1  }
0x244: {  	v11 =	vperm.xlane @!p0 v11, v13;
	v12 =	vadd.s32 @!p0 v14, v12;
	_ =	sdelay $0x1  }
0x245: {  	v11 =	vadd.s32 @!p0 v14, v11;
	_ =	sdelay $0x1  }
0x246: {  	p1 =	seq.s32 @!p0 s29, $0x0;
	s0 =	simm.s32 @!p0 $0x7000  }
0x247: {  	[tilespmem:s0], [sflag:$0x1] =	stream.indirect_vreg.gather @!p0 [hbm4b:s1+s2], $0x80, v12, vm1, $0xb8;
	[tilespmem:$0x15480] =	vst v63  }
0x248: {  	p1 =	por p0, !p1;
	s0 =	simm.s32 @!p0 $0x7800  }
0x249: {  	[tilespmem:s0], [sflag:$0x1] =	stream.indirect_vreg.gather @!p0 [hbm4b:s1+s2], $0x80, v11, vm1, $0xb8;
	[tilespmem:$0x15480] =	vst v63  }
0x24a: {  	_ =	swait.ge @p1 [sflag:s8], $0x2000  }
0x24b: {  	[sflag:s8] =	ssyncset.done @p1 $0x0  }
0x24c: {  	[sflag:s8] =	ssyncadd.s32 @p1 $0xFFFFE000  }
0x24d: {  	_ =	swait.ge [sflag:s26], $0x8000  }
0x24e: {  	s10 =	simm.s32 $0x0;
	[sflag:s26] =	ssyncset.done $0x0  }
0x24f: {  	s12 =	sand.u32 $0x1800, s10;
	s0 =	sand.u32 $0x380, s10;
	[sflag:s26] =	ssyncadd.s32 $0xFFFF8000  }
0x250: {  	s30 =	sor.u32 s0, s12;
	v11 =	vld [tilespmem:s4+$0x0]  }
0x251: {  	v13 =	vld [tilespmem:s30+$0x8470]  }
0x252: {  	v14 =	vld [tilespmem:s30+$0xA470]  }
0x253: {  	v15 =	vld [tilespmem:s30+$0x8000]  }
0x254: {  	v16 =	vld [tilespmem:s30+$0xC470]  }
0x255: {  	v17 =	vld [tilespmem:s30+$0xA000]  }
0x256: {  	v20 =	vld [tilespmem:s30+$0xE470]  }
0x257: {  	v21 =	vld [tilespmem:s30+$0x8010]  }
0x258: {  	v22 =	vld [tilespmem:s30+$0xA010]  }
0x259: {  	v23 =	vld [tilespmem:s30+$0x8020]  }
0x25a: {  	v24 =	vld [tilespmem:s30+$0x8030]  }
0x25b: {  	v25 =	vld [tilespmem:s30+$0x8040]  }
0x25c: {  	v26 =	vld [tilespmem:s30+$0x8050]  }
0x25d: {  	v27 =	vld [tilespmem:s30+$0x8060]  }
0x25e: {  	v28 =	vld [tilespmem:s30+$0xA060]  }
0x25f: {  	v29 =	vld [tilespmem:s30+$0x8070]  }
0x260: {  	v30 =	vld [tilespmem:s30+$0xA070]  }
0x261: {  	v31 =	vld [tilespmem:s30+$0x8400]  }
0x262: {  	v32 =	vld [tilespmem:s30+$0xA400]  }
0x263: {  	v33 =	vld [tilespmem:s30+$0x8410]  }
0x264: {  	v55 =	vld [tilespmem:s30+$0xA410]  }
0x265: {  	v56 =	vld [tilespmem:s30+$0x8420]  }
0x266: {  	v57 =	vld [tilespmem:s30+$0xA420]  }
0x267: {  	v58 =	vld [tilespmem:s30+$0x8430]  }
0x268: {  	v59 =	vld [tilespmem:s30+$0xA430]  }
0x269: {  	v60 =	vld [tilespmem:s30+$0x8440]  }
0x26a: {  	v61 =	vld [tilespmem:s30+$0xA440];
	v18 =	vbroadcast v11, $0x0;
	v19 =	vbroadcast v11, $0x1  }
0x26b: {  	v62 =	vld [tilespmem:s30+$0x8450];
	v12 =	vbroadcast v11, $0x2  }
0x26c: {  	v63 =	vld [tilespmem:s30+$0xA450];
	v13 =	vmul.f32 v13, v18;
	v14 =	vmul.f32 v14, v19  }
0x26d: {  	v43 =	vld [tilespmem:s30+$0x8460]  }
0x26e: {  	v44 =	vld [tilespmem:s30+$0xA460];
	v11 =	vbroadcast v11, $0x3;
	v13 =	vadd.f32 v14, v13;
	v14 =	vmul.f32 v16, v12  }
0x26f: {  	v54 =	vld [tilespmem:s30+$0xC000]  }
0x270: {  	v15 =	vmul.f32 v18, v15;
	v16 =	vld [tilespmem:s30+$0xA020];
	v13 =	vadd.f32 v14, v13;
	v14 =	vmul.f32 v20, v11  }
0x271: {  	v17 =	vmul.f32 v17, v19;
	v21 =	vmul.f32 v21, v18;
	v20 =	vld [tilespmem:s30+$0xA030]  }
0x272: {  	v22 =	vmul.f32 v22, v19;
	v23 =	vmul.f32 v23, v18;
	v13 =	vadd.f32 v14, v13;
	v14 =	vld [tilespmem:s30+$0xA040]  }
0x273: {  	v46 =	vld [tilespmem:s30+$0xC010];
	v55 =	vmul.f32 v55, v19;
	v62 =	vmul.f32 v62, v18  }
0x274: {  	v63 =	vmul.f32 v63, v19;
	v53 =	vmul.f32 v54, v12;
	[tilespmem:s30+$0x12470] =	vst v13;
	v13 =	vld [tilespmem:s30+$0xA050]  }
0x275: {  	v47 =	vld [tilespmem:s30+$0xC020];
	v15 =	vadd.f32 v17, v15;
	v17 =	vmul.f32 v24, v18;
	v16 =	vmul.f32 v16, v19  }
0x276: {  	v48 =	vld [tilespmem:s30+$0xC030];
	v21 =	vadd.f32 v22, v21;
	v22 =	vmul.f32 v25, v18;
	v20 =	vmul.f32 v20, v19  }
0x277: {  	v49 =	vld [tilespmem:s30+$0xC040];
	v16 =	vadd.f32 v16, v23;
	v23 =	vmul.f32 v26, v18;
	v14 =	vmul.f32 v14, v19  }
0x278: {  	v50 =	vld [tilespmem:s30+$0xC050];
	v17 =	vadd.f32 v20, v17;
	v20 =	vmul.f32 v27, v18;
	v27 =	vmul.f32 v28, v19  }
0x279: {  	v51 =	vld [tilespmem:s30+$0xC060];
	v13 =	vmul.f32 v13, v19;
	v14 =	vadd.f32 v14, v22;
	v22 =	vmul.f32 v29, v18  }
0x27a: {  	v52 =	vld [tilespmem:s30+$0xE020];
	v29 =	vmul.f32 v30, v19;
	v20 =	vadd.f32 v27, v20;
	v27 =	vmul.f32 v33, v18  }
0x27b: {  	v54 =	vld [tilespmem:s30+$0xE030];
	v13 =	vadd.f32 v13, v23;
	v23 =	vmul.f32 v31, v18;
	v31 =	vmul.f32 v32, v19  }
0x27c: {  	v24 =	vld [tilespmem:s30+$0xC070];
	v22 =	vadd.f32 v29, v22;
	v29 =	vmul.f32 v56, v18;
	v56 =	vmul.f32 v57, v19  }
0x27d: {  	v57 =	vmul.f32 v59, v19;
	v23 =	vadd.f32 v31, v23;
	v31 =	vmul.f32 v58, v18;
	v58 =	vld [tilespmem:s30+$0xE000]  }
0x27e: {  	v15 =	vadd.f32 v53, v15;
	v59 =	vmul.f32 v60, v18;
	v60 =	vmul.f32 v61, v19;
	v61 =	vld [tilespmem:s30+$0xE010]  }
0x27f: {  	v25 =	vld [tilespmem:s30+$0xC400];
	v27 =	vadd.f32 v55, v27;
	v19 =	vmul.f32 v44, v19;
	v18 =	vmul.f32 v43, v18  }
0x280: {  	v26 =	vld [tilespmem:s30+$0xC410];
	v29 =	vadd.f32 v56, v29;
	v33 =	vadd.f32 v60, v59;
	v56 =	vmul.f32 v46, v12  }
0x281: {  	v28 =	vld [tilespmem:s30+$0xC420];
	v31 =	vadd.f32 v57, v31;
	v44 =	vadd.f32 v19, v18;
	v18 =	vmul.f32 v47, v12  }
0x282: {  	v30 =	vld [tilespmem:s30+$0xC430];
	v19 =	vmul.f32 v48, v12;
	v21 =	vadd.f32 v56, v21;
	v57 =	vmul.f32 v58, v11  }
0x283: {  	v32 =	vld [tilespmem:s30+$0xC440];
	v40 =	vmul.f32 v61, v11;
	v16 =	vadd.f32 v18, v16;
	v18 =	vmul.f32 v49, v12  }
0x284: {  	v60 =	vld [tilespmem:s30+$0xE070];
	v17 =	vadd.f32 v19, v17;
	v15 =	vadd.f32 v57, v15  }
0x285: {  	v55 =	vld [tilespmem:s30+$0xE040];
	v19 =	vadd.f32 v40, v21;
	v14 =	vadd.f32 v18, v14;
	v18 =	vmul.f32 v51, v12  }
0x286: {  	v35 =	vadd.f32 v63, v62;
	v61 =	vld [tilespmem:s30+$0xE400];
	v21 =	vmul.f32 v52, v11;
	[tilespmem:s30+$0x12000] =	vst v15;
	v15 =	vmul.f32 v50, v12  }
0x287: {  	v58 =	vld [tilespmem:s30+$0xE050];
	[tilespmem:s30+$0x12010] =	vst v19;
	v19 =	vmul.f32 v28, v12;
	v20 =	vadd.f32 v18, v20;
	v18 =	vmul.f32 v25, v12  }
0x288: {  	v59 =	vld [tilespmem:s30+$0xE060];
	v13 =	vadd.f32 v15, v13;
	v15 =	vadd.f32 v21, v16;
	v16 =	vmul.f32 v54, v11  }
0x289: {  	v34 =	vld [tilespmem:s30+$0xC450];
	v24 =	vmul.f32 v24, v12;
	v28 =	vmul.f32 v60, v11;
	v19 =	vadd.f32 v19, v29  }
0x28a: {  	v36 =	vld [tilespmem:s30+$0xC460];
	v63 =	vadd.f32 v18, v23;
	v16 =	vadd.f32 v16, v17;
	[tilespmem:s30+$0x12020] =	vst v15;
	v15 =	vmul.f32 v26, v12  }
0x28b: {  	v62 =	vld [tilespmem:s30+$0xE410];
	v21 =	vadd.f32 v24, v22;
	v24 =	vmul.f32 v30, v12;
	v17 =	vmul.f32 v55, v11  }
0x28c: {  	v22 =	vld [tilespmem:s30+$0xE420];
	v30 =	vmul.f32 v61, v11;
	v18 =	vadd.f32 v15, v27;
	[tilespmem:s30+$0x12030] =	vst v16;
	v16 =	vmul.f32 v58, v11  }
0x28d: {  	v23 =	vld [tilespmem:s30+$0xE430];
	v15 =	vadd.f32 v17, v14;
	v17 =	vmul.f32 v32, v12;
	v27 =	vmul.f32 v59, v11  }
0x28e: {  	v26 =	vmul.f32 v34, v12;
	v14 =	vadd.f32 v24, v31;
	v24 =	vld [tilespmem:s30+$0xE440];
	v13 =	vadd.f32 v16, v13  }
0x28f: {  	s31 =	simm.s32 $0x80;
	s10 =	simm.s32 $0x100;
	v25 =	vld [tilespmem:s30+$0xE450];
	v12 =	vmul.f32 v36, v12;
	[tilespmem:s30+$0x12040] =	vst v15;
	v17 =	vadd.f32 v17, v33;
	v29 =	vadd.f32 v27, v20  }
0x290: {  	s2 =	sadd.s32 $0x4, s4;
	s0 =	sand.u32 $0x1800, s10;
	s12 =	sand.u32 $0x380, s31;
	v15 =	vadd.f32 v26, v35;
	v20 =	vadd.f32 v28, v21;
	v26 =	vld [tilespmem:s30+$0xE460];
	v27 =	vmul.f32 v62, v11;
	[tilespmem:s30+$0x12050] =	vst v13  }
0x291: {  	s9 =	sor.u32 $0x1, s9;
	s10 =	sor.u32 s12, s0;
	s0 =	simm.s32 $0x200;
	v16 =	vadd.f32 v12, v44;
	v28 =	vld [tilespmem:s2+$0x0];
	v21 =	vadd.f32 v30, v63;
	[tilespmem:s30+$0x12060] =	vst v29;
	v29 =	vmul.f32 v22, v11  }
.LBB2_7:
0x292: {  	p1 =	sne.s32 s0, $0x1F00;
	v22 =	vld [tilespmem:s10+$0x8470];
	[tilespmem:s30+$0x12070] =	vst v20;
	v12 =	vadd.f32 v27, v18;
	v13 =	vmul.f32 v23, v11  }
0x293: {  	v18 =	vld [tilespmem:s10+$0xA470];
	[tilespmem:s30+$0x12400] =	vst v21;
	v19 =	vadd.f32 v29, v19;
	v20 =	vmul.f32 v24, v11  }
0x294: {  	v21 =	vld [tilespmem:s10+$0x8000];
	[tilespmem:s30+$0x12410] =	vst v12;
	v12 =	vadd.f32 v13, v14;
	v14 =	vmul.f32 v25, v11  }
0x295: {  	v23 =	vld [tilespmem:s10+$0xC470];
	[tilespmem:s30+$0x12420] =	vst v19;
	v17 =	vadd.f32 v20, v17;
	v11 =	vmul.f32 v26, v11  }
0x296: {  	v19 =	vbroadcast v28, $0x0;
	v20 =	vld [tilespmem:s10+$0xA000];
	v13 =	vbroadcast v28, $0x1;
	[tilespmem:s30+$0x12430] =	vst v12;
	v14 =	vadd.f32 v14, v15  }
0x297: {  	v12 =	vbroadcast v28, $0x2;
	v15 =	vld [tilespmem:s10+$0xE470];
	[tilespmem:s30+$0x12440] =	vst v17;
	v11 =	vadd.f32 v11, v16  }
0x298: {  	v16 =	vld [tilespmem:s10+$0x8010];
	v17 =	vmul.f32 v22, v19;
	v18 =	vmul.f32 v18, v13;
	[tilespmem:s30+$0x12450] =	vst v14  }
0x299: {  	v14 =	vmul.f32 v19, v21;
	v21 =	vld [tilespmem:s10+$0xA010];
	[tilespmem:s30+$0x12460] =	vst v11;
	s30 =	smov.u32 s10  }
0x29a: {  	v11 =	vbroadcast v28, $0x3;
	v22 =	vld [tilespmem:s30+$0x8020];
	v17 =	vadd.f32 v18, v17;
	v18 =	vmul.f32 v23, v12  }
0x29b: {  	v20 =	vmul.f32 v20, v13;
	v23 =	vld [tilespmem:s30+$0xA020]  }
0x29c: {  	v24 =	vld [tilespmem:s30+$0x8030];
	v17 =	vadd.f32 v18, v17;
	v15 =	vmul.f32 v15, v11  }
0x29d: {  	v14 =	vadd.f32 v20, v14;
	v16 =	vmul.f32 v16, v19;
	v18 =	vld [tilespmem:s30+$0xA030]  }
0x29e: {  	v20 =	vmul.f32 v21, v13;
	v21 =	vld [tilespmem:s30+$0x8040];
	v15 =	vadd.f32 v15, v17  }
0x29f: {  	v17 =	vmul.f32 v22, v19;
	v22 =	vld [tilespmem:s30+$0xA040]  }
0x2a0: {  	v16 =	vadd.f32 v20, v16;
	v20 =	vmul.f32 v23, v13;
	v23 =	vld [tilespmem:s30+$0x8050];
	[tilespmem:s30+$0x12470] =	vst v15  }
0x2a1: {  	v15 =	vmul.f32 v24, v19;
	v24 =	vld [tilespmem:s30+$0xA050]  }
0x2a2: {  	v17 =	vadd.f32 v20, v17;
	v18 =	vmul.f32 v18, v13;
	v20 =	vld [tilespmem:s30+$0x8060]  }
0x2a3: {  	v21 =	vmul.f32 v21, v19;
	v25 =	vld [tilespmem:s30+$0xA060]  }
0x2a4: {  	v15 =	vadd.f32 v18, v15;
	v18 =	vmul.f32 v22, v13;
	v22 =	vld [tilespmem:s30+$0x8070]  }
0x2a5: {  	v23 =	vmul.f32 v23, v19;
	v26 =	vld [tilespmem:s30+$0xA070]  }
0x2a6: {  	v18 =	vadd.f32 v18, v21;
	v21 =	vmul.f32 v24, v13;
	v24 =	vld [tilespmem:s30+$0x8400]  }
0x2a7: {  	v20 =	vmul.f32 v20, v19;
	v27 =	vld [tilespmem:s30+$0xA400]  }
0x2a8: {  	v21 =	vadd.f32 v21, v23;
	v23 =	vmul.f32 v25, v13;
	v25 =	vld [tilespmem:s30+$0x8410]  }
0x2a9: {  	v22 =	vmul.f32 v22, v19;
	v28 =	vld [tilespmem:s30+$0xA410]  }
0x2aa: {  	v20 =	vadd.f32 v23, v20;
	v23 =	vmul.f32 v26, v13;
	v26 =	vld [tilespmem:s30+$0x8420]  }
0x2ab: {  	v24 =	vmul.f32 v24, v19;
	v29 =	vld [tilespmem:s30+$0xA420]  }
0x2ac: {  	v22 =	vadd.f32 v23, v22;
	v23 =	vmul.f32 v27, v13;
	v27 =	vld [tilespmem:s30+$0x8430]  }
0x2ad: {  	v25 =	vmul.f32 v25, v19;
	v30 =	vld [tilespmem:s30+$0xA430]  }
0x2ae: {  	v23 =	vadd.f32 v23, v24;
	v24 =	vmul.f32 v28, v13;
	v28 =	vld [tilespmem:s30+$0x8440]  }
0x2af: {  	v26 =	vmul.f32 v26, v19;
	v31 =	vld [tilespmem:s30+$0xA440]  }
0x2b0: {  	v24 =	vadd.f32 v24, v25;
	v25 =	vmul.f32 v29, v13;
	v29 =	vld [tilespmem:s30+$0x8450]  }
0x2b1: {  	v27 =	vmul.f32 v27, v19;
	v32 =	vld [tilespmem:s30+$0xA450]  }
0x2b2: {  	v25 =	vadd.f32 v25, v26;
	v26 =	vmul.f32 v30, v13;
	v30 =	vld [tilespmem:s30+$0x8460]  }
0x2b3: {  	v28 =	vmul.f32 v28, v19;
	v33 =	vld [tilespmem:s30+$0xA460]  }
0x2b4: {  	v34 =	vld [tilespmem:s30+$0xC000];
	v26 =	vadd.f32 v26, v27;
	v27 =	vmul.f32 v31, v13  }
0x2b5: {  	v31 =	vld [tilespmem:s30+$0xC010];
	v29 =	vmul.f32 v29, v19  }
0x2b6: {  	v35 =	vld [tilespmem:s30+$0xC020];
	v27 =	vadd.f32 v27, v28;
	v28 =	vmul.f32 v32, v13  }
0x2b7: {  	v32 =	vld [tilespmem:s30+$0xC030];
	v19 =	vmul.f32 v30, v19  }
0x2b8: {  	v30 =	vld [tilespmem:s30+$0xC040];
	v28 =	vadd.f32 v28, v29;
	v13 =	vmul.f32 v33, v13  }
0x2b9: {  	v29 =	vmul.f32 v34, v12;
	v33 =	vld [tilespmem:s30+$0xC050]  }
0x2ba: {  	v31 =	vmul.f32 v31, v12;
	v34 =	vld [tilespmem:s30+$0xC060];
	v13 =	vadd.f32 v13, v19  }
0x2bb: {  	v29 =	vadd.f32 v29, v14;
	v14 =	vmul.f32 v35, v12;
	v19 =	vld [tilespmem:s30+$0xC070]  }
0x2bc: {  	v31 =	vadd.f32 v31, v16;
	v16 =	vmul.f32 v32, v12;
	v32 =	vld [tilespmem:s30+$0xC400]  }
0x2bd: {  	v35 =	vadd.f32 v14, v17;
	v14 =	vmul.f32 v30, v12;
	v17 =	vld [tilespmem:s30+$0xC410]  }
0x2be: {  	v30 =	vadd.f32 v16, v15;
	v15 =	vmul.f32 v33, v12;
	v16 =	vld [tilespmem:s30+$0xC420]  }
0x2bf: {  	v33 =	vadd.f32 v14, v18;
	v14 =	vmul.f32 v34, v12;
	v34 =	vld [tilespmem:s30+$0xC430]  }
0x2c0: {  	v21 =	vadd.f32 v15, v21;
	v15 =	vmul.f32 v19, v12;
	v36 =	vld [tilespmem:s30+$0xC440]  }
0x2c1: {  	v20 =	vadd.f32 v14, v20;
	v14 =	vmul.f32 v32, v12;
	v32 =	vld [tilespmem:s30+$0xC450]  }
0x2c2: {  	v22 =	vadd.f32 v15, v22;
	v15 =	vmul.f32 v17, v12;
	v37 =	vld [tilespmem:s30+$0xC460]  }
0x2c3: {  	v38 =	vld [tilespmem:s30+$0xE000];
	v39 =	vadd.f32 v14, v23;
	v14 =	vmul.f32 v16, v12  }
0x2c4: {  	v16 =	vld [tilespmem:s30+$0xE010];
	v18 =	vadd.f32 v15, v24;
	v15 =	vmul.f32 v34, v12  }
0x2c5: {  	v23 =	vld [tilespmem:s30+$0xE020];
	v19 =	vadd.f32 v14, v25;
	v17 =	vmul.f32 v36, v12  }
0x2c6: {  	v24 =	vld [tilespmem:s30+$0xE030];
	v14 =	vadd.f32 v15, v26;
	v15 =	vmul.f32 v32, v12  }
0x2c7: {  	v25 =	vld [tilespmem:s30+$0xE040];
	v17 =	vadd.f32 v17, v27;
	v12 =	vmul.f32 v37, v12  }
0x2c8: {  	v26 =	vmul.f32 v38, v11;
	v27 =	vld [tilespmem:s30+$0xE050];
	v15 =	vadd.f32 v15, v28  }
0x2c9: {  	v28 =	vmul.f32 v16, v11;
	v32 =	vld [tilespmem:s30+$0xE060];
	v16 =	vadd.f32 v12, v13  }
0x2ca: {  	v12 =	vadd.f32 v26, v29;
	v13 =	vmul.f32 v23, v11;
	v26 =	vld [tilespmem:s30+$0xE070]  }
0x2cb: {  	v23 =	vadd.f32 v28, v31;
	v24 =	vmul.f32 v24, v11;
	v28 =	vld [tilespmem:s30+$0xE400]  }
0x2cc: {  	[tilespmem:s30+$0x12000] =	vst v12;
	v12 =	vadd.f32 v13, v35;
	v13 =	vmul.f32 v25, v11;
	v29 =	vld [tilespmem:s30+$0xE410]  }
0x2cd: {  	[tilespmem:s30+$0x12010] =	vst v23;
	v24 =	vadd.f32 v24, v30;
	v25 =	vmul.f32 v27, v11;
	v30 =	vld [tilespmem:s30+$0xE420]  }
.Ltmp4:
0x2ce: {  	[tilespmem:s30+$0x12020] =	vst v12;
	v12 =	vadd.f32 v13, v33;
	v13 =	vmul.f32 v32, v11;
	v23 =	vld [tilespmem:s30+$0xE430];
	(pc) =	sbr.rel @p1 .LBB2_7-.Ltmp4, $4  }
0x2cf: {  	[tilespmem:s30+$0x12030] =	vst v24;
	v21 =	vadd.f32 v25, v21;
	v26 =	vmul.f32 v26, v11;
	v24 =	vld [tilespmem:s30+$0xE440]  }
0x2d0: {  	s31 =	sadd.s32 $0x80, s31;
	[tilespmem:s30+$0x12040] =	vst v12;
	v12 =	vadd.f32 v13, v20;
	v13 =	vmul.f32 v28, v11;
	v25 =	vld [tilespmem:s30+$0xE450]  }
0x2d1: {  	s2 =	sadd.s32 $0x4, s2;
	s12 =	sand.u32 $0x380, s31;
	s10 =	sand.u32 $0x1800, s0;
	[tilespmem:s30+$0x12050] =	vst v21;
	v20 =	vadd.f32 v26, v22;
	v27 =	vmul.f32 v29, v11;
	v26 =	vld [tilespmem:s30+$0xE460]  }
0x2d2: {  	s0 =	sadd.s32 $0x100, s0;
	s10 =	sor.u32 s12, s10;
	v28 =	vld [tilespmem:s2+$0x0];
	[tilespmem:s30+$0x12060] =	vst v12;
	v21 =	vadd.f32 v13, v39;
	v29 =	vmul.f32 v30, v11  }
0x2d3: {  	v12 =	vld [tilespmem:s10+$0x8470]  }
0x2d4: {  	v30 =	vld [tilespmem:s10+$0xA470]  }
0x2d5: {  	v31 =	vld [tilespmem:s10+$0x8000]  }
0x2d6: {  	v32 =	vld [tilespmem:s10+$0xC470]  }
0x2d7: {  	v33 =	vld [tilespmem:s10+$0xA000]  }
0x2d8: {  	v35 =	vld [tilespmem:s10+$0xE470]  }
0x2d9: {  	v36 =	vld [tilespmem:s10+$0x8010]  }
0x2da: {  	v38 =	vld [tilespmem:s10+$0xA010]  }
0x2db: {  	v39 =	vld [tilespmem:s10+$0x8020]  }
0x2dc: {  	v40 =	vld [tilespmem:s10+$0x8040]  }
0x2dd: {  	v41 =	vld [tilespmem:s10+$0x8050]  }
0x2de: {  	v42 =	vld [tilespmem:s10+$0x8060]  }
0x2df: {  	v43 =	vld [tilespmem:s10+$0xA060]  }
0x2e0: {  	v44 =	vld [tilespmem:s10+$0x8070]  }
0x2e1: {  	v45 =	vld [tilespmem:s10+$0xA070]  }
0x2e2: {  	v46 =	vld [tilespmem:s10+$0x8400]  }
0x2e3: {  	v47 =	vld [tilespmem:s10+$0xA400]  }
0x2e4: {  	v48 =	vld [tilespmem:s10+$0x8410]  }
0x2e5: {  	v49 =	vld [tilespmem:s10+$0xA410]  }
0x2e6: {  	v50 =	vld [tilespmem:s10+$0x8420]  }
0x2e7: {  	v51 =	vld [tilespmem:s10+$0xA420]  }
0x2e8: {  	v52 =	vld [tilespmem:s10+$0x8430]  }
0x2e9: {  	v53 =	vld [tilespmem:s10+$0xA430]  }
0x2ea: {  	v54 =	vld [tilespmem:s10+$0x8440]  }
0x2eb: {  	v55 =	vld [tilespmem:s10+$0xA440]  }
0x2ec: {  	v56 =	vld [tilespmem:s10+$0x8450]  }
0x2ed: {  	v57 =	vld [tilespmem:s10+$0xA450];
	v23 =	vmul.f32 v23, v11  }
0x2ee: {  	v58 =	vld [tilespmem:s10+$0x8460];
	v34 =	vbroadcast v28, $0x0;
	v22 =	vbroadcast v28, $0x1  }
0x2ef: {  	v18 =	vadd.f32 v27, v18;
	v27 =	vld [tilespmem:s10+$0xC030];
	v24 =	vmul.f32 v24, v11;
	v13 =	vbroadcast v28, $0x2  }
0x2f0: {  	v19 =	vadd.f32 v29, v19;
	v29 =	vld [tilespmem:s10+$0xC040];
	v37 =	vmul.f32 v12, v34;
	v30 =	vmul.f32 v30, v22  }
0x2f1: {  	v12 =	vbroadcast v28, $0x3;
	v61 =	vmul.f32 v32, v13;
	v32 =	vld [tilespmem:s10+$0xA020]  }
0x2f2: {  	v25 =	vmul.f32 v25, v11;
	v11 =	vmul.f32 v26, v11;
	v60 =	vadd.f32 v30, v37;
	v37 =	vld [tilespmem:s10+$0x8030]  }
0x2f3: {  	v14 =	vadd.f32 v23, v14;
	v23 =	vmul.f32 v34, v31;
	v62 =	vmul.f32 v35, v12;
	v35 =	vld [tilespmem:s10+$0xA030]  }
0x2f4: {  	v15 =	vadd.f32 v25, v15;
	v31 =	vmul.f32 v36, v34;
	v25 =	vmul.f32 v38, v22;
	v30 =	vld [tilespmem:s10+$0xA040]  }
0x2f5: {  	v59 =	vld [tilespmem:s10+$0xA460];
	v11 =	vadd.f32 v11, v16;
	v63 =	vmul.f32 v33, v22;
	v36 =	vmul.f32 v39, v34  }
0x2f6: {  	v26 =	vld [tilespmem:s10+$0xC050];
	v27 =	vmul.f32 v27, v13;
	v29 =	vmul.f32 v29, v13;
	v25 =	vadd.f32 v25, v31  }
0x2f7: {  	v33 =	vld [tilespmem:s10+$0xC060];
	v31 =	vmul.f32 v41, v34;
	v28 =	vadd.f32 v61, v60;
	v16 =	vmul.f32 v32, v22  }
0x2f8: {  	v38 =	vld [tilespmem:s10+$0xC070];
	v23 =	vadd.f32 v63, v23;
	v32 =	vmul.f32 v37, v34;
	v63 =	vmul.f32 v35, v22  }
0x2f9: {  	v39 =	vld [tilespmem:s10+$0xC410];
	v28 =	vadd.f32 v62, v28;
	v35 =	vmul.f32 v40, v34;
	v30 =	vmul.f32 v30, v22  }
0x2fa: {  	v60 =	vld [tilespmem:s10+$0xC000];
	v16 =	vadd.f32 v16, v36;
	v36 =	vmul.f32 v42, v34;
	v42 =	vmul.f32 v44, v34  }
0x2fb: {  	v17 =	vadd.f32 v24, v17;
	v44 =	vmul.f32 v46, v34;
	v46 =	vmul.f32 v48, v34;
	[tilespmem:s10+$0x12470] =	vst v28;
	v28 =	vld [tilespmem:s10+$0xA050]  }
0x2fc: {  	v61 =	vld [tilespmem:s10+$0xC010];
	v48 =	vmul.f32 v50, v34;
	v24 =	vadd.f32 v63, v32;
	v63 =	vmul.f32 v43, v22  }
0x2fd: {  	v41 =	vld [tilespmem:s10+$0xC430];
	v50 =	vmul.f32 v52, v34;
	v30 =	vadd.f32 v30, v35;
	v35 =	vmul.f32 v45, v22  }
0x2fe: {  	v62 =	vld [tilespmem:s10+$0xC020];
	v52 =	vmul.f32 v54, v34;
	v32 =	vadd.f32 v63, v36;
	v63 =	vmul.f32 v49, v22  }
0x2ff: {  	v49 =	vld [tilespmem:s10+$0xE000];
	v35 =	vadd.f32 v35, v42;
	v42 =	vmul.f32 v51, v22;
	v24 =	vadd.f32 v27, v24  }
0x300: {  	v51 =	vld [tilespmem:s10+$0xE010];
	v28 =	vmul.f32 v28, v22;
	v36 =	vadd.f32 v63, v46;
	v46 =	vmul.f32 v55, v22  }
0x301: {  	v37 =	vld [tilespmem:s10+$0xC400];
	v63 =	vmul.f32 v60, v13;
	v42 =	vadd.f32 v42, v48;
	v60 =	vmul.f32 v61, v13  }
0x302: {  	v40 =	vld [tilespmem:s10+$0xC420];
	v61 =	vmul.f32 v56, v34;
	v28 =	vadd.f32 v28, v31;
	v31 =	vmul.f32 v47, v22  }
0x303: {  	v55 =	vld [tilespmem:s10+$0xE030];
	v23 =	vadd.f32 v63, v23;
	v63 =	vmul.f32 v57, v22;
	v57 =	vmul.f32 v62, v13  }
0x304: {  	v48 =	vld [tilespmem:s10+$0xE060];
	v25 =	vadd.f32 v60, v25;
	v60 =	vmul.f32 v58, v34;
	v58 =	vmul.f32 v33, v13  }
0x305: {  	[tilespmem:s30+$0x12070] =	vst v20;
	v46 =	vadd.f32 v46, v52;
	v52 =	vld [tilespmem:s10+$0xE050];
	v49 =	vmul.f32 v49, v12;
	v51 =	vmul.f32 v51, v12  }
0x306: {  	[tilespmem:s30+$0x12400] =	vst v21;
	v31 =	vadd.f32 v31, v44;
	v44 =	vmul.f32 v53, v22;
	v53 =	vld [tilespmem:s10+$0xE020];
	v34 =	vadd.f32 v63, v61  }
0x307: {  	[tilespmem:s30+$0x12410] =	vst v18;
	v16 =	vadd.f32 v57, v16;
	v63 =	vmul.f32 v59, v22;
	v57 =	vadd.f32 v29, v30;
	v59 =	vld [tilespmem:s10+$0xE420]  }
0x308: {  	[tilespmem:s30+$0x12420] =	vst v19;
	v21 =	vadd.f32 v58, v32;
	v44 =	vadd.f32 v44, v50;
	v50 =	vld [tilespmem:s10+$0xE040]  }
0x309: {  	[tilespmem:s30+$0x12430] =	vst v14;
	v32 =	vmul.f32 v39, v13;
	v23 =	vadd.f32 v49, v23;
	v61 =	vadd.f32 v51, v25;
	v51 =	vld [tilespmem:s10+$0xE410]  }
0x30a: {  	[tilespmem:s30+$0x12440] =	vst v17;
	v54 =	vld [tilespmem:s10+$0xE400];
	v56 =	vmul.f32 v55, v12;
	v39 =	vmul.f32 v48, v12;
	v18 =	vadd.f32 v63, v60  }
0x30b: {  	v43 =	vld [tilespmem:s10+$0xC440];
	v19 =	vadd.f32 v32, v36;
	[tilespmem:s10+$0x12010] =	vst v61;
	v61 =	vmul.f32 v38, v13;
	v62 =	vmul.f32 v53, v12  }
0x30c: {  	v49 =	vld [tilespmem:s10+$0xE070];
	[tilespmem:s10+$0x12000] =	vst v23;
	v23 =	vadd.f32 v56, v24;
	v33 =	vmul.f32 v52, v12;
	v53 =	vmul.f32 v26, v13  }
0x30d: {  	[tilespmem:s30+$0x12450] =	vst v15;
	v45 =	vld [tilespmem:s10+$0xC450];
	v14 =	vadd.f32 v61, v35;
	v16 =	vadd.f32 v62, v16;
	v60 =	vmul.f32 v50, v12  }
0x30e: {  	[tilespmem:s30+$0x12460] =	vst v11;
	v63 =	vld [tilespmem:s10+$0xE430];
	v55 =	vmul.f32 v59, v12;
	v51 =	vmul.f32 v51, v12;
	v20 =	vadd.f32 v53, v28  }
0x30f: {  	v47 =	vld [tilespmem:s10+$0xC460];
	v62 =	vmul.f32 v37, v13;
	v37 =	vmul.f32 v40, v13;
	[tilespmem:s10+$0x12020] =	vst v16;
	v16 =	vadd.f32 v60, v57  }
0x310: {  	v38 =	vld [tilespmem:s10+$0xE440];
	[tilespmem:s10+$0x12030] =	vst v23;
	v40 =	vmul.f32 v41, v13;
	v50 =	vmul.f32 v54, v12;
	v20 =	vadd.f32 v33, v20  }
0x311: {  	v48 =	vld [tilespmem:s10+$0xE450];
	v41 =	vadd.f32 v37, v42;
	v42 =	vmul.f32 v49, v12;
	v57 =	vadd.f32 v51, v19;
	[tilespmem:s10+$0x12040] =	vst v16  }
0x312: {  	v52 =	vld [tilespmem:s10+$0xE460];
	v53 =	vmul.f32 v45, v13;
	v35 =	vadd.f32 v62, v31;
	v16 =	vadd.f32 v39, v21;
	[tilespmem:s10+$0x12050] =	vst v20  }
0x313: {  	v58 =	vmul.f32 v63, v12;
	v49 =	vmul.f32 v43, v13;
	v14 =	vadd.f32 v42, v14;
	[tilespmem:s10+$0x12410] =	vst v57  }
0x314: {  	v11 =	vadd.f32 v40, v44;
	v13 =	vmul.f32 v47, v13;
	v54 =	vadd.f32 v50, v35;
	[tilespmem:s10+$0x12060] =	vst v16  }
0x315: {  	v60 =	vmul.f32 v38, v12;
	v56 =	vadd.f32 v49, v46;
	v59 =	vadd.f32 v55, v41;
	[tilespmem:s10+$0x12070] =	vst v14  }
0x316: {  	v61 =	vadd.f32 v53, v34;
	v62 =	vmul.f32 v48, v12;
	v11 =	vadd.f32 v58, v11;
	[tilespmem:s10+$0x12400] =	vst v54  }
0x317: {  	v12 =	vmul.f32 v52, v12;
	v13 =	vadd.f32 v13, v18;
	[tilespmem:s10+$0x12420] =	vst v59;
	v63 =	vadd.f32 v60, v56  }
.Ltmp5:
0x318: {  	[tilespmem:s10+$0x12430] =	vst v11;
	v11 =	vadd.f32 v62, v61;
	(pc) =	sbr.rel @p0 .LBB2_10-.Ltmp5, $4  }
0x319: {  	v12 =	vadd.f32 v12, v13;
	[tilespmem:s10+$0x12440] =	vst v63  }
0x31a: {  	s0 =	sshll.u32 s9, $0xA;
	[tilespmem:s10+$0x12450] =	vst v11  }
0x31b: {  	s0 =	sadd.s32 s0, s6;
	[tilespmem:s10+$0x12460] =	vst v12  }
0x31c: {  	[hbm4b:s0+s3] =	stream.linear.scatter [tilespmem:s28], [sflag:$0x4], $0x2000, $0x38;
	[tilespmem:$0x15480] =	vst v63  }
0x31d: {  	s0 =	sshrl.u32 s11, $0x2  }
0x31e: {  	v11 =	vld [tilespmem:s0+$0x14180];
	_ =	sdelay $0x4  }
0x31f: {  	v12 =	vshll.u32 v11, $0x1  }
0x320: {  	v11 =	vand.u32 $0x7, v11;
	v12 =	vand.u32 $0xFFFFFFF0, v12  }
0x321: {  	v11 =	vor.u32 v11, v12  }
0x322: {  	v12 =	vperm.xlane v11, v8;
	_ =	sdelay $0x1  }
0x323: {  	v11 =	vperm.xlane v11, v10;
	v12 =	vadd.s32 v9, v12;
	_ =	sdelay $0x1  }
0x324: {  	v11 =	vadd.s32 v9, v11;
	_ =	sdelay $0x1  }
0x325: {  	s2 =	simm.s32 $0x8000  }
0x326: {  	[tilespmem:s2], [sflag:$0x2] =	stream.indirect_vreg.gather [hbm4b:s1+s3], $0x80, v12, vm0, $0xb8;
	[tilespmem:$0x15480] =	vst v63  }
0x327: {  	s10 =	simm.s32 $0x8800  }
0x328: {  	[tilespmem:s10], [sflag:$0x2] =	stream.indirect_vreg.gather [hbm4b:s1+s3], $0x80, v11, vm0, $0xb8;
	[tilespmem:$0x15480] =	vst v63  }
0x329: {  	v11 =	vld [tilespmem:s0+$0x14190];
	_ =	sdelay $0x4  }
0x32a: {  	v57 =	vshll.u32 v11, $0x1  }
0x32b: {  	v11 =	vand.u32 $0x7, v11;
	v12 =	vand.u32 $0xFFFFFFF0, v57  }
0x32c: {  	v11 =	vor.u32 v11, v12  }
0x32d: {  	v12 =	vperm.xlane v11, v8;
	_ =	sdelay $0x1  }
0x32e: {  	v11 =	vperm.xlane v11, v10;
	v12 =	vadd.s32 v9, v12;
	_ =	sdelay $0x1  }
0x32f: {  	v11 =	vadd.s32 v9, v11;
	_ =	sdelay $0x1  }
0x330: {  	s11 =	simm.s32 $0x9000  }
0x331: {  	[tilespmem:s11], [sflag:$0x2] =	stream.indirect_vreg.gather [hbm4b:s1+s3], $0x80, v12, vm0, $0xb8;
	[tilespmem:$0x15480] =	vst v63  }
0x332: {  	s12 =	simm.s32 $0x9800  }
0x333: {  	[tilespmem:s12], [sflag:$0x2] =	stream.indirect_vreg.gather [hbm4b:s1+s3], $0x80, v11, vm0, $0xb8;
	[tilespmem:$0x15480] =	vst v63  }
0x334: {  	v11 =	vld [tilespmem:s0+$0x141A0];
	_ =	sdelay $0x4  }
0x335: {  	v58 =	vshll.u32 v11, $0x1  }
0x336: {  	v11 =	vand.u32 $0x7, v11;
	v12 =	vand.u32 $0xFFFFFFF0, v58  }
0x337: {  	v11 =	vor.u32 v11, v12  }
0x338: {  	v12 =	vperm.xlane v11, v8;
	_ =	sdelay $0x1  }
0x339: {  	v11 =	vperm.xlane v11, v10;
	v12 =	vadd.s32 v9, v12;
	_ =	sdelay $0x1  }
0x33a: {  	v11 =	vadd.s32 v9, v11;
	_ =	sdelay $0x1  }
0x33b: {  	s30 =	simm.s32 $0xA000  }
0x33c: {  	[tilespmem:s30], [sflag:$0x2] =	stream.indirect_vreg.gather [hbm4b:s1+s3], $0x80, v12, vm0, $0xb8;
	[tilespmem:$0x15480] =	vst v63  }
0x33d: {  	s31 =	simm.s32 $0xA800  }
0x33e: {  	[tilespmem:s31], [sflag:$0x2] =	stream.indirect_vreg.gather [hbm4b:s1+s3], $0x80, v11, vm0, $0xb8;
	[tilespmem:$0x15480] =	vst v63  }
0x33f: {  	v11 =	vld [tilespmem:s0+$0x141B0];
	_ =	sdelay $0x4  }
0x340: {  	v59 =	vshll.u32 v11, $0x1  }
0x341: {  	v11 =	vand.u32 $0x7, v11;
	v12 =	vand.u32 $0xFFFFFFF0, v59  }
0x342: {  	v11 =	vor.u32 v11, v12  }
0x343: {  	v12 =	vperm.xlane v11, v8;
	_ =	sdelay $0x1  }
0x344: {  	v11 =	vperm.xlane v11, v10;
	v12 =	vadd.s32 v9, v12;
	_ =	sdelay $0x1  }
0x345: {  	v11 =	vadd.s32 v9, v11;
	_ =	sdelay $0x2  }
0x346: {  	[tilespmem:s14], [sflag:$0x2] =	stream.indirect_vreg.gather [hbm4b:s1+s3], $0x80, v12, vm0, $0xb8;
	[tilespmem:$0x15480] =	vst v63  }
0x347: {  	_ = 	snop  }
0x348: {  	[tilespmem:s15], [sflag:$0x2] =	stream.indirect_vreg.gather [hbm4b:s1+s3], $0x80, v11, vm0, $0xb8;
	[tilespmem:$0x15480] =	vst v63  }
0x349: {  	v11 =	vld [tilespmem:s0+$0x141C0];
	_ =	sdelay $0x4  }
0x34a: {  	v60 =	vshll.u32 v11, $0x1  }
0x34b: {  	v11 =	vand.u32 $0x7, v11;
	v12 =	vand.u32 $0xFFFFFFF0, v60  }
0x34c: {  	v11 =	vor.u32 v11, v12  }
0x34d: {  	v12 =	vperm.xlane v11, v8;
	_ =	sdelay $0x1  }
0x34e: {  	v11 =	vperm.xlane v11, v10;
	v12 =	vadd.s32 v9, v12;
	_ =	sdelay $0x1  }
0x34f: {  	v11 =	vadd.s32 v9, v11;
	_ =	sdelay $0x2  }
0x350: {  	[tilespmem:s16], [sflag:$0x2] =	stream.indirect_vreg.gather [hbm4b:s1+s3], $0x80, v12, vm0, $0xb8;
	[tilespmem:$0x15480] =	vst v63  }
0x351: {  	_ = 	snop  }
0x352: {  	[tilespmem:s17], [sflag:$0x2] =	stream.indirect_vreg.gather [hbm4b:s1+s3], $0x80, v11, vm0, $0xb8;
	[tilespmem:$0x15480] =	vst v63  }
0x353: {  	v11 =	vld [tilespmem:s0+$0x141D0];
	_ =	sdelay $0x4  }
0x354: {  	v61 =	vshll.u32 v11, $0x1  }
0x355: {  	v11 =	vand.u32 $0x7, v11;
	v12 =	vand.u32 $0xFFFFFFF0, v61  }
0x356: {  	v11 =	vor.u32 v11, v12  }
0x357: {  	v12 =	vperm.xlane v11, v8;
	_ =	sdelay $0x1  }
0x358: {  	v11 =	vperm.xlane v11, v10;
	v12 =	vadd.s32 v9, v12;
	_ =	sdelay $0x1  }
0x359: {  	v11 =	vadd.s32 v9, v11;
	_ =	sdelay $0x2  }
0x35a: {  	[tilespmem:s18], [sflag:$0x2] =	stream.indirect_vreg.gather [hbm4b:s1+s3], $0x80, v12, vm0, $0xb8;
	[tilespmem:$0x15480] =	vst v63  }
0x35b: {  	_ = 	snop  }
0x35c: {  	[tilespmem:s19], [sflag:$0x2] =	stream.indirect_vreg.gather [hbm4b:s1+s3], $0x80, v11, vm0, $0xb8;
	[tilespmem:$0x15480] =	vst v63  }
0x35d: {  	v11 =	vld [tilespmem:s0+$0x141E0];
	_ =	sdelay $0x4  }
0x35e: {  	v62 =	vshll.u32 v11, $0x1  }
0x35f: {  	v11 =	vand.u32 $0x7, v11;
	v12 =	vand.u32 $0xFFFFFFF0, v62  }
0x360: {  	v11 =	vor.u32 v11, v12  }
0x361: {  	v12 =	vperm.xlane v11, v8;
	_ =	sdelay $0x1  }
0x362: {  	v11 =	vperm.xlane v11, v10;
	v12 =	vadd.s32 v9, v12;
	_ =	sdelay $0x1  }
0x363: {  	v11 =	vadd.s32 v9, v11;
	_ =	sdelay $0x2  }
0x364: {  	[tilespmem:s20], [sflag:$0x2] =	stream.indirect_vreg.gather [hbm4b:s1+s3], $0x80, v12, vm0, $0xb8;
	[tilespmem:$0x15480] =	vst v63  }
0x365: {  	_ = 	snop  }
0x366: {  	[tilespmem:s21], [sflag:$0x2] =	stream.indirect_vreg.gather [hbm4b:s1+s3], $0x80, v11, vm0, $0xb8;
	[tilespmem:$0x15480] =	vst v63  }
0x367: {  	v11 =	vld [tilespmem:s0+$0x141F0];
	_ =	sdelay $0x4  }
0x368: {  	v63 =	vshll.u32 v11, $0x1  }
0x369: {  	v11 =	vand.u32 $0x7, v11;
	v12 =	vand.u32 $0xFFFFFFF0, v63  }
0x36a: {  	v11 =	vor.u32 v11, v12  }
0x36b: {  	v12 =	vperm.xlane v11, v8;
	_ =	sdelay $0x1  }
0x36c: {  	v11 =	vperm.xlane v11, v10;
	v12 =	vadd.s32 v9, v12;
	_ =	sdelay $0x1  }
0x36d: {  	v11 =	vadd.s32 v9, v11  }
.Ltmp6:
0x36e: {  	_ = 	snop;
	(pc) =	sbr.rel .LBB2_4-.Ltmp6, $4  }
0x36f: {  	_ = 	snop  }
0x370: {  	[tilespmem:s22], [sflag:$0x2] =	stream.indirect_vreg.gather [hbm4b:s1+s3], $0x80, v12, vm0, $0xb8;
	[tilespmem:$0x15480] =	vst v63  }
0x371: {  	s29 =	sadd.s32 $0x1, s29;
	s7 =	sadd.s32 $0x100, s7;
	s4 =	sadd.s32 $0x100, s4  }
0x372: {  	[tilespmem:s23], [sflag:$0x2] =	stream.indirect_vreg.gather [hbm4b:s1+s3], $0x80, v11, vm0, $0xb8;
	[tilespmem:$0x15480] =	vst v63  }
.LBB2_11:
0x373: {  	_ =	sfence.sel $0x180000  }
0x374: {  	[bflag:$0x0] =	sbarrier.arrive $0xFFFF  }
0x375: {  	_ =	strace $0x90000047  }
0x376: {  	s0 =	stileid.u32;
	[bflag:$0x2] =	sbarrier.arrive $0xFFFF  }
0x377: {  	p0 =	sne.s32 s0, $0x0;
	s0 =	rddreg [dreg:$0x3]  }
0x378: {  	s0 =	sadd.s32 @!p0 $0x100000, s0  }
0x379: {  	[sflag:s0] =	ssyncadd.tile.s32 @!p0 $0x1;
	_ =	shalt  }
.Lfunc_end2:
_tile_overlayer_lowered:
.L_overlay_start_2:
0x37a: {  	(tag) =	ssettag $0x2  }
0x37b: {  	s0 =	rddreg [dreg:$0x0];
	s2 =	stileid.u32  }
0x37c: {  	s1 =	rddreg [dreg:$0x1];
	p0 =	sne.s32 s2, $0x0  }
0x37d: {  	s3 =	rddreg [dreg:$0x2];
	[bflag:$0x3] =	sbarrier.arrive $0xFFFF;
	s2 =	simm.s32 @!p0 $0x1C05  }
0x37e: {  	[timem:s3], [sflag:s2] =	dma.local @!p0 [hbm:s0], s1  }
0x37f: {  	s0 =	simm.s32 @!p0 $0x5  }
0x380: {  	_ =	swait.ge @!p0 [sflag:s0], s1  }
0x381: {  	s1 =	ssub.s32 @!p0 $0x0, s1;
	[sflag:s0] =	ssyncset.done @!p0 $0x0  }
0x382: {  	[sflag:s0] =	ssyncadd.s32 @!p0 s1  }
0x383: {  	[bflag:$0x3] =	sbarrier.arrive $0xFFFF  }
0x384: {  	_ =	shalt  }

</sc_bundles>
